<compile_context>
chip_gen: v7x
topology: tpu7x:2x2x1
jax: 0.10.2.dev20260603
libtpu: 0.0.44.dev20260713+nightly
codegen_flags: <defaults>
</compile_context>

<pallas_src>
import functools

import jax
import jax.numpy as jnp
from jax import lax
from jax.experimental import pallas as pl
from jax.experimental.pallas import tpu as pltpu
from jax.experimental.pallas import tpu_sc as plsc

N = 10000
NP = 10240
DUMMY = 10008
E = 320000
EP = 327680
CH = 128
PER_TILE = EP // 32
NCHUNK = PER_TILE // CH
NTILE = 16
RPT = NP // NTILE
NBUF = 4
NROUND = NCHUNK // NBUF
D = 128
F1, F2, F3, BN, NC_ = 64, 32, 16, 8, 10
BLK = 1024
NBLK = NP // BLK

_MESH = plsc.VectorSubcoreMesh(core_axis_name="c", subcore_axis_name="s")
_SC_PARAMS = pltpu.CompilerParams(use_tc_tiling_on_sc=False)


@functools.partial(
    pl.kernel,
    mesh=_MESH,
    compiler_params=_SC_PARAMS,
    out_type=jax.ShapeDtypeStruct((2, NP), jnp.float32),
    scratch_types=[
        pltpu.VMEM((NCHUNK, CH), jnp.int32),
        pltpu.VMEM((CH,), jnp.float32),
        pltpu.VMEM_SHARED((NP,), jnp.float32),
        pltpu.SemaphoreType.DMA,
    ],
)
def _deg_sc(dst_hbm, zero_hbm, out_hbm, idx_v, ones_v, acc_sh, sem):
    c = lax.axis_index("c")
    s = lax.axis_index("s")
    wid = c * NTILE + s
    for j in range(CH // 16):
        ones_v[pl.ds(j * 16, 16)] = jnp.ones((16,), jnp.float32)
    pltpu.sync_copy(dst_hbm.at[pl.ds(wid * NCHUNK, NCHUNK)], idx_v)
    pltpu.sync_copy(zero_hbm.at[pl.ds(s * RPT, RPT)],
                    acc_sh.at[pl.ds(s * RPT, RPT)])
    plsc.subcore_barrier()

    def round_body(r, carry):
        for b in range(NBUF):
            pltpu.async_copy(ones_v, acc_sh.at[idx_v.at[r * NBUF + b]], sem,
                             add=True)
        for b in range(NBUF):
            pltpu.make_async_copy(ones_v, acc_sh.at[idx_v.at[0]], sem).wait()
        return carry

    lax.fori_loop(0, NROUND, round_body, 0)
    plsc.subcore_barrier()
    pltpu.sync_copy(acc_sh.at[pl.ds(s * RPT, RPT)],
                    out_hbm.at[c, pl.ds(s * RPT, RPT)])


def _make_agg_sc(F):
    @functools.partial(
        pl.kernel,
        mesh=_MESH,
        compiler_params=_SC_PARAMS,
        out_type=jax.ShapeDtypeStruct((2, NP, F), jnp.float32),
        scratch_types=[
            pltpu.VMEM((NCHUNK, CH), jnp.int32),
            pltpu.VMEM((NCHUNK, CH), jnp.int32),
            [pltpu.VMEM((CH, F), jnp.float32)] * NBUF,
            pltpu.VMEM_SHARED((NP, F), jnp.float32),
            [pltpu.SemaphoreType.DMA] * NBUF,
            [pltpu.SemaphoreType.DMA] * NBUF,
        ],
    )
    def agg(g_hbm, zero_hbm, src_hbm, dst_hbm, out_hbm,
            src_v, dst_v, rows, acc_sh, gsem, ssem):
        c = lax.axis_index("c")
        s = lax.axis_index("s")
        wid = c * NTILE + s
        pltpu.sync_copy(src_hbm.at[pl.ds(wid * NCHUNK, NCHUNK)], src_v)
        pltpu.sync_copy(dst_hbm.at[pl.ds(wid * NCHUNK, NCHUNK)], dst_v)
        pltpu.sync_copy(zero_hbm.at[pl.ds(s * RPT, RPT)],
                        acc_sh.at[pl.ds(s * RPT, RPT)])
        plsc.subcore_barrier()

        def chunk(i, b, wait_scatter):
            if wait_scatter:
                pltpu.make_async_copy(rows[b], acc_sh.at[dst_v.at[0]],
                                      ssem[b]).wait()
            pltpu.async_copy(g_hbm.at[src_v.at[i]], rows[b], gsem[b]).wait()
            pltpu.async_copy(rows[b], acc_sh.at[dst_v.at[i]], ssem[b],
                             add=True)

        for b in range(NBUF):
            chunk(b, b, False)

        def round_body(r, carry):
            for b in range(NBUF):
                chunk(r * NBUF + b, b, True)
            return carry

        lax.fori_loop(1, NROUND, round_body, 0)
        for b in range(NBUF):
            pltpu.make_async_copy(rows[b], acc_sh.at[dst_v.at[0]],
                                  ssem[b]).wait()
        plsc.subcore_barrier()
        pltpu.sync_copy(acc_sh.at[pl.ds(s * RPT, RPT)],
                        out_hbm.at[c, pl.ds(s * RPT, RPT)])

    return agg


_agg64 = _make_agg_sc(F1)
_agg32 = _make_agg_sc(F2)
_agg16 = _make_agg_sc(F3)


def _mm1_body(degT_ref, selfd_ref, x_ref, w_ref, g_ref, dinv_ref):
    d = degT_ref[:, 0:1] + degT_ref[:, 1:2] + selfd_ref[...]
    dinv = jnp.where(d > 0, lax.rsqrt(jnp.maximum(d, 1e-12)),
                     jnp.zeros_like(d))
    dinv_ref[...] = dinv
    h = jnp.dot(x_ref[...], w_ref[...], preferred_element_type=jnp.float32)
    g_ref[...] = h * dinv


def _mm1_tc(degT, selfd, xp, W1):
    return pl.pallas_call(
        _mm1_body,
        grid=(NBLK,),
        in_specs=[pl.BlockSpec((BLK, 2), lambda i: (i, 0)),
                  pl.BlockSpec((BLK, 1), lambda i: (i, 0)),
                  pl.BlockSpec((BLK, D), lambda i: (i, 0)),
                  pl.BlockSpec((D, F1), lambda i: (0, 0))],
        out_specs=[pl.BlockSpec((BLK, F1), lambda i: (i, 0)),
                   pl.BlockSpec((BLK, 1), lambda i: (i, 0))],
        out_shape=[jax.ShapeDtypeStruct((NP, F1), jnp.float32),
                   jax.ShapeDtypeStruct((NP, 1), jnp.float32)],
    )(degT, selfd, xp, W1)


def _layer_body(p_ref, g_ref, dinv_ref, b_ref, w_ref, o_ref):
    sfull = p_ref[0] + p_ref[1] + g_ref[...]
    h = jnp.maximum(sfull * dinv_ref[...] + b_ref[...], 0.0)
    o_ref[...] = jnp.dot(h, w_ref[...],
                         preferred_element_type=jnp.float32) * dinv_ref[...]


def _layer_tc(parts, g, dinv, b, W, F, Fn):
    return pl.pallas_call(
        _layer_body,
        grid=(NBLK,),
        in_specs=[pl.BlockSpec((2, BLK, F), lambda i: (0, i, 0)),
                  pl.BlockSpec((BLK, F), lambda i: (i, 0)),
                  pl.BlockSpec((BLK, 1), lambda i: (i, 0)),
                  pl.BlockSpec((1, F), lambda i: (0, 0)),
                  pl.BlockSpec((F, Fn), lambda i: (0, 0))],
        out_specs=pl.BlockSpec((BLK, Fn), lambda i: (i, 0)),
        out_shape=jax.ShapeDtypeStruct((NP, Fn), jnp.float32),
    )(parts, g, dinv, b, W)


def _pool_head_body(p_ref, g_ref, dinv_ref, b_ref, nb_ref,
                    wfc_ref, bfc_ref, wsc_ref, bsc_ref,
                    pool_ref, o_ref):
    i = pl.program_id(0)
    sfull = p_ref[0] + p_ref[1] + g_ref[...]
    h = jnp.maximum(sfull * dinv_ref[...] + b_ref[...], 0.0)
    contrib = jnp.sum(h * nb_ref[...], axis=0, keepdims=True)

    @pl.when(i == 0)
    def _():
        pool_ref[...] = jnp.zeros_like(pool_ref)

    pool_ref[...] += contrib

    @pl.when(i == NBLK - 1)
    def _():
        pooled = pool_ref[...] * (1.0 / N)
        fc = jnp.maximum(
            jnp.dot(pooled, wfc_ref[...], preferred_element_type=jnp.float32)
            + bfc_ref[...], 0.0)
        sc = (jnp.dot(fc, wsc_ref[...], preferred_element_type=jnp.float32)
              + bsc_ref[...])
        m = jnp.max(sc, axis=1, keepdims=True)
        z = sc - m
        o_ref[...] = z - jnp.log(jnp.sum(jnp.exp(z), axis=1, keepdims=True))


def _pool_head_tc(parts, g, dinv, b, nb, Wfc, bfc, Wsc, bsc):
    _, out = pl.pallas_call(
        _pool_head_body,
        grid=(NBLK,),
        in_specs=[pl.BlockSpec((2, BLK, F3), lambda i: (0, i, 0)),
                  pl.BlockSpec((BLK, F3), lambda i: (i, 0)),
                  pl.BlockSpec((BLK, 1), lambda i: (i, 0)),
                  pl.BlockSpec((1, F3), lambda i: (0, 0)),
                  pl.BlockSpec((BLK, 1), lambda i: (i, 0)),
                  pl.BlockSpec((F3, BN), lambda i: (0, 0)),
                  pl.BlockSpec((1, BN), lambda i: (0, 0)),
                  pl.BlockSpec((BN, NC_), lambda i: (0, 0)),
                  pl.BlockSpec((1, NC_), lambda i: (0, 0))],
        out_specs=[pl.BlockSpec((1, F3), lambda i: (0, 0)),
                   pl.BlockSpec((1, NC_), lambda i: (0, 0))],
        out_shape=[jax.ShapeDtypeStruct((1, F3), jnp.float32),
                   jax.ShapeDtypeStruct((1, NC_), jnp.float32)],
    )(parts, g, dinv, b, nb, Wfc, bfc, Wsc, bsc)
    return out


def kernel(adj, features, neighbors, W1, b1, W2, b2, W3, b3, Wfc, bfc, Wsc, bsc):
    src = adj[0].astype(jnp.int32)
    dst = adj[1].astype(jnp.int32)
    pad = EP - E
    srcp = jnp.concatenate([src, jnp.zeros((pad,), jnp.int32)])
    dstp = jnp.concatenate([dst, jnp.full((pad,), DUMMY, jnp.int32)])
    src2 = srcp.reshape(EP // CH, CH)
    dst2 = dstp.reshape(EP // CH, CH)
    xp = jnp.zeros((NP, D), jnp.float32).at[:N].set(features)
    z1 = jnp.zeros((NP,), jnp.float32)
    z64 = jnp.zeros((NP, F1), jnp.float32)
    z32 = jnp.zeros((NP, F2), jnp.float32)
    z16 = jnp.zeros((NP, F3), jnp.float32)
    selfd = jnp.zeros((NP, 1), jnp.float32).at[:N].set(1.0)
    nbf = jnp.zeros((NP, 1), jnp.float32).at[:N, 0].set(
        neighbors.astype(jnp.float32))

    deg_parts = _deg_sc(dst2, z1)
    g1, dinv = _mm1_tc(jnp.transpose(deg_parts), selfd, xp, W1)
    p1 = _agg64(g1, z64, src2, dst2)
    g2 = _layer_tc(p1, g1, dinv, b1.reshape(1, -1), W2, F1, F2)
    p2 = _agg32(g2, z32, src2, dst2)
    g3 = _layer_tc(p2, g2, dinv, b2.reshape(1, -1), W3, F2, F3)
    p3 = _agg16(g3, z16, src2, dst2)
    return _pool_head_tc(p3, g3, dinv, b3.reshape(1, -1), nbf,
                         Wfc, bfc.reshape(1, -1), Wsc, bsc.reshape(1, -1))

# --- scband reference (transcript-rebuilt; emitter-appended) ---
"""Pipeline reference for scband-gcn-att-v3-67937792688719 (READ-ONLY COPY).

The authoritative reference and input builder live on the scoring server;
editing this copy changes nothing except your own understanding.
"""

import jax, jax.numpy as jnp
import numpy as np

N_NODES = 10000
N_EDGES = 320000
D_FEAT = 128
F1, F2, F3, BN, NC = 64, 32, 16, 8, 10


def setup_inputs(seed: int = 0) -> dict:
    key = jax.random.key(seed)
    ks = jax.random.split(key, 16)
    adj = jax.random.randint(ks[0], (2, N_EDGES), 0, N_NODES, dtype=jnp.int64)
    features = jax.random.normal(ks[1], (N_NODES, D_FEAT), dtype=jnp.float32)
    neighbors = jax.random.randint(ks[2], (N_NODES,), 0, 64, dtype=jnp.int64)
    W1 = jax.random.normal(ks[3], (D_FEAT, F1), dtype=jnp.float32) * (1.0 / np.sqrt(D_FEAT))
    b1 = jnp.zeros((F1,), jnp.float32)
    W2 = jax.random.normal(ks[4], (F1, F2), dtype=jnp.float32) * (1.0 / np.sqrt(F1))
    b2 = jnp.zeros((F2,), jnp.float32)
    W3 = jax.random.normal(ks[5], (F2, F3), dtype=jnp.float32) * (1.0 / np.sqrt(F2))
    b3 = jnp.zeros((F3,), jnp.float32)
    Wfc = jax.random.normal(ks[6], (F3, BN), dtype=jnp.float32) * (1.0 / np.sqrt(F3))
    bfc = jnp.zeros((BN,), jnp.float32)
    Wsc = jax.random.normal(ks[7], (BN, NC), dtype=jnp.float32) * (1.0 / np.sqrt(BN))
    bsc = jnp.zeros((NC,), jnp.float32)
    return {"adj": adj, "features": features, "neighbors": neighbors,
            "W1": W1, "b1": b1, "W2": W2, "b2": b2, "W3": W3, "b3": b3,
            "Wfc": Wfc, "bfc": bfc, "Wsc": Wsc, "bsc": bsc}


def _gcn_conv(x, src, dst, W, b, n):
    # torch_geometric-style GCNConv: linear, symmetric-normalized scatter-add aggregation, bias
    h = x @ W
    deg = jnp.zeros((n,), jnp.float32).at[dst].add(1.0)
    dinv = jnp.where(deg > 0, 1.0 / jnp.sqrt(jnp.maximum(deg, 1e-12)), 0.0)
    norm = dinv[src] * dinv[dst]
    msg = h[src] * norm[:, None]
    out = jnp.zeros((n, h.shape[1]), h.dtype).at[dst].add(msg)
    return out + b


def reference(adj, features, neighbors, W1, b1, W2, b2, W3, b3, Wfc, bfc, Wsc, bsc):
    n = features.shape[0]
    loop = jnp.arange(n, dtype=adj.dtype)
    src = jnp.concatenate([adj[0], loop])
    dst = jnp.concatenate([adj[1], loop])
    h = jax.nn.relu(_gcn_conv(features, src, dst, W1, b1, n))
    h = jax.nn.relu(_gcn_conv(h, src, dst, W2, b2, n))
    h = jax.nn.relu(_gcn_conv(h, src, dst, W3, b3, n))
    degrees = neighbors.astype(jnp.float32)
    pooled = jnp.mean(h * degrees[:, None], axis=0)
    pooled = pooled[None, :]
    s = jax.nn.relu(pooled @ Wfc + bfc)
    s = s @ Wsc + bsc
    return jax.nn.log_softmax(s, axis=1)

if __name__ == "__main__":
    import jax
    _d = setup_inputs()
    print(jax.jit(kernel)(*tuple(_d.values())))

</pallas_src>

<mosaic_0001>
#map = affine_map<(d0, d1) -> (0, 0)>
#map1 = affine_map<(d0, d1) -> (0, 0, 0)>
module attributes {stable_mosaic.version = 14 : i64} {
  func.func @agg(%arg0: i32, %arg1: i32, %arg2: memref<10240x16xf32, #tpu.memory_space<hbm>>, %arg3: memref<10240x16xf32, #tpu.memory_space<hbm>>, %arg4: memref<2560x128xi32, #tpu.memory_space<hbm>>, %arg5: memref<2560x128xi32, #tpu.memory_space<hbm>>, %arg6: memref<2x10240x16xf32, #tpu.memory_space<hbm>>, %arg7: memref<80x128xi32, #tpu.memory_space<vmem>>, %arg8: memref<80x128xi32, #tpu.memory_space<vmem>>, %arg9: memref<128x16xf32, #tpu.memory_space<vmem>>, %arg10: memref<128x16xf32, #tpu.memory_space<vmem>>, %arg11: memref<128x16xf32, #tpu.memory_space<vmem>>, %arg12: memref<128x16xf32, #tpu.memory_space<vmem>>, %arg13: memref<10240x16xf32, #tpu.memory_space<vmem_shared>>, %arg14: memref<!tpu.dma_semaphore, #tpu.memory_space<semaphore_mem>>, %arg15: memref<!tpu.dma_semaphore, #tpu.memory_space<semaphore_mem>>, %arg16: memref<!tpu.dma_semaphore, #tpu.memory_space<semaphore_mem>>, %arg17: memref<!tpu.dma_semaphore, #tpu.memory_space<semaphore_mem>>, %arg18: memref<!tpu.dma_semaphore, #tpu.memory_space<semaphore_mem>>, %arg19: memref<!tpu.dma_semaphore, #tpu.memory_space<semaphore_mem>>, %arg20: memref<!tpu.dma_semaphore, #tpu.memory_space<semaphore_mem>>, %arg21: memref<!tpu.dma_semaphore, #tpu.memory_space<semaphore_mem>>) attributes {dimension_semantics = [#tpu.dimension_semantics<core_parallel>, #tpu.dimension_semantics<subcore_parallel>], iteration_bounds = array<i64: 2, 16>, scalar_prefetch = 0 : i64, scratch_operands = 15 : i64, tpu.core_type = #tpu.core_type<sc_vector_subcore>, window_params = [{transform_indices = #map}, {transform_indices = #map}, {transform_indices = #map}, {transform_indices = #map}, {transform_indices = #map1}]} {
    %mul3A = arith.constant 16 : i32
    %mul3A_0 = arith.muli %arg0, %mul3A : i32
    %add3A = arith.addi %mul3A_0, %arg1 : i32
    %mul3A_1 = arith.constant 80 : i32
    %mul3A_2 = arith.muli %add3A, %mul3A_1 : i32
    "tpu.region"() ({
      %run_scoped3A = tpu.sem_alloc : memref<!tpu.dma_semaphore, #tpu.memory_space<semaphore_mem>>
      %dma_start3A_129 = arith.constant 0 : i32
      %dma_start3A_130 = tpu.memref_slice %arg4[%mul3A_2, %dma_start3A_129] : memref<2560x128xi32, #tpu.memory_space<hbm>> -> memref<80x128xi32, #tpu.memory_space<hbm>>
      %dma_start3A_131 = arith.constant 0 : i32
      %dma_start3A_132 = tpu.memref_slice %arg4[%mul3A_2, %dma_start3A_131] : memref<2560x128xi32, #tpu.memory_space<hbm>> -> memref<80x128xi32, #tpu.memory_space<hbm>>
      tpu.enqueue_dma source(%dma_start3A_132 : memref<80x128xi32, #tpu.memory_space<hbm>>) target(%arg7 : memref<80x128xi32, #tpu.memory_space<vmem>>) target_semaphore(%run_scoped3A : memref<!tpu.dma_semaphore, #tpu.memory_space<semaphore_mem>>)
      %dma_wait3A_133 = arith.constant 0 : i32
      %dma_wait3A_134 = tpu.memref_slice %arg4[%mul3A_2, %dma_wait3A_133] : memref<2560x128xi32, #tpu.memory_space<hbm>> -> memref<80x128xi32, #tpu.memory_space<hbm>>
      %dma_wait3A_135 = arith.constant 0 : i32
      %dma_wait3A_136 = tpu.memref_slice %arg4[%mul3A_2, %dma_wait3A_135] : memref<2560x128xi32, #tpu.memory_space<hbm>> -> memref<80x128xi32, #tpu.memory_space<hbm>>
      tpu.wait_dma2 semaphore(%run_scoped3A : memref<!tpu.dma_semaphore, #tpu.memory_space<semaphore_mem>>) src(%dma_wait3A_136 : memref<80x128xi32, #tpu.memory_space<hbm>>) dst(%arg7 : memref<80x128xi32, #tpu.memory_space<vmem>>)
      tpu.yield
    }) : () -> ()
    %mul3A_3 = arith.constant 80 : i32
    %mul3A_4 = arith.muli %add3A, %mul3A_3 : i32
    "tpu.region"() ({
      %run_scoped3A = tpu.sem_alloc : memref<!tpu.dma_semaphore, #tpu.memory_space<semaphore_mem>>
      %dma_start3A_129 = arith.constant 0 : i32
      %dma_start3A_130 = tpu.memref_slice %arg5[%mul3A_4, %dma_start3A_129] : memref<2560x128xi32, #tpu.memory_space<hbm>> -> memref<80x128xi32, #tpu.memory_space<hbm>>
      %dma_start3A_131 = arith.constant 0 : i32
      %dma_start3A_132 = tpu.memref_slice %arg5[%mul3A_4, %dma_start3A_131] : memref<2560x128xi32, #tpu.memory_space<hbm>> -> memref<80x128xi32, #tpu.memory_space<hbm>>
      tpu.enqueue_dma source(%dma_start3A_132 : memref<80x128xi32, #tpu.memory_space<hbm>>) target(%arg8 : memref<80x128xi32, #tpu.memory_space<vmem>>) target_semaphore(%run_scoped3A : memref<!tpu.dma_semaphore, #tpu.memory_space<semaphore_mem>>)
      %dma_wait3A_133 = arith.constant 0 : i32
      %dma_wait3A_134 = tpu.memref_slice %arg5[%mul3A_4, %dma_wait3A_133] : memref<2560x128xi32, #tpu.memory_space<hbm>> -> memref<80x128xi32, #tpu.memory_space<hbm>>
      %dma_wait3A_135 = arith.constant 0 : i32
      %dma_wait3A_136 = tpu.memref_slice %arg5[%mul3A_4, %dma_wait3A_135] : memref<2560x128xi32, #tpu.memory_space<hbm>> -> memref<80x128xi32, #tpu.memory_space<hbm>>
      tpu.wait_dma2 semaphore(%run_scoped3A : memref<!tpu.dma_semaphore, #tpu.memory_space<semaphore_mem>>) src(%dma_wait3A_136 : memref<80x128xi32, #tpu.memory_space<hbm>>) dst(%arg8 : memref<80x128xi32, #tpu.memory_space<vmem>>)
      tpu.yield
    }) : () -> ()
    %mul3A_5 = arith.constant 640 : i32
    %mul3A_6 = arith.muli %arg1, %mul3A_5 : i32
    %mul3A_7 = arith.constant 640 : i32
    %mul3A_8 = arith.muli %arg1, %mul3A_7 : i32
    "tpu.region"() ({
      %run_scoped3A = tpu.sem_alloc : memref<!tpu.dma_semaphore, #tpu.memory_space<semaphore_mem>>
      %dma_start3A_129 = arith.constant 0 : i32
      %dma_start3A_130 = tpu.memref_slice %arg13[%mul3A_8, %dma_start3A_129] : memref<10240x16xf32, #tpu.memory_space<vmem_shared>> -> memref<640x16xf32, #tpu.memory_space<vmem_shared>>
      %dma_start3A_131 = arith.constant 0 : i32
      %dma_start3A_132 = tpu.memref_slice %arg3[%mul3A_6, %dma_start3A_131] : memref<10240x16xf32, #tpu.memory_space<hbm>> -> memref<640x16xf32, #tpu.memory_space<hbm>>
      tpu.enqueue_dma source(%dma_start3A_132 : memref<640x16xf32, #tpu.memory_space<hbm>>) target(%dma_start3A_130 : memref<640x16xf32, #tpu.memory_space<vmem_shared>>) target_semaphore(%run_scoped3A : memref<!tpu.dma_semaphore, #tpu.memory_space<semaphore_mem>>)
      %dma_wait3A_133 = arith.constant 0 : i32
      %dma_wait3A_134 = tpu.memref_slice %arg13[%mul3A_8, %dma_wait3A_133] : memref<10240x16xf32, #tpu.memory_space<vmem_shared>> -> memref<640x16xf32, #tpu.memory_space<vmem_shared>>
      %dma_wait3A_135 = arith.constant 0 : i32
      %dma_wait3A_136 = tpu.memref_slice %arg3[%mul3A_6, %dma_wait3A_135] : memref<10240x16xf32, #tpu.memory_space<hbm>> -> memref<640x16xf32, #tpu.memory_space<hbm>>
      tpu.wait_dma2 semaphore(%run_scoped3A : memref<!tpu.dma_semaphore, #tpu.memory_space<semaphore_mem>>) src(%dma_wait3A_136 : memref<640x16xf32, #tpu.memory_space<hbm>>) dst(%dma_wait3A_134 : memref<640x16xf32, #tpu.memory_space<vmem_shared>>)
      tpu.yield
    }) : () -> ()
    %barrier3A = arith.constant 0 : index
    tpu.barrier barrier_id(%barrier3A)
    %dma_start3A = arith.constant 0 : i32
    %dma_start3A_9 = arith.constant 0 : i32
    %dma_start3A_10 = tpu.memref_slice %arg7[%dma_start3A, %dma_start3A_9] : memref<80x128xi32, #tpu.memory_space<vmem>> -> memref<1x128xi32, #tpu.memory_space<vmem>>
    %dma_start3A_11 = tpu.memref_squeeze %dma_start3A_10 : memref<1x128xi32, #tpu.memory_space<vmem>> -> memref<128xi32, #tpu.memory_space<vmem>>
    %dma_start3A_12 = arith.constant 0 : i32
    %dma_start3A_13 = arith.constant 0 : i32
    %dma_start3A_14 = tpu.memref_slice %arg2[%dma_start3A_12, %dma_start3A_13] : memref<10240x16xf32, #tpu.memory_space<hbm>> -> memref<10240x16xf32, #tpu.memory_space<hbm>>
    tpu.enqueue_indirect_dma source(%dma_start3A_14 : memref<10240x16xf32, #tpu.memory_space<hbm>>) target(%arg9 : memref<128x16xf32, #tpu.memory_space<vmem>>) offsets(%dma_start3A_11 : memref<128xi32, #tpu.memory_space<vmem>>) semaphore(%arg14 : memref<!tpu.dma_semaphore, #tpu.memory_space<semaphore_mem>>)
    %dma_wait3A = arith.constant 0 : i32
    %dma_wait3A_15 = arith.constant 0 : i32
    %dma_wait3A_16 = tpu.memref_slice %arg7[%dma_wait3A, %dma_wait3A_15] : memref<80x128xi32, #tpu.memory_space<vmem>> -> memref<1x128xi32, #tpu.memory_space<vmem>>
    %dma_wait3A_17 = tpu.memref_squeeze %dma_wait3A_16 : memref<1x128xi32, #tpu.memory_space<vmem>> -> memref<128xi32, #tpu.memory_space<vmem>>
    %dma_wait3A_18 = arith.constant 0 : i32
    %dma_wait3A_19 = arith.constant 0 : i32
    %dma_wait3A_20 = tpu.memref_slice %arg2[%dma_wait3A_18, %dma_wait3A_19] : memref<10240x16xf32, #tpu.memory_space<hbm>> -> memref<10240x16xf32, #tpu.memory_space<hbm>>
    tpu.wait_indirect_dma semaphore(%arg14 : memref<!tpu.dma_semaphore, #tpu.memory_space<semaphore_mem>>) src(%dma_wait3A_20 : memref<10240x16xf32, #tpu.memory_space<hbm>>) dst(%arg9 : memref<128x16xf32, #tpu.memory_space<vmem>>)
    %dma_start3A_21 = arith.constant 0 : i32
    %dma_start3A_22 = arith.constant 0 : i32
    %dma_start3A_23 = tpu.memref_slice %arg8[%dma_start3A_21, %dma_start3A_22] : memref<80x128xi32, #tpu.memory_space<vmem>> -> memref<1x128xi32, #tpu.memory_space<vmem>>
    %dma_start3A_24 = tpu.memref_squeeze %dma_start3A_23 : memref<1x128xi32, #tpu.memory_space<vmem>> -> memref<128xi32, #tpu.memory_space<vmem>>
    %dma_start3A_25 = arith.constant 0 : i32
    %dma_start3A_26 = arith.constant 0 : i32
    %dma_start3A_27 = tpu.memref_slice %arg13[%dma_start3A_25, %dma_start3A_26] : memref<10240x16xf32, #tpu.memory_space<vmem_shared>> -> memref<10240x16xf32, #tpu.memory_space<vmem_shared>>
    tpu.enqueue_indirect_dma source(%arg9 : memref<128x16xf32, #tpu.memory_space<vmem>>) target(%dma_start3A_27 : memref<10240x16xf32, #tpu.memory_space<vmem_shared>>) offsets(%dma_start3A_24 : memref<128xi32, #tpu.memory_space<vmem>>) semaphore(%arg18 : memref<!tpu.dma_semaphore, #tpu.memory_space<semaphore_mem>>) {add = true}
    %dma_start3A_28 = arith.constant 1 : i32
    %dma_start3A_29 = arith.constant 0 : i32
    %dma_start3A_30 = tpu.memref_slice %arg7[%dma_start3A_28, %dma_start3A_29] : memref<80x128xi32, #tpu.memory_space<vmem>> -> memref<1x128xi32, #tpu.memory_space<vmem>>
    %dma_start3A_31 = tpu.memref_squeeze %dma_start3A_30 : memref<1x128xi32, #tpu.memory_space<vmem>> -> memref<128xi32, #tpu.memory_space<vmem>>
    %dma_start3A_32 = arith.constant 0 : i32
    %dma_start3A_33 = arith.constant 0 : i32
    %dma_start3A_34 = tpu.memref_slice %arg2[%dma_start3A_32, %dma_start3A_33] : memref<10240x16xf32, #tpu.memory_space<hbm>> -> memref<10240x16xf32, #tpu.memory_space<hbm>>
    tpu.enqueue_indirect_dma source(%dma_start3A_34 : memref<10240x16xf32, #tpu.memory_space<hbm>>) target(%arg10 : memref<128x16xf32, #tpu.memory_space<vmem>>) offsets(%dma_start3A_31 : memref<128xi32, #tpu.memory_space<vmem>>) semaphore(%arg15 : memref<!tpu.dma_semaphore, #tpu.memory_space<semaphore_mem>>)
    %dma_wait3A_35 = arith.constant 1 : i32
    %dma_wait3A_36 = arith.constant 0 : i32
    %dma_wait3A_37 = tpu.memref_slice %arg7[%dma_wait3A_35, %dma_wait3A_36] : memref<80x128xi32, #tpu.memory_space<vmem>> -> memref<1x128xi32, #tpu.memory_space<vmem>>
    %dma_wait3A_38 = tpu.memref_squeeze %dma_wait3A_37 : memref<1x128xi32, #tpu.memory_space<vmem>> -> memref<128xi32, #tpu.memory_space<vmem>>
    %dma_wait3A_39 = arith.constant 0 : i32
    %dma_wait3A_40 = arith.constant 0 : i32
    %dma_wait3A_41 = tpu.memref_slice %arg2[%dma_wait3A_39, %dma_wait3A_40] : memref<10240x16xf32, #tpu.memory_space<hbm>> -> memref<10240x16xf32, #tpu.memory_space<hbm>>
    tpu.wait_indirect_dma semaphore(%arg15 : memref<!tpu.dma_semaphore, #tpu.memory_space<semaphore_mem>>) src(%dma_wait3A_41 : memref<10240x16xf32, #tpu.memory_space<hbm>>) dst(%arg10 : memref<128x16xf32, #tpu.memory_space<vmem>>)
    %dma_start3A_42 = arith.constant 1 : i32
    %dma_start3A_43 = arith.constant 0 : i32
    %dma_start3A_44 = tpu.memref_slice %arg8[%dma_start3A_42, %dma_start3A_43] : memref<80x128xi32, #tpu.memory_space<vmem>> -> memref<1x128xi32, #tpu.memory_space<vmem>>
    %dma_start3A_45 = tpu.memref_squeeze %dma_start3A_44 : memref<1x128xi32, #tpu.memory_space<vmem>> -> memref<128xi32, #tpu.memory_space<vmem>>
    %dma_start3A_46 = arith.constant 0 : i32
    %dma_start3A_47 = arith.constant 0 : i32
    %dma_start3A_48 = tpu.memref_slice %arg13[%dma_start3A_46, %dma_start3A_47] : memref<10240x16xf32, #tpu.memory_space<vmem_shared>> -> memref<10240x16xf32, #tpu.memory_space<vmem_shared>>
    tpu.enqueue_indirect_dma source(%arg10 : memref<128x16xf32, #tpu.memory_space<vmem>>) target(%dma_start3A_48 : memref<10240x16xf32, #tpu.memory_space<vmem_shared>>) offsets(%dma_start3A_45 : memref<128xi32, #tpu.memory_space<vmem>>) semaphore(%arg19 : memref<!tpu.dma_semaphore, #tpu.memory_space<semaphore_mem>>) {add = true}
    %dma_start3A_49 = arith.constant 2 : i32
    %dma_start3A_50 = arith.constant 0 : i32
    %dma_start3A_51 = tpu.memref_slice %arg7[%dma_start3A_49, %dma_start3A_50] : memref<80x128xi32, #tpu.memory_space<vmem>> -> memref<1x128xi32, #tpu.memory_space<vmem>>
    %dma_start3A_52 = tpu.memref_squeeze %dma_start3A_51 : memref<1x128xi32, #tpu.memory_space<vmem>> -> memref<128xi32, #tpu.memory_space<vmem>>
    %dma_start3A_53 = arith.constant 0 : i32
    %dma_start3A_54 = arith.constant 0 : i32
    %dma_start3A_55 = tpu.memref_slice %arg2[%dma_start3A_53, %dma_start3A_54] : memref<10240x16xf32, #tpu.memory_space<hbm>> -> memref<10240x16xf32, #tpu.memory_space<hbm>>
    tpu.enqueue_indirect_dma source(%dma_start3A_55 : memref<10240x16xf32, #tpu.memory_space<hbm>>) target(%arg11 : memref<128x16xf32, #tpu.memory_space<vmem>>) offsets(%dma_start3A_52 : memref<128xi32, #tpu.memory_space<vmem>>) semaphore(%arg16 : memref<!tpu.dma_semaphore, #tpu.memory_space<semaphore_mem>>)
    %dma_wait3A_56 = arith.constant 2 : i32
    %dma_wait3A_57 = arith.constant 0 : i32
    %dma_wait3A_58 = tpu.memref_slice %arg7[%dma_wait3A_56, %dma_wait3A_57] : memref<80x128xi32, #tpu.memory_space<vmem>> -> memref<1x128xi32, #tpu.memory_space<vmem>>
    %dma_wait3A_59 = tpu.memref_squeeze %dma_wait3A_58 : memref<1x128xi32, #tpu.memory_space<vmem>> -> memref<128xi32, #tpu.memory_space<vmem>>
    %dma_wait3A_60 = arith.constant 0 : i32
    %dma_wait3A_61 = arith.constant 0 : i32
    %dma_wait3A_62 = tpu.memref_slice %arg2[%dma_wait3A_60, %dma_wait3A_61] : memref<10240x16xf32, #tpu.memory_space<hbm>> -> memref<10240x16xf32, #tpu.memory_space<hbm>>
    tpu.wait_indirect_dma semaphore(%arg16 : memref<!tpu.dma_semaphore, #tpu.memory_space<semaphore_mem>>) src(%dma_wait3A_62 : memref<10240x16xf32, #tpu.memory_space<hbm>>) dst(%arg11 : memref<128x16xf32, #tpu.memory_space<vmem>>)
    %dma_start3A_63 = arith.constant 2 : i32
    %dma_start3A_64 = arith.constant 0 : i32
    %dma_start3A_65 = tpu.memref_slice %arg8[%dma_start3A_63, %dma_start3A_64] : memref<80x128xi32, #tpu.memory_space<vmem>> -> memref<1x128xi32, #tpu.memory_space<vmem>>
    %dma_start3A_66 = tpu.memref_squeeze %dma_start3A_65 : memref<1x128xi32, #tpu.memory_space<vmem>> -> memref<128xi32, #tpu.memory_space<vmem>>
    %dma_start3A_67 = arith.constant 0 : i32
    %dma_start3A_68 = arith.constant 0 : i32
    %dma_start3A_69 = tpu.memref_slice %arg13[%dma_start3A_67, %dma_start3A_68] : memref<10240x16xf32, #tpu.memory_space<vmem_shared>> -> memref<10240x16xf32, #tpu.memory_space<vmem_shared>>
    tpu.enqueue_indirect_dma source(%arg11 : memref<128x16xf32, #tpu.memory_space<vmem>>) target(%dma_start3A_69 : memref<10240x16xf32, #tpu.memory_space<vmem_shared>>) offsets(%dma_start3A_66 : memref<128xi32, #tpu.memory_space<vmem>>) semaphore(%arg20 : memref<!tpu.dma_semaphore, #tpu.memory_space<semaphore_mem>>) {add = true}
    %dma_start3A_70 = arith.constant 3 : i32
    %dma_start3A_71 = arith.constant 0 : i32
    %dma_start3A_72 = tpu.memref_slice %arg7[%dma_start3A_70, %dma_start3A_71] : memref<80x128xi32, #tpu.memory_space<vmem>> -> memref<1x128xi32, #tpu.memory_space<vmem>>
    %dma_start3A_73 = tpu.memref_squeeze %dma_start3A_72 : memref<1x128xi32, #tpu.memory_space<vmem>> -> memref<128xi32, #tpu.memory_space<vmem>>
    %dma_start3A_74 = arith.constant 0 : i32
    %dma_start3A_75 = arith.constant 0 : i32
    %dma_start3A_76 = tpu.memref_slice %arg2[%dma_start3A_74, %dma_start3A_75] : memref<10240x16xf32, #tpu.memory_space<hbm>> -> memref<10240x16xf32, #tpu.memory_space<hbm>>
    tpu.enqueue_indirect_dma source(%dma_start3A_76 : memref<10240x16xf32, #tpu.memory_space<hbm>>) target(%arg12 : memref<128x16xf32, #tpu.memory_space<vmem>>) offsets(%dma_start3A_73 : memref<128xi32, #tpu.memory_space<vmem>>) semaphore(%arg17 : memref<!tpu.dma_semaphore, #tpu.memory_space<semaphore_mem>>)
    %dma_wait3A_77 = arith.constant 3 : i32
    %dma_wait3A_78 = arith.constant 0 : i32
    %dma_wait3A_79 = tpu.memref_slice %arg7[%dma_wait3A_77, %dma_wait3A_78] : memref<80x128xi32, #tpu.memory_space<vmem>> -> memref<1x128xi32, #tpu.memory_space<vmem>>
    %dma_wait3A_80 = tpu.memref_squeeze %dma_wait3A_79 : memref<1x128xi32, #tpu.memory_space<vmem>> -> memref<128xi32, #tpu.memory_space<vmem>>
    %dma_wait3A_81 = arith.constant 0 : i32
    %dma_wait3A_82 = arith.constant 0 : i32
    %dma_wait3A_83 = tpu.memref_slice %arg2[%dma_wait3A_81, %dma_wait3A_82] : memref<10240x16xf32, #tpu.memory_space<hbm>> -> memref<10240x16xf32, #tpu.memory_space<hbm>>
    tpu.wait_indirect_dma semaphore(%arg17 : memref<!tpu.dma_semaphore, #tpu.memory_space<semaphore_mem>>) src(%dma_wait3A_83 : memref<10240x16xf32, #tpu.memory_space<hbm>>) dst(%arg12 : memref<128x16xf32, #tpu.memory_space<vmem>>)
    %dma_start3A_84 = arith.constant 3 : i32
    %dma_start3A_85 = arith.constant 0 : i32
    %dma_start3A_86 = tpu.memref_slice %arg8[%dma_start3A_84, %dma_start3A_85] : memref<80x128xi32, #tpu.memory_space<vmem>> -> memref<1x128xi32, #tpu.memory_space<vmem>>
    %dma_start3A_87 = tpu.memref_squeeze %dma_start3A_86 : memref<1x128xi32, #tpu.memory_space<vmem>> -> memref<128xi32, #tpu.memory_space<vmem>>
    %dma_start3A_88 = arith.constant 0 : i32
    %dma_start3A_89 = arith.constant 0 : i32
    %dma_start3A_90 = tpu.memref_slice %arg13[%dma_start3A_88, %dma_start3A_89] : memref<10240x16xf32, #tpu.memory_space<vmem_shared>> -> memref<10240x16xf32, #tpu.memory_space<vmem_shared>>
    tpu.enqueue_indirect_dma source(%arg12 : memref<128x16xf32, #tpu.memory_space<vmem>>) target(%dma_start3A_90 : memref<10240x16xf32, #tpu.memory_space<vmem_shared>>) offsets(%dma_start3A_87 : memref<128xi32, #tpu.memory_space<vmem>>) semaphore(%arg21 : memref<!tpu.dma_semaphore, #tpu.memory_space<semaphore_mem>>) {add = true}
    %scan3A = arith.constant 0 : i32
    %scan3A_91 = arith.constant 1 : i32
    %scan3A_92 = arith.constant 19 : i32
    %scan3A_93 = arith.addi %scan3A_91, %scan3A_92 : i32
    %scan3A_94 = arith.constant 1 : i32
    scf.for %scan3A_129 = %scan3A_91 to %scan3A_93 step %scan3A_94  : i32 {
      %mul3A_130 = arith.constant 4 : i32
      %mul3A_131 = arith.muli %scan3A_129, %mul3A_130 : i32
      %add3A_132 = arith.constant 0 : i32
      %add3A_133 = arith.addi %mul3A_131, %add3A_132 : i32
      %dma_wait3A_134 = arith.constant 0 : i32
      %dma_wait3A_135 = arith.constant 0 : i32
      %dma_wait3A_136 = tpu.memref_slice %arg8[%dma_wait3A_134, %dma_wait3A_135] : memref<80x128xi32, #tpu.memory_space<vmem>> -> memref<1x128xi32, #tpu.memory_space<vmem>>
      %dma_wait3A_137 = tpu.memref_squeeze %dma_wait3A_136 : memref<1x128xi32, #tpu.memory_space<vmem>> -> memref<128xi32, #tpu.memory_space<vmem>>
      %dma_wait3A_138 = arith.constant 0 : i32
      %dma_wait3A_139 = arith.constant 0 : i32
      %dma_wait3A_140 = tpu.memref_slice %arg13[%dma_wait3A_138, %dma_wait3A_139] : memref<10240x16xf32, #tpu.memory_space<vmem_shared>> -> memref<10240x16xf32, #tpu.memory_space<vmem_shared>>
      tpu.wait_indirect_dma semaphore(%arg18 : memref<!tpu.dma_semaphore, #tpu.memory_space<semaphore_mem>>) src(%arg9 : memref<128x16xf32, #tpu.memory_space<vmem>>) dst(%dma_wait3A_140 : memref<10240x16xf32, #tpu.memory_space<vmem_shared>>)
      %dma_start3A_141 = arith.constant 0 : i32
      %dma_start3A_142 = tpu.memref_slice %arg7[%add3A_133, %dma_start3A_141] : memref<80x128xi32, #tpu.memory_space<vmem>> -> memref<1x128xi32, #tpu.memory_space<vmem>>
      %dma_start3A_143 = tpu.memref_squeeze %dma_start3A_142 : memref<1x128xi32, #tpu.memory_space<vmem>> -> memref<128xi32, #tpu.memory_space<vmem>>
      %dma_start3A_144 = arith.constant 0 : i32
      %dma_start3A_145 = arith.constant 0 : i32
      %dma_start3A_146 = tpu.memref_slice %arg2[%dma_start3A_144, %dma_start3A_145] : memref<10240x16xf32, #tpu.memory_space<hbm>> -> memref<10240x16xf32, #tpu.memory_space<hbm>>
      tpu.enqueue_indirect_dma source(%dma_start3A_146 : memref<10240x16xf32, #tpu.memory_space<hbm>>) target(%arg9 : memref<128x16xf32, #tpu.memory_space<vmem>>) offsets(%dma_start3A_143 : memref<128xi32, #tpu.memory_space<vmem>>) semaphore(%arg14 : memref<!tpu.dma_semaphore, #tpu.memory_space<semaphore_mem>>)
      %dma_wait3A_147 = arith.constant 0 : i32
      %dma_wait3A_148 = tpu.memref_slice %arg7[%add3A_133, %dma_wait3A_147] : memref<80x128xi32, #tpu.memory_space<vmem>> -> memref<1x128xi32, #tpu.memory_space<vmem>>
      %dma_wait3A_149 = tpu.memref_squeeze %dma_wait3A_148 : memref<1x128xi32, #tpu.memory_space<vmem>> -> memref<128xi32, #tpu.memory_space<vmem>>
      %dma_wait3A_150 = arith.constant 0 : i32
      %dma_wait3A_151 = arith.constant 0 : i32
      %dma_wait3A_152 = tpu.memref_slice %arg2[%dma_wait3A_150, %dma_wait3A_151] : memref<10240x16xf32, #tpu.memory_space<hbm>> -> memref<10240x16xf32, #tpu.memory_space<hbm>>
      tpu.wait_indirect_dma semaphore(%arg14 : memref<!tpu.dma_semaphore, #tpu.memory_space<semaphore_mem>>) src(%dma_wait3A_152 : memref<10240x16xf32, #tpu.memory_space<hbm>>) dst(%arg9 : memref<128x16xf32, #tpu.memory_space<vmem>>)
      %dma_start3A_153 = arith.constant 0 : i32
      %dma_start3A_154 = tpu.memref_slice %arg8[%add3A_133, %dma_start3A_153] : memref<80x128xi32, #tpu.memory_space<vmem>> -> memref<1x128xi32, #tpu.memory_space<vmem>>
      %dma_start3A_155 = tpu.memref_squeeze %dma_start3A_154 : memref<1x128xi32, #tpu.memory_space<vmem>> -> memref<128xi32, #tpu.memory_space<vmem>>
      %dma_start3A_156 = arith.constant 0 : i32
      %dma_start3A_157 = arith.constant 0 : i32
      %dma_start3A_158 = tpu.memref_slice %arg13[%dma_start3A_156, %dma_start3A_157] : memref<10240x16xf32, #tpu.memory_space<vmem_shared>> -> memref<10240x16xf32, #tpu.memory_space<vmem_shared>>
      tpu.enqueue_indirect_dma source(%arg9 : memref<128x16xf32, #tpu.memory_space<vmem>>) target(%dma_start3A_158 : memref<10240x16xf32, #tpu.memory_space<vmem_shared>>) offsets(%dma_start3A_155 : memref<128xi32, #tpu.memory_space<vmem>>) semaphore(%arg18 : memref<!tpu.dma_semaphore, #tpu.memory_space<semaphore_mem>>) {add = true}
      %mul3A_159 = arith.constant 4 : i32
      %mul3A_160 = arith.muli %scan3A_129, %mul3A_159 : i32
      %add3A_161 = arith.constant 1 : i32
      %add3A_162 = arith.addi %mul3A_160, %add3A_161 : i32
      %dma_wait3A_163 = arith.constant 0 : i32
      %dma_wait3A_164 = arith.constant 0 : i32
      %dma_wait3A_165 = tpu.memref_slice %arg8[%dma_wait3A_163, %dma_wait3A_164] : memref<80x128xi32, #tpu.memory_space<vmem>> -> memref<1x128xi32, #tpu.memory_space<vmem>>
      %dma_wait3A_166 = tpu.memref_squeeze %dma_wait3A_165 : memref<1x128xi32, #tpu.memory_space<vmem>> -> memref<128xi32, #tpu.memory_space<vmem>>
      %dma_wait3A_167 = arith.constant 0 : i32
      %dma_wait3A_168 = arith.constant 0 : i32
      %dma_wait3A_169 = tpu.memref_slice %arg13[%dma_wait3A_167, %dma_wait3A_168] : memref<10240x16xf32, #tpu.memory_space<vmem_shared>> -> memref<10240x16xf32, #tpu.memory_space<vmem_shared>>
      tpu.wait_indirect_dma semaphore(%arg19 : memref<!tpu.dma_semaphore, #tpu.memory_space<semaphore_mem>>) src(%arg10 : memref<128x16xf32, #tpu.memory_space<vmem>>) dst(%dma_wait3A_169 : memref<10240x16xf32, #tpu.memory_space<vmem_shared>>)
      %dma_start3A_170 = arith.constant 0 : i32
      %dma_start3A_171 = tpu.memref_slice %arg7[%add3A_162, %dma_start3A_170] : memref<80x128xi32, #tpu.memory_space<vmem>> -> memref<1x128xi32, #tpu.memory_space<vmem>>
      %dma_start3A_172 = tpu.memref_squeeze %dma_start3A_171 : memref<1x128xi32, #tpu.memory_space<vmem>> -> memref<128xi32, #tpu.memory_space<vmem>>
      %dma_start3A_173 = arith.constant 0 : i32
      %dma_start3A_174 = arith.constant 0 : i32
      %dma_start3A_175 = tpu.memref_slice %arg2[%dma_start3A_173, %dma_start3A_174] : memref<10240x16xf32, #tpu.memory_space<hbm>> -> memref<10240x16xf32, #tpu.memory_space<hbm>>
      tpu.enqueue_indirect_dma source(%dma_start3A_175 : memref<10240x16xf32, #tpu.memory_space<hbm>>) target(%arg10 : memref<128x16xf32, #tpu.memory_space<vmem>>) offsets(%dma_start3A_172 : memref<128xi32, #tpu.memory_space<vmem>>) semaphore(%arg15 : memref<!tpu.dma_semaphore, #tpu.memory_space<semaphore_mem>>)
      %dma_wait3A_176 = arith.constant 0 : i32
      %dma_wait3A_177 = tpu.memref_slice %arg7[%add3A_162, %dma_wait3A_176] : memref<80x128xi32, #tpu.memory_space<vmem>> -> memref<1x128xi32, #tpu.memory_space<vmem>>
      %dma_wait3A_178 = tpu.memref_squeeze %dma_wait3A_177 : memref<1x128xi32, #tpu.memory_space<vmem>> -> memref<128xi32, #tpu.memory_space<vmem>>
      %dma_wait3A_179 = arith.constant 0 : i32
      %dma_wait3A_180 = arith.constant 0 : i32
      %dma_wait3A_181 = tpu.memref_slice %arg2[%dma_wait3A_179, %dma_wait3A_180] : memref<10240x16xf32, #tpu.memory_space<hbm>> -> memref<10240x16xf32, #tpu.memory_space<hbm>>
      tpu.wait_indirect_dma semaphore(%arg15 : memref<!tpu.dma_semaphore, #tpu.memory_space<semaphore_mem>>) src(%dma_wait3A_181 : memref<10240x16xf32, #tpu.memory_space<hbm>>) dst(%arg10 : memref<128x16xf32, #tpu.memory_space<vmem>>)
      %dma_start3A_182 = arith.constant 0 : i32
      %dma_start3A_183 = tpu.memref_slice %arg8[%add3A_162, %dma_start3A_182] : memref<80x128xi32, #tpu.memory_space<vmem>> -> memref<1x128xi32, #tpu.memory_space<vmem>>
      %dma_start3A_184 = tpu.memref_squeeze %dma_start3A_183 : memref<1x128xi32, #tpu.memory_space<vmem>> -> memref<128xi32, #tpu.memory_space<vmem>>
      %dma_start3A_185 = arith.constant 0 : i32
      %dma_start3A_186 = arith.constant 0 : i32
      %dma_start3A_187 = tpu.memref_slice %arg13[%dma_start3A_185, %dma_start3A_186] : memref<10240x16xf32, #tpu.memory_space<vmem_shared>> -> memref<10240x16xf32, #tpu.memory_space<vmem_shared>>
      tpu.enqueue_indirect_dma source(%arg10 : memref<128x16xf32, #tpu.memory_space<vmem>>) target(%dma_start3A_187 : memref<10240x16xf32, #tpu.memory_space<vmem_shared>>) offsets(%dma_start3A_184 : memref<128xi32, #tpu.memory_space<vmem>>) semaphore(%arg19 : memref<!tpu.dma_semaphore, #tpu.memory_space<semaphore_mem>>) {add = true}
      %mul3A_188 = arith.constant 4 : i32
      %mul3A_189 = arith.muli %scan3A_129, %mul3A_188 : i32
      %add3A_190 = arith.constant 2 : i32
      %add3A_191 = arith.addi %mul3A_189, %add3A_190 : i32
      %dma_wait3A_192 = arith.constant 0 : i32
      %dma_wait3A_193 = arith.constant 0 : i32
      %dma_wait3A_194 = tpu.memref_slice %arg8[%dma_wait3A_192, %dma_wait3A_193] : memref<80x128xi32, #tpu.memory_space<vmem>> -> memref<1x128xi32, #tpu.memory_space<vmem>>
      %dma_wait3A_195 = tpu.memref_squeeze %dma_wait3A_194 : memref<1x128xi32, #tpu.memory_space<vmem>> -> memref<128xi32, #tpu.memory_space<vmem>>
      %dma_wait3A_196 = arith.constant 0 : i32
      %dma_wait3A_197 = arith.constant 0 : i32
      %dma_wait3A_198 = tpu.memref_slice %arg13[%dma_wait3A_196, %dma_wait3A_197] : memref<10240x16xf32, #tpu.memory_space<vmem_shared>> -> memref<10240x16xf32, #tpu.memory_space<vmem_shared>>
      tpu.wait_indirect_dma semaphore(%arg20 : memref<!tpu.dma_semaphore, #tpu.memory_space<semaphore_mem>>) src(%arg11 : memref<128x16xf32, #tpu.memory_space<vmem>>) dst(%dma_wait3A_198 : memref<10240x16xf32, #tpu.memory_space<vmem_shared>>)
      %dma_start3A_199 = arith.constant 0 : i32
      %dma_start3A_200 = tpu.memref_slice %arg7[%add3A_191, %dma_start3A_199] : memref<80x128xi32, #tpu.memory_space<vmem>> -> memref<1x128xi32, #tpu.memory_space<vmem>>
      %dma_start3A_201 = tpu.memref_squeeze %dma_start3A_200 : memref<1x128xi32, #tpu.memory_space<vmem>> -> memref<128xi32, #tpu.memory_space<vmem>>
      %dma_start3A_202 = arith.constant 0 : i32
      %dma_start3A_203 = arith.constant 0 : i32
      %dma_start3A_204 = tpu.memref_slice %arg2[%dma_start3A_202, %dma_start3A_203] : memref<10240x16xf32, #tpu.memory_space<hbm>> -> memref<10240x16xf32, #tpu.memory_space<hbm>>
      tpu.enqueue_indirect_dma source(%dma_start3A_204 : memref<10240x16xf32, #tpu.memory_space<hbm>>) target(%arg11 : memref<128x16xf32, #tpu.memory_space<vmem>>) offsets(%dma_start3A_201 : memref<128xi32, #tpu.memory_space<vmem>>) semaphore(%arg16 : memref<!tpu.dma_semaphore, #tpu.memory_space<semaphore_mem>>)
      %dma_wait3A_205 = arith.constant 0 : i32
      %dma_wait3A_206 = tpu.memref_slice %arg7[%add3A_191, %dma_wait3A_205] : memref<80x128xi32, #tpu.memory_space<vmem>> -> memref<1x128xi32, #tpu.memory_space<vmem>>
      %dma_wait3A_207 = tpu.memref_squeeze %dma_wait3A_206 : memref<1x128xi32, #tpu.memory_space<vmem>> -> memref<128xi32, #tpu.memory_space<vmem>>
      %dma_wait3A_208 = arith.constant 0 : i32
      %dma_wait3A_209 = arith.constant 0 : i32
      %dma_wait3A_210 = tpu.memref_slice %arg2[%dma_wait3A_208, %dma_wait3A_209] : memref<10240x16xf32, #tpu.memory_space<hbm>> -> memref<10240x16xf32, #tpu.memory_space<hbm>>
      tpu.wait_indirect_dma semaphore(%arg16 : memref<!tpu.dma_semaphore, #tpu.memory_space<semaphore_mem>>) src(%dma_wait3A_210 : memref<10240x16xf32, #tpu.memory_space<hbm>>) dst(%arg11 : memref<128x16xf32, #tpu.memory_space<vmem>>)
      %dma_start3A_211 = arith.constant 0 : i32
      %dma_start3A_212 = tpu.memref_slice %arg8[%add3A_191, %dma_start3A_211] : memref<80x128xi32, #tpu.memory_space<vmem>> -> memref<1x128xi32, #tpu.memory_space<vmem>>
      %dma_start3A_213 = tpu.memref_squeeze %dma_start3A_212 : memref<1x128xi32, #tpu.memory_space<vmem>> -> memref<128xi32, #tpu.memory_space<vmem>>
      %dma_start3A_214 = arith.constant 0 : i32
      %dma_start3A_215 = arith.constant 0 : i32
      %dma_start3A_216 = tpu.memref_slice %arg13[%dma_start3A_214, %dma_start3A_215] : memref<10240x16xf32, #tpu.memory_space<vmem_shared>> -> memref<10240x16xf32, #tpu.memory_space<vmem_shared>>
      tpu.enqueue_indirect_dma source(%arg11 : memref<128x16xf32, #tpu.memory_space<vmem>>) target(%dma_start3A_216 : memref<10240x16xf32, #tpu.memory_space<vmem_shared>>) offsets(%dma_start3A_213 : memref<128xi32, #tpu.memory_space<vmem>>) semaphore(%arg20 : memref<!tpu.dma_semaphore, #tpu.memory_space<semaphore_mem>>) {add = true}
      %mul3A_217 = arith.constant 4 : i32
      %mul3A_218 = arith.muli %scan3A_129, %mul3A_217 : i32
      %add3A_219 = arith.constant 3 : i32
      %add3A_220 = arith.addi %mul3A_218, %add3A_219 : i32
      %dma_wait3A_221 = arith.constant 0 : i32
      %dma_wait3A_222 = arith.constant 0 : i32
      %dma_wait3A_223 = tpu.memref_slice %arg8[%dma_wait3A_221, %dma_wait3A_222] : memref<80x128xi32, #tpu.memory_space<vmem>> -> memref<1x128xi32, #tpu.memory_space<vmem>>
      %dma_wait3A_224 = tpu.memref_squeeze %dma_wait3A_223 : memref<1x128xi32, #tpu.memory_space<vmem>> -> memref<128xi32, #tpu.memory_space<vmem>>
      %dma_wait3A_225 = arith.constant 0 : i32
      %dma_wait3A_226 = arith.constant 0 : i32
      %dma_wait3A_227 = tpu.memref_slice %arg13[%dma_wait3A_225, %dma_wait3A_226] : memref<10240x16xf32, #tpu.memory_space<vmem_shared>> -> memref<10240x16xf32, #tpu.memory_space<vmem_shared>>
      tpu.wait_indirect_dma semaphore(%arg21 : memref<!tpu.dma_semaphore, #tpu.memory_space<semaphore_mem>>) src(%arg12 : memref<128x16xf32, #tpu.memory_space<vmem>>) dst(%dma_wait3A_227 : memref<10240x16xf32, #tpu.memory_space<vmem_shared>>)
      %dma_start3A_228 = arith.constant 0 : i32
      %dma_start3A_229 = tpu.memref_slice %arg7[%add3A_220, %dma_start3A_228] : memref<80x128xi32, #tpu.memory_space<vmem>> -> memref<1x128xi32, #tpu.memory_space<vmem>>
      %dma_start3A_230 = tpu.memref_squeeze %dma_start3A_229 : memref<1x128xi32, #tpu.memory_space<vmem>> -> memref<128xi32, #tpu.memory_space<vmem>>
      %dma_start3A_231 = arith.constant 0 : i32
      %dma_start3A_232 = arith.constant 0 : i32
      %dma_start3A_233 = tpu.memref_slice %arg2[%dma_start3A_231, %dma_start3A_232] : memref<10240x16xf32, #tpu.memory_space<hbm>> -> memref<10240x16xf32, #tpu.memory_space<hbm>>
      tpu.enqueue_indirect_dma source(%dma_start3A_233 : memref<10240x16xf32, #tpu.memory_space<hbm>>) target(%arg12 : memref<128x16xf32, #tpu.memory_space<vmem>>) offsets(%dma_start3A_230 : memref<128xi32, #tpu.memory_space<vmem>>) semaphore(%arg17 : memref<!tpu.dma_semaphore, #tpu.memory_space<semaphore_mem>>)
      %dma_wait3A_234 = arith.constant 0 : i32
      %dma_wait3A_235 = tpu.memref_slice %arg7[%add3A_220, %dma_wait3A_234] : memref<80x128xi32, #tpu.memory_space<vmem>> -> memref<1x128xi32, #tpu.memory_space<vmem>>
      %dma_wait3A_236 = tpu.memref_squeeze %dma_wait3A_235 : memref<1x128xi32, #tpu.memory_space<vmem>> -> memref<128xi32, #tpu.memory_space<vmem>>
      %dma_wait3A_237 = arith.constant 0 : i32
      %dma_wait3A_238 = arith.constant 0 : i32
      %dma_wait3A_239 = tpu.memref_slice %arg2[%dma_wait3A_237, %dma_wait3A_238] : memref<10240x16xf32, #tpu.memory_space<hbm>> -> memref<10240x16xf32, #tpu.memory_space<hbm>>
      tpu.wait_indirect_dma semaphore(%arg17 : memref<!tpu.dma_semaphore, #tpu.memory_space<semaphore_mem>>) src(%dma_wait3A_239 : memref<10240x16xf32, #tpu.memory_space<hbm>>) dst(%arg12 : memref<128x16xf32, #tpu.memory_space<vmem>>)
      %dma_start3A_240 = arith.constant 0 : i32
      %dma_start3A_241 = tpu.memref_slice %arg8[%add3A_220, %dma_start3A_240] : memref<80x128xi32, #tpu.memory_space<vmem>> -> memref<1x128xi32, #tpu.memory_space<vmem>>
      %dma_start3A_242 = tpu.memref_squeeze %dma_start3A_241 : memref<1x128xi32, #tpu.memory_space<vmem>> -> memref<128xi32, #tpu.memory_space<vmem>>
      %dma_start3A_243 = arith.constant 0 : i32
      %dma_start3A_244 = arith.constant 0 : i32
      %dma_start3A_245 = tpu.memref_slice %arg13[%dma_start3A_243, %dma_start3A_244] : memref<10240x16xf32, #tpu.memory_space<vmem_shared>> -> memref<10240x16xf32, #tpu.memory_space<vmem_shared>>
      tpu.enqueue_indirect_dma source(%arg12 : memref<128x16xf32, #tpu.memory_space<vmem>>) target(%dma_start3A_245 : memref<10240x16xf32, #tpu.memory_space<vmem_shared>>) offsets(%dma_start3A_242 : memref<128xi32, #tpu.memory_space<vmem>>) semaphore(%arg21 : memref<!tpu.dma_semaphore, #tpu.memory_space<semaphore_mem>>) {add = true}
    }
    %scan3A_95 = arith.constant 19 : i32
    %dma_wait3A_96 = arith.constant 0 : i32
    %dma_wait3A_97 = arith.constant 0 : i32
    %dma_wait3A_98 = tpu.memref_slice %arg8[%dma_wait3A_96, %dma_wait3A_97] : memref<80x128xi32, #tpu.memory_space<vmem>> -> memref<1x128xi32, #tpu.memory_space<vmem>>
    %dma_wait3A_99 = tpu.memref_squeeze %dma_wait3A_98 : memref<1x128xi32, #tpu.memory_space<vmem>> -> memref<128xi32, #tpu.memory_space<vmem>>
    %dma_wait3A_100 = arith.constant 0 : i32
    %dma_wait3A_101 = arith.constant 0 : i32
    %dma_wait3A_102 = tpu.memref_slice %arg13[%dma_wait3A_100, %dma_wait3A_101] : memref<10240x16xf32, #tpu.memory_space<vmem_shared>> -> memref<10240x16xf32, #tpu.memory_space<vmem_shared>>
    tpu.wait_indirect_dma semaphore(%arg18 : memref<!tpu.dma_semaphore, #tpu.memory_space<semaphore_mem>>) src(%arg9 : memref<128x16xf32, #tpu.memory_space<vmem>>) dst(%dma_wait3A_102 : memref<10240x16xf32, #tpu.memory_space<vmem_shared>>)
    %dma_wait3A_103 = arith.constant 0 : i32
    %dma_wait3A_104 = arith.constant 0 : i32
    %dma_wait3A_105 = tpu.memref_slice %arg8[%dma_wait3A_103, %dma_wait3A_104] : memref<80x128xi32, #tpu.memory_space<vmem>> -> memref<1x128xi32, #tpu.memory_space<vmem>>
    %dma_wait3A_106 = tpu.memref_squeeze %dma_wait3A_105 : memref<1x128xi32, #tpu.memory_space<vmem>> -> memref<128xi32, #tpu.memory_space<vmem>>
    %dma_wait3A_107 = arith.constant 0 : i32
    %dma_wait3A_108 = arith.constant 0 : i32
    %dma_wait3A_109 = tpu.memref_slice %arg13[%dma_wait3A_107, %dma_wait3A_108] : memref<10240x16xf32, #tpu.memory_space<vmem_shared>> -> memref<10240x16xf32, #tpu.memory_space<vmem_shared>>
    tpu.wait_indirect_dma semaphore(%arg19 : memref<!tpu.dma_semaphore, #tpu.memory_space<semaphore_mem>>) src(%arg10 : memref<128x16xf32, #tpu.memory_space<vmem>>) dst(%dma_wait3A_109 : memref<10240x16xf32, #tpu.memory_space<vmem_shared>>)
    %dma_wait3A_110 = arith.constant 0 : i32
    %dma_wait3A_111 = arith.constant 0 : i32
    %dma_wait3A_112 = tpu.memref_slice %arg8[%dma_wait3A_110, %dma_wait3A_111] : memref<80x128xi32, #tpu.memory_space<vmem>> -> memref<1x128xi32, #tpu.memory_space<vmem>>
    %dma_wait3A_113 = tpu.memref_squeeze %dma_wait3A_112 : memref<1x128xi32, #tpu.memory_space<vmem>> -> memref<128xi32, #tpu.memory_space<vmem>>
    %dma_wait3A_114 = arith.constant 0 : i32
    %dma_wait3A_115 = arith.constant 0 : i32
    %dma_wait3A_116 = tpu.memref_slice %arg13[%dma_wait3A_114, %dma_wait3A_115] : memref<10240x16xf32, #tpu.memory_space<vmem_shared>> -> memref<10240x16xf32, #tpu.memory_space<vmem_shared>>
    tpu.wait_indirect_dma semaphore(%arg20 : memref<!tpu.dma_semaphore, #tpu.memory_space<semaphore_mem>>) src(%arg11 : memref<128x16xf32, #tpu.memory_space<vmem>>) dst(%dma_wait3A_116 : memref<10240x16xf32, #tpu.memory_space<vmem_shared>>)
    %dma_wait3A_117 = arith.constant 0 : i32
    %dma_wait3A_118 = arith.constant 0 : i32
    %dma_wait3A_119 = tpu.memref_slice %arg8[%dma_wait3A_117, %dma_wait3A_118] : memref<80x128xi32, #tpu.memory_space<vmem>> -> memref<1x128xi32, #tpu.memory_space<vmem>>
    %dma_wait3A_120 = tpu.memref_squeeze %dma_wait3A_119 : memref<1x128xi32, #tpu.memory_space<vmem>> -> memref<128xi32, #tpu.memory_space<vmem>>
    %dma_wait3A_121 = arith.constant 0 : i32
    %dma_wait3A_122 = arith.constant 0 : i32
    %dma_wait3A_123 = tpu.memref_slice %arg13[%dma_wait3A_121, %dma_wait3A_122] : memref<10240x16xf32, #tpu.memory_space<vmem_shared>> -> memref<10240x16xf32, #tpu.memory_space<vmem_shared>>
    tpu.wait_indirect_dma semaphore(%arg21 : memref<!tpu.dma_semaphore, #tpu.memory_space<semaphore_mem>>) src(%arg12 : memref<128x16xf32, #tpu.memory_space<vmem>>) dst(%dma_wait3A_123 : memref<10240x16xf32, #tpu.memory_space<vmem_shared>>)
    %barrier3A_124 = arith.constant 0 : index
    tpu.barrier barrier_id(%barrier3A_124)
    %mul3A_125 = arith.constant 640 : i32
    %mul3A_126 = arith.muli %arg1, %mul3A_125 : i32
    %mul3A_127 = arith.constant 640 : i32
    %mul3A_128 = arith.muli %arg1, %mul3A_127 : i32
    "tpu.region"() ({
      %run_scoped3A = tpu.sem_alloc : memref<!tpu.dma_semaphore, #tpu.memory_space<semaphore_mem>>
      %dma_start3A_129 = arith.constant 0 : i32
      %dma_start3A_130 = tpu.memref_slice %arg6[%arg0, %mul3A_128, %dma_start3A_129] : memref<2x10240x16xf32, #tpu.memory_space<hbm>> -> memref<1x640x16xf32, #tpu.memory_space<hbm>>
      %dma_start3A_131 = tpu.memref_squeeze %dma_start3A_130 : memref<1x640x16xf32, #tpu.memory_space<hbm>> -> memref<640x16xf32, #tpu.memory_space<hbm>>
      %dma_start3A_132 = arith.constant 0 : i32
      %dma_start3A_133 = tpu.memref_slice %arg13[%mul3A_126, %dma_start3A_132] : memref<10240x16xf32, #tpu.memory_space<vmem_shared>> -> memref<640x16xf32, #tpu.memory_space<vmem_shared>>
      tpu.enqueue_dma source(%dma_start3A_133 : memref<640x16xf32, #tpu.memory_space<vmem_shared>>) target(%dma_start3A_131 : memref<640x16xf32, #tpu.memory_space<hbm>>) target_semaphore(%run_scoped3A : memref<!tpu.dma_semaphore, #tpu.memory_space<semaphore_mem>>)
      %dma_wait3A_134 = arith.constant 0 : i32
      %dma_wait3A_135 = tpu.memref_slice %arg6[%arg0, %mul3A_128, %dma_wait3A_134] : memref<2x10240x16xf32, #tpu.memory_space<hbm>> -> memref<1x640x16xf32, #tpu.memory_space<hbm>>
      %dma_wait3A_136 = tpu.memref_squeeze %dma_wait3A_135 : memref<1x640x16xf32, #tpu.memory_space<hbm>> -> memref<640x16xf32, #tpu.memory_space<hbm>>
      %dma_wait3A_137 = arith.constant 0 : i32
      %dma_wait3A_138 = tpu.memref_slice %arg13[%mul3A_126, %dma_wait3A_137] : memref<10240x16xf32, #tpu.memory_space<vmem_shared>> -> memref<640x16xf32, #tpu.memory_space<vmem_shared>>
      tpu.wait_dma2 semaphore(%run_scoped3A : memref<!tpu.dma_semaphore, #tpu.memory_space<semaphore_mem>>) src(%dma_wait3A_138 : memref<640x16xf32, #tpu.memory_space<vmem_shared>>) dst(%dma_wait3A_136 : memref<640x16xf32, #tpu.memory_space<hbm>>)
      tpu.yield
    }) : () -> ()
    return
  }
}

#map = affine_map<(d0, d1) -> (0, 0)>
#map1 = affine_map<(d0, d1) -> (0)>
module attributes {stable_mosaic.version = 14 : i64} {
  func.func @_deg_sc(%arg0: i32, %arg1: i32, %arg2: memref<2560x128xi32, #tpu.memory_space<hbm>>, %arg3: memref<10240xf32, #tpu.memory_space<hbm>>, %arg4: memref<2x10240xf32, #tpu.memory_space<hbm>>, %arg5: memref<80x128xi32, #tpu.memory_space<vmem>>, %arg6: memref<128xf32, #tpu.memory_space<vmem>>, %arg7: memref<10240xf32, #tpu.memory_space<vmem_shared>>, %arg8: memref<!tpu.dma_semaphore, #tpu.memory_space<semaphore_mem>>) attributes {dimension_semantics = [#tpu.dimension_semantics<core_parallel>, #tpu.dimension_semantics<subcore_parallel>], iteration_bounds = array<i64: 2, 16>, scalar_prefetch = 0 : i64, scratch_operands = 4 : i64, tpu.core_type = #tpu.core_type<sc_vector_subcore>, window_params = [{transform_indices = #map}, {transform_indices = #map1}, {transform_indices = #map}]} {
    %mul3A = arith.constant 16 : i32
    %mul3A_0 = arith.muli %arg0, %mul3A : i32
    %add3A = arith.addi %mul3A_0, %arg1 : i32
    %broadcast_in_dim3A = arith.constant 1.000000e+00 : f32
    %broadcast_in_dim3A_1 = vector.broadcast %broadcast_in_dim3A : f32 to vector<16xf32>
    %swap3A = arith.constant 0 : index
    %swap3A_2 = tpu.vector_load %arg6[%swap3A] {strides = array<i32>} : memref<128xf32, #tpu.memory_space<vmem>>, vector<16xf32>,
    %swap3A_3 = vector.shape_cast %swap3A_2 : vector<16xf32> to vector<16xf32>
    %swap3A_4 = vector.shape_cast %broadcast_in_dim3A_1 : vector<16xf32> to vector<16xf32>
    tpu.vector_store %arg6[%swap3A], %swap3A_4 {strides = array<i32>} : memref<128xf32, #tpu.memory_space<vmem>>, vector<16xf32>,
    %broadcast_in_dim3A_5 = arith.constant 1.000000e+00 : f32
    %broadcast_in_dim3A_6 = vector.broadcast %broadcast_in_dim3A_5 : f32 to vector<16xf32>
    %swap3A_7 = arith.constant 16 : index
    %swap3A_8 = tpu.vector_load %arg6[%swap3A_7] {strides = array<i32>} : memref<128xf32, #tpu.memory_space<vmem>>, vector<16xf32>,
    %swap3A_9 = vector.shape_cast %swap3A_8 : vector<16xf32> to vector<16xf32>
    %swap3A_10 = vector.shape_cast %broadcast_in_dim3A_6 : vector<16xf32> to vector<16xf32>
    tpu.vector_store %arg6[%swap3A_7], %swap3A_10 {strides = array<i32>} : memref<128xf32, #tpu.memory_space<vmem>>, vector<16xf32>,
    %broadcast_in_dim3A_11 = arith.constant 1.000000e+00 : f32
    %broadcast_in_dim3A_12 = vector.broadcast %broadcast_in_dim3A_11 : f32 to vector<16xf32>
    %swap3A_13 = arith.constant 32 : index
    %swap3A_14 = tpu.vector_load %arg6[%swap3A_13] {strides = array<i32>} : memref<128xf32, #tpu.memory_space<vmem>>, vector<16xf32>,
    %swap3A_15 = vector.shape_cast %swap3A_14 : vector<16xf32> to vector<16xf32>
    %swap3A_16 = vector.shape_cast %broadcast_in_dim3A_12 : vector<16xf32> to vector<16xf32>
    tpu.vector_store %arg6[%swap3A_13], %swap3A_16 {strides = array<i32>} : memref<128xf32, #tpu.memory_space<vmem>>, vector<16xf32>,
    %broadcast_in_dim3A_17 = arith.constant 1.000000e+00 : f32
    %broadcast_in_dim3A_18 = vector.broadcast %broadcast_in_dim3A_17 : f32 to vector<16xf32>
    %swap3A_19 = arith.constant 48 : index
    %swap3A_20 = tpu.vector_load %arg6[%swap3A_19] {strides = array<i32>} : memref<128xf32, #tpu.memory_space<vmem>>, vector<16xf32>,
    %swap3A_21 = vector.shape_cast %swap3A_20 : vector<16xf32> to vector<16xf32>
    %swap3A_22 = vector.shape_cast %broadcast_in_dim3A_18 : vector<16xf32> to vector<16xf32>
    tpu.vector_store %arg6[%swap3A_19], %swap3A_22 {strides = array<i32>} : memref<128xf32, #tpu.memory_space<vmem>>, vector<16xf32>,
    %broadcast_in_dim3A_23 = arith.constant 1.000000e+00 : f32
    %broadcast_in_dim3A_24 = vector.broadcast %broadcast_in_dim3A_23 : f32 to vector<16xf32>
    %swap3A_25 = arith.constant 64 : index
    %swap3A_26 = tpu.vector_load %arg6[%swap3A_25] {strides = array<i32>} : memref<128xf32, #tpu.memory_space<vmem>>, vector<16xf32>,
    %swap3A_27 = vector.shape_cast %swap3A_26 : vector<16xf32> to vector<16xf32>
    %swap3A_28 = vector.shape_cast %broadcast_in_dim3A_24 : vector<16xf32> to vector<16xf32>
    tpu.vector_store %arg6[%swap3A_25], %swap3A_28 {strides = array<i32>} : memref<128xf32, #tpu.memory_space<vmem>>, vector<16xf32>,
    %broadcast_in_dim3A_29 = arith.constant 1.000000e+00 : f32
    %broadcast_in_dim3A_30 = vector.broadcast %broadcast_in_dim3A_29 : f32 to vector<16xf32>
    %swap3A_31 = arith.constant 80 : index
    %swap3A_32 = tpu.vector_load %arg6[%swap3A_31] {strides = array<i32>} : memref<128xf32, #tpu.memory_space<vmem>>, vector<16xf32>,
    %swap3A_33 = vector.shape_cast %swap3A_32 : vector<16xf32> to vector<16xf32>
    %swap3A_34 = vector.shape_cast %broadcast_in_dim3A_30 : vector<16xf32> to vector<16xf32>
    tpu.vector_store %arg6[%swap3A_31], %swap3A_34 {strides = array<i32>} : memref<128xf32, #tpu.memory_space<vmem>>, vector<16xf32>,
    %broadcast_in_dim3A_35 = arith.constant 1.000000e+00 : f32
    %broadcast_in_dim3A_36 = vector.broadcast %broadcast_in_dim3A_35 : f32 to vector<16xf32>
    %swap3A_37 = arith.constant 96 : index
    %swap3A_38 = tpu.vector_load %arg6[%swap3A_37] {strides = array<i32>} : memref<128xf32, #tpu.memory_space<vmem>>, vector<16xf32>,
    %swap3A_39 = vector.shape_cast %swap3A_38 : vector<16xf32> to vector<16xf32>
    %swap3A_40 = vector.shape_cast %broadcast_in_dim3A_36 : vector<16xf32> to vector<16xf32>
    tpu.vector_store %arg6[%swap3A_37], %swap3A_40 {strides = array<i32>} : memref<128xf32, #tpu.memory_space<vmem>>, vector<16xf32>,
    %broadcast_in_dim3A_41 = arith.constant 1.000000e+00 : f32
    %broadcast_in_dim3A_42 = vector.broadcast %broadcast_in_dim3A_41 : f32 to vector<16xf32>
    %swap3A_43 = arith.constant 112 : index
    %swap3A_44 = tpu.vector_load %arg6[%swap3A_43] {strides = array<i32>} : memref<128xf32, #tpu.memory_space<vmem>>, vector<16xf32>,
    %swap3A_45 = vector.shape_cast %swap3A_44 : vector<16xf32> to vector<16xf32>
    %swap3A_46 = vector.shape_cast %broadcast_in_dim3A_42 : vector<16xf32> to vector<16xf32>
    tpu.vector_store %arg6[%swap3A_43], %swap3A_46 {strides = array<i32>} : memref<128xf32, #tpu.memory_space<vmem>>, vector<16xf32>,
    %mul3A_47 = arith.constant 80 : i32
    %mul3A_48 = arith.muli %add3A, %mul3A_47 : i32
    "tpu.region"() ({
      %run_scoped3A = tpu.sem_alloc : memref<!tpu.dma_semaphore, #tpu.memory_space<semaphore_mem>>
      %dma_start3A = arith.constant 0 : i32
      %dma_start3A_63 = tpu.memref_slice %arg2[%mul3A_48, %dma_start3A] : memref<2560x128xi32, #tpu.memory_space<hbm>> -> memref<80x128xi32, #tpu.memory_space<hbm>>
      %dma_start3A_64 = arith.constant 0 : i32
      %dma_start3A_65 = tpu.memref_slice %arg2[%mul3A_48, %dma_start3A_64] : memref<2560x128xi32, #tpu.memory_space<hbm>> -> memref<80x128xi32, #tpu.memory_space<hbm>>
      tpu.enqueue_dma source(%dma_start3A_65 : memref<80x128xi32, #tpu.memory_space<hbm>>) target(%arg5 : memref<80x128xi32, #tpu.memory_space<vmem>>) target_semaphore(%run_scoped3A : memref<!tpu.dma_semaphore, #tpu.memory_space<semaphore_mem>>)
      %dma_wait3A = arith.constant 0 : i32
      %dma_wait3A_66 = tpu.memref_slice %arg2[%mul3A_48, %dma_wait3A] : memref<2560x128xi32, #tpu.memory_space<hbm>> -> memref<80x128xi32, #tpu.memory_space<hbm>>
      %dma_wait3A_67 = arith.constant 0 : i32
      %dma_wait3A_68 = tpu.memref_slice %arg2[%mul3A_48, %dma_wait3A_67] : memref<2560x128xi32, #tpu.memory_space<hbm>> -> memref<80x128xi32, #tpu.memory_space<hbm>>
      tpu.wait_dma2 semaphore(%run_scoped3A : memref<!tpu.dma_semaphore, #tpu.memory_space<semaphore_mem>>) src(%dma_wait3A_68 : memref<80x128xi32, #tpu.memory_space<hbm>>) dst(%arg5 : memref<80x128xi32, #tpu.memory_space<vmem>>)
      tpu.yield
    }) : () -> ()
    %mul3A_49 = arith.constant 640 : i32
    %mul3A_50 = arith.muli %arg1, %mul3A_49 : i32
    %mul3A_51 = arith.constant 640 : i32
    %mul3A_52 = arith.muli %arg1, %mul3A_51 : i32
    "tpu.region"() ({
      %run_scoped3A = tpu.sem_alloc : memref<!tpu.dma_semaphore, #tpu.memory_space<semaphore_mem>>
      %dma_start3A = tpu.memref_slice %arg7[%mul3A_52] : memref<10240xf32, #tpu.memory_space<vmem_shared>> -> memref<640xf32, #tpu.memory_space<vmem_shared>>
      %dma_start3A_63 = tpu.memref_slice %arg3[%mul3A_50] : memref<10240xf32, #tpu.memory_space<hbm>> -> memref<640xf32, #tpu.memory_space<hbm>>
      tpu.enqueue_dma source(%dma_start3A_63 : memref<640xf32, #tpu.memory_space<hbm>>) target(%dma_start3A : memref<640xf32, #tpu.memory_space<vmem_shared>>) target_semaphore(%run_scoped3A : memref<!tpu.dma_semaphore, #tpu.memory_space<semaphore_mem>>)
      %dma_wait3A = tpu.memref_slice %arg7[%mul3A_52] : memref<10240xf32, #tpu.memory_space<vmem_shared>> -> memref<640xf32, #tpu.memory_space<vmem_shared>>
      %dma_wait3A_64 = tpu.memref_slice %arg3[%mul3A_50] : memref<10240xf32, #tpu.memory_space<hbm>> -> memref<640xf32, #tpu.memory_space<hbm>>
      tpu.wait_dma2 semaphore(%run_scoped3A : memref<!tpu.dma_semaphore, #tpu.memory_space<semaphore_mem>>) src(%dma_wait3A_64 : memref<640xf32, #tpu.memory_space<hbm>>) dst(%dma_wait3A : memref<640xf32, #tpu.memory_space<vmem_shared>>)
      tpu.yield
    }) : () -> ()
    %barrier3A = arith.constant 0 : index
    tpu.barrier barrier_id(%barrier3A)
    %scan3A = arith.constant 0 : i32
    %scan3A_53 = arith.constant 0 : i32
    %scan3A_54 = arith.constant 20 : i32
    %scan3A_55 = arith.addi %scan3A_53, %scan3A_54 : i32
    %scan3A_56 = arith.constant 1 : i32
    scf.for %scan3A_63 = %scan3A_53 to %scan3A_55 step %scan3A_56  : i32 {
      %mul3A_64 = arith.constant 4 : i32
      %mul3A_65 = arith.muli %scan3A_63, %mul3A_64 : i32
      %add3A_66 = arith.constant 0 : i32
      %add3A_67 = arith.addi %mul3A_65, %add3A_66 : i32
      %dma_start3A = arith.constant 0 : i32
      %dma_start3A_68 = tpu.memref_slice %arg5[%add3A_67, %dma_start3A] : memref<80x128xi32, #tpu.memory_space<vmem>> -> memref<1x128xi32, #tpu.memory_space<vmem>>
      %dma_start3A_69 = tpu.memref_squeeze %dma_start3A_68 : memref<1x128xi32, #tpu.memory_space<vmem>> -> memref<128xi32, #tpu.memory_space<vmem>>
      %dma_start3A_70 = arith.constant 0 : i32
      %dma_start3A_71 = tpu.memref_slice %arg7[%dma_start3A_70] : memref<10240xf32, #tpu.memory_space<vmem_shared>> -> memref<10240xf32, #tpu.memory_space<vmem_shared>>
      tpu.enqueue_indirect_dma source(%arg6 : memref<128xf32, #tpu.memory_space<vmem>>) target(%dma_start3A_71 : memref<10240xf32, #tpu.memory_space<vmem_shared>>) offsets(%dma_start3A_69 : memref<128xi32, #tpu.memory_space<vmem>>) semaphore(%arg8 : memref<!tpu.dma_semaphore, #tpu.memory_space<semaphore_mem>>) {add = true}
      %mul3A_72 = arith.constant 4 : i32
      %mul3A_73 = arith.muli %scan3A_63, %mul3A_72 : i32
      %add3A_74 = arith.constant 1 : i32
      %add3A_75 = arith.addi %mul3A_73, %add3A_74 : i32
      %dma_start3A_76 = arith.constant 0 : i32
      %dma_start3A_77 = tpu.memref_slice %arg5[%add3A_75, %dma_start3A_76] : memref<80x128xi32, #tpu.memory_space<vmem>> -> memref<1x128xi32, #tpu.memory_space<vmem>>
      %dma_start3A_78 = tpu.memref_squeeze %dma_start3A_77 : memref<1x128xi32, #tpu.memory_space<vmem>> -> memref<128xi32, #tpu.memory_space<vmem>>
      %dma_start3A_79 = arith.constant 0 : i32
      %dma_start3A_80 = tpu.memref_slice %arg7[%dma_start3A_79] : memref<10240xf32, #tpu.memory_space<vmem_shared>> -> memref<10240xf32, #tpu.memory_space<vmem_shared>>
      tpu.enqueue_indirect_dma source(%arg6 : memref<128xf32, #tpu.memory_space<vmem>>) target(%dma_start3A_80 : memref<10240xf32, #tpu.memory_space<vmem_shared>>) offsets(%dma_start3A_78 : memref<128xi32, #tpu.memory_space<vmem>>) semaphore(%arg8 : memref<!tpu.dma_semaphore, #tpu.memory_space<semaphore_mem>>) {add = true}
      %mul3A_81 = arith.constant 4 : i32
      %mul3A_82 = arith.muli %scan3A_63, %mul3A_81 : i32
      %add3A_83 = arith.constant 2 : i32
      %add3A_84 = arith.addi %mul3A_82, %add3A_83 : i32
      %dma_start3A_85 = arith.constant 0 : i32
      %dma_start3A_86 = tpu.memref_slice %arg5[%add3A_84, %dma_start3A_85] : memref<80x128xi32, #tpu.memory_space<vmem>> -> memref<1x128xi32, #tpu.memory_space<vmem>>
      %dma_start3A_87 = tpu.memref_squeeze %dma_start3A_86 : memref<1x128xi32, #tpu.memory_space<vmem>> -> memref<128xi32, #tpu.memory_space<vmem>>
      %dma_start3A_88 = arith.constant 0 : i32
      %dma_start3A_89 = tpu.memref_slice %arg7[%dma_start3A_88] : memref<10240xf32, #tpu.memory_space<vmem_shared>> -> memref<10240xf32, #tpu.memory_space<vmem_shared>>
      tpu.enqueue_indirect_dma source(%arg6 : memref<128xf32, #tpu.memory_space<vmem>>) target(%dma_start3A_89 : memref<10240xf32, #tpu.memory_space<vmem_shared>>) offsets(%dma_start3A_87 : memref<128xi32, #tpu.memory_space<vmem>>) semaphore(%arg8 : memref<!tpu.dma_semaphore, #tpu.memory_space<semaphore_mem>>) {add = true}
      %mul3A_90 = arith.constant 4 : i32
      %mul3A_91 = arith.muli %scan3A_63, %mul3A_90 : i32
      %add3A_92 = arith.constant 3 : i32
      %add3A_93 = arith.addi %mul3A_91, %add3A_92 : i32
      %dma_start3A_94 = arith.constant 0 : i32
      %dma_start3A_95 = tpu.memref_slice %arg5[%add3A_93, %dma_start3A_94] : memref<80x128xi32, #tpu.memory_space<vmem>> -> memref<1x128xi32, #tpu.memory_space<vmem>>
      %dma_start3A_96 = tpu.memref_squeeze %dma_start3A_95 : memref<1x128xi32, #tpu.memory_space<vmem>> -> memref<128xi32, #tpu.memory_space<vmem>>
      %dma_start3A_97 = arith.constant 0 : i32
      %dma_start3A_98 = tpu.memref_slice %arg7[%dma_start3A_97] : memref<10240xf32, #tpu.memory_space<vmem_shared>> -> memref<10240xf32, #tpu.memory_space<vmem_shared>>
      tpu.enqueue_indirect_dma source(%arg6 : memref<128xf32, #tpu.memory_space<vmem>>) target(%dma_start3A_98 : memref<10240xf32, #tpu.memory_space<vmem_shared>>) offsets(%dma_start3A_96 : memref<128xi32, #tpu.memory_space<vmem>>) semaphore(%arg8 : memref<!tpu.dma_semaphore, #tpu.memory_space<semaphore_mem>>) {add = true}
      %dma_wait3A = arith.constant 0 : i32
      %dma_wait3A_99 = arith.constant 0 : i32
      %dma_wait3A_100 = tpu.memref_slice %arg5[%dma_wait3A, %dma_wait3A_99] : memref<80x128xi32, #tpu.memory_space<vmem>> -> memref<1x128xi32, #tpu.memory_space<vmem>>
      %dma_wait3A_101 = tpu.memref_squeeze %dma_wait3A_100 : memref<1x128xi32, #tpu.memory_space<vmem>> -> memref<128xi32, #tpu.memory_space<vmem>>
      %dma_wait3A_102 = arith.constant 0 : i32
      %dma_wait3A_103 = tpu.memref_slice %arg7[%dma_wait3A_102] : memref<10240xf32, #tpu.memory_space<vmem_shared>> -> memref<10240xf32, #tpu.memory_space<vmem_shared>>
      tpu.wait_indirect_dma semaphore(%arg8 : memref<!tpu.dma_semaphore, #tpu.memory_space<semaphore_mem>>) src(%arg6 : memref<128xf32, #tpu.memory_space<vmem>>) dst(%dma_wait3A_103 : memref<10240xf32, #tpu.memory_space<vmem_shared>>)
      %dma_wait3A_104 = arith.constant 0 : i32
      %dma_wait3A_105 = arith.constant 0 : i32
      %dma_wait3A_106 = tpu.memref_slice %arg5[%dma_wait3A_104, %dma_wait3A_105] : memref<80x128xi32, #tpu.memory_space<vmem>> -> memref<1x128xi32, #tpu.memory_space<vmem>>
      %dma_wait3A_107 = tpu.memref_squeeze %dma_wait3A_106 : memref<1x128xi32, #tpu.memory_space<vmem>> -> memref<128xi32, #tpu.memory_space<vmem>>
      %dma_wait3A_108 = arith.constant 0 : i32
      %dma_wait3A_109 = tpu.memref_slice %arg7[%dma_wait3A_108] : memref<10240xf32, #tpu.memory_space<vmem_shared>> -> memref<10240xf32, #tpu.memory_space<vmem_shared>>
      tpu.wait_indirect_dma semaphore(%arg8 : memref<!tpu.dma_semaphore, #tpu.memory_space<semaphore_mem>>) src(%arg6 : memref<128xf32, #tpu.memory_space<vmem>>) dst(%dma_wait3A_109 : memref<10240xf32, #tpu.memory_space<vmem_shared>>)
      %dma_wait3A_110 = arith.constant 0 : i32
      %dma_wait3A_111 = arith.constant 0 : i32
      %dma_wait3A_112 = tpu.memref_slice %arg5[%dma_wait3A_110, %dma_wait3A_111] : memref<80x128xi32, #tpu.memory_space<vmem>> -> memref<1x128xi32, #tpu.memory_space<vmem>>
      %dma_wait3A_113 = tpu.memref_squeeze %dma_wait3A_112 : memref<1x128xi32, #tpu.memory_space<vmem>> -> memref<128xi32, #tpu.memory_space<vmem>>
      %dma_wait3A_114 = arith.constant 0 : i32
      %dma_wait3A_115 = tpu.memref_slice %arg7[%dma_wait3A_114] : memref<10240xf32, #tpu.memory_space<vmem_shared>> -> memref<10240xf32, #tpu.memory_space<vmem_shared>>
      tpu.wait_indirect_dma semaphore(%arg8 : memref<!tpu.dma_semaphore, #tpu.memory_space<semaphore_mem>>) src(%arg6 : memref<128xf32, #tpu.memory_space<vmem>>) dst(%dma_wait3A_115 : memref<10240xf32, #tpu.memory_space<vmem_shared>>)
      %dma_wait3A_116 = arith.constant 0 : i32
      %dma_wait3A_117 = arith.constant 0 : i32
      %dma_wait3A_118 = tpu.memref_slice %arg5[%dma_wait3A_116, %dma_wait3A_117] : memref<80x128xi32, #tpu.memory_space<vmem>> -> memref<1x128xi32, #tpu.memory_space<vmem>>
      %dma_wait3A_119 = tpu.memref_squeeze %dma_wait3A_118 : memref<1x128xi32, #tpu.memory_space<vmem>> -> memref<128xi32, #tpu.memory_space<vmem>>
      %dma_wait3A_120 = arith.constant 0 : i32
      %dma_wait3A_121 = tpu.memref_slice %arg7[%dma_wait3A_120] : memref<10240xf32, #tpu.memory_space<vmem_shared>> -> memref<10240xf32, #tpu.memory_space<vmem_shared>>
      tpu.wait_indirect_dma semaphore(%arg8 : memref<!tpu.dma_semaphore, #tpu.memory_space<semaphore_mem>>) src(%arg6 : memref<128xf32, #tpu.memory_space<vmem>>) dst(%dma_wait3A_121 : memref<10240xf32, #tpu.memory_space<vmem_shared>>)
    }
    %scan3A_57 = arith.constant 20 : i32
    %barrier3A_58 = arith.constant 0 : index
    tpu.barrier barrier_id(%barrier3A_58)
    %mul3A_59 = arith.constant 640 : i32
    %mul3A_60 = arith.muli %arg1, %mul3A_59 : i32
    %mul3A_61 = arith.constant 640 : i32
    %mul3A_62 = arith.muli %arg1, %mul3A_61 : i32
    "tpu.region"() ({
      %run_scoped3A = tpu.sem_alloc : memref<!tpu.dma_semaphore, #tpu.memory_space<semaphore_mem>>
      %dma_start3A = tpu.memref_slice %arg4[%arg0, %mul3A_62] : memref<2x10240xf32, #tpu.memory_space<hbm>> -> memref<1x640xf32, #tpu.memory_space<hbm>>
      %dma_start3A_63 = tpu.memref_squeeze %dma_start3A : memref<1x640xf32, #tpu.memory_space<hbm>> -> memref<640xf32, #tpu.memory_space<hbm>>
      %dma_start3A_64 = tpu.memref_slice %arg7[%mul3A_60] : memref<10240xf32, #tpu.memory_space<vmem_shared>> -> memref<640xf32, #tpu.memory_space<vmem_shared>>
      tpu.enqueue_dma source(%dma_start3A_64 : memref<640xf32, #tpu.memory_space<vmem_shared>>) target(%dma_start3A_63 : memref<640xf32, #tpu.memory_space<hbm>>) target_semaphore(%run_scoped3A : memref<!tpu.dma_semaphore, #tpu.memory_space<semaphore_mem>>)
      %dma_wait3A = tpu.memref_slice %arg4[%arg0, %mul3A_62] : memref<2x10240xf32, #tpu.memory_space<hbm>> -> memref<1x640xf32, #tpu.memory_space<hbm>>
      %dma_wait3A_65 = tpu.memref_squeeze %dma_wait3A : memref<1x640xf32, #tpu.memory_space<hbm>> -> memref<640xf32, #tpu.memory_space<hbm>>
      %dma_wait3A_66 = tpu.memref_slice %arg7[%mul3A_60] : memref<10240xf32, #tpu.memory_space<vmem_shared>> -> memref<640xf32, #tpu.memory_space<vmem_shared>>
      tpu.wait_dma2 semaphore(%run_scoped3A : memref<!tpu.dma_semaphore, #tpu.memory_space<semaphore_mem>>) src(%dma_wait3A_66 : memref<640xf32, #tpu.memory_space<vmem_shared>>) dst(%dma_wait3A_65 : memref<640xf32, #tpu.memory_space<hbm>>)
      tpu.yield
    }) : () -> ()
    return
  }
}

#map = affine_map<(d0, d1) -> (0, 0)>
#map1 = affine_map<(d0, d1) -> (0, 0, 0)>
module attributes {stable_mosaic.version = 14 : i64} {
  func.func @agg(%arg0: i32, %arg1: i32, %arg2: memref<10240x32xf32, #tpu.memory_space<hbm>>, %arg3: memref<10240x32xf32, #tpu.memory_space<hbm>>, %arg4: memref<2560x128xi32, #tpu.memory_space<hbm>>, %arg5: memref<2560x128xi32, #tpu.memory_space<hbm>>, %arg6: memref<2x10240x32xf32, #tpu.memory_space<hbm>>, %arg7: memref<80x128xi32, #tpu.memory_space<vmem>>, %arg8: memref<80x128xi32, #tpu.memory_space<vmem>>, %arg9: memref<128x32xf32, #tpu.memory_space<vmem>>, %arg10: memref<128x32xf32, #tpu.memory_space<vmem>>, %arg11: memref<128x32xf32, #tpu.memory_space<vmem>>, %arg12: memref<128x32xf32, #tpu.memory_space<vmem>>, %arg13: memref<10240x32xf32, #tpu.memory_space<vmem_shared>>, %arg14: memref<!tpu.dma_semaphore, #tpu.memory_space<semaphore_mem>>, %arg15: memref<!tpu.dma_semaphore, #tpu.memory_space<semaphore_mem>>, %arg16: memref<!tpu.dma_semaphore, #tpu.memory_space<semaphore_mem>>, %arg17: memref<!tpu.dma_semaphore, #tpu.memory_space<semaphore_mem>>, %arg18: memref<!tpu.dma_semaphore, #tpu.memory_space<semaphore_mem>>, %arg19: memref<!tpu.dma_semaphore, #tpu.memory_space<semaphore_mem>>, %arg20: memref<!tpu.dma_semaphore, #tpu.memory_space<semaphore_mem>>, %arg21: memref<!tpu.dma_semaphore, #tpu.memory_space<semaphore_mem>>) attributes {dimension_semantics = [#tpu.dimension_semantics<core_parallel>, #tpu.dimension_semantics<subcore_parallel>], iteration_bounds = array<i64: 2, 16>, scalar_prefetch = 0 : i64, scratch_operands = 15 : i64, tpu.core_type = #tpu.core_type<sc_vector_subcore>, window_params = [{transform_indices = #map}, {transform_indices = #map}, {transform_indices = #map}, {transform_indices = #map}, {transform_indices = #map1}]} {
    %mul3A = arith.constant 16 : i32
    %mul3A_0 = arith.muli %arg0, %mul3A : i32
    %add3A = arith.addi %mul3A_0, %arg1 : i32
    %mul3A_1 = arith.constant 80 : i32
    %mul3A_2 = arith.muli %add3A, %mul3A_1 : i32
    "tpu.region"() ({
      %run_scoped3A = tpu.sem_alloc : memref<!tpu.dma_semaphore, #tpu.memory_space<semaphore_mem>>
      %dma_start3A_129 = arith.constant 0 : i32
      %dma_start3A_130 = tpu.memref_slice %arg4[%mul3A_2, %dma_start3A_129] : memref<2560x128xi32, #tpu.memory_space<hbm>> -> memref<80x128xi32, #tpu.memory_space<hbm>>
      %dma_start3A_131 = arith.constant 0 : i32
      %dma_start3A_132 = tpu.memref_slice %arg4[%mul3A_2, %dma_start3A_131] : memref<2560x128xi32, #tpu.memory_space<hbm>> -> memref<80x128xi32, #tpu.memory_space<hbm>>
      tpu.enqueue_dma source(%dma_start3A_132 : memref<80x128xi32, #tpu.memory_space<hbm>>) target(%arg7 : memref<80x128xi32, #tpu.memory_space<vmem>>) target_semaphore(%run_scoped3A : memref<!tpu.dma_semaphore, #tpu.memory_space<semaphore_mem>>)
      %dma_wait3A_133 = arith.constant 0 : i32
      %dma_wait3A_134 = tpu.memref_slice %arg4[%mul3A_2, %dma_wait3A_133] : memref<2560x128xi32, #tpu.memory_space<hbm>> -> memref<80x128xi32, #tpu.memory_space<hbm>>
      %dma_wait3A_135 = arith.constant 0 : i32
      %dma_wait3A_136 = tpu.memref_slice %arg4[%mul3A_2, %dma_wait3A_135] : memref<2560x128xi32, #tpu.memory_space<hbm>> -> memref<80x128xi32, #tpu.memory_space<hbm>>
      tpu.wait_dma2 semaphore(%run_scoped3A : memref<!tpu.dma_semaphore, #tpu.memory_space<semaphore_mem>>) src(%dma_wait3A_136 : memref<80x128xi32, #tpu.memory_space<hbm>>) dst(%arg7 : memref<80x128xi32, #tpu.memory_space<vmem>>)
      tpu.yield
    }) : () -> ()
    %mul3A_3 = arith.constant 80 : i32
    %mul3A_4 = arith.muli %add3A, %mul3A_3 : i32
    "tpu.region"() ({
      %run_scoped3A = tpu.sem_alloc : memref<!tpu.dma_semaphore, #tpu.memory_space<semaphore_mem>>
      %dma_start3A_129 = arith.constant 0 : i32
      %dma_start3A_130 = tpu.memref_slice %arg5[%mul3A_4, %dma_start3A_129] : memref<2560x128xi32, #tpu.memory_space<hbm>> -> memref<80x128xi32, #tpu.memory_space<hbm>>
      %dma_start3A_131 = arith.constant 0 : i32
      %dma_start3A_132 = tpu.memref_slice %arg5[%mul3A_4, %dma_start3A_131] : memref<2560x128xi32, #tpu.memory_space<hbm>> -> memref<80x128xi32, #tpu.memory_space<hbm>>
      tpu.enqueue_dma source(%dma_start3A_132 : memref<80x128xi32, #tpu.memory_space<hbm>>) target(%arg8 : memref<80x128xi32, #tpu.memory_space<vmem>>) target_semaphore(%run_scoped3A : memref<!tpu.dma_semaphore, #tpu.memory_space<semaphore_mem>>)
      %dma_wait3A_133 = arith.constant 0 : i32
      %dma_wait3A_134 = tpu.memref_slice %arg5[%mul3A_4, %dma_wait3A_133] : memref<2560x128xi32, #tpu.memory_space<hbm>> -> memref<80x128xi32, #tpu.memory_space<hbm>>
      %dma_wait3A_135 = arith.constant 0 : i32
      %dma_wait3A_136 = tpu.memref_slice %arg5[%mul3A_4, %dma_wait3A_135] : memref<2560x128xi32, #tpu.memory_space<hbm>> -> memref<80x128xi32, #tpu.memory_space<hbm>>
      tpu.wait_dma2 semaphore(%run_scoped3A : memref<!tpu.dma_semaphore, #tpu.memory_space<semaphore_mem>>) src(%dma_wait3A_136 : memref<80x128xi32, #tpu.memory_space<hbm>>) dst(%arg8 : memref<80x128xi32, #tpu.memory_space<vmem>>)
      tpu.yield
    }) : () -> ()
    %mul3A_5 = arith.constant 640 : i32
    %mul3A_6 = arith.muli %arg1, %mul3A_5 : i32
    %mul3A_7 = arith.constant 640 : i32
    %mul3A_8 = arith.muli %arg1, %mul3A_7 : i32
    "tpu.region"() ({
      %run_scoped3A = tpu.sem_alloc : memref<!tpu.dma_semaphore, #tpu.memory_space<semaphore_mem>>
      %dma_start3A_129 = arith.constant 0 : i32
      %dma_start3A_130 = tpu.memref_slice %arg13[%mul3A_8, %dma_start3A_129] : memref<10240x32xf32, #tpu.memory_space<vmem_shared>> -> memref<640x32xf32, #tpu.memory_space<vmem_shared>>
      %dma_start3A_131 = arith.constant 0 : i32
      %dma_start3A_132 = tpu.memref_slice %arg3[%mul3A_6, %dma_start3A_131] : memref<10240x32xf32, #tpu.memory_space<hbm>> -> memref<640x32xf32, #tpu.memory_space<hbm>>
      tpu.enqueue_dma source(%dma_start3A_132 : memref<640x32xf32, #tpu.memory_space<hbm>>) target(%dma_start3A_130 : memref<640x32xf32, #tpu.memory_space<vmem_shared>>) target_semaphore(%run_scoped3A : memref<!tpu.dma_semaphore, #tpu.memory_space<semaphore_mem>>)
      %dma_wait3A_133 = arith.constant 0 : i32
      %dma_wait3A_134 = tpu.memref_slice %arg13[%mul3A_8, %dma_wait3A_133] : memref<10240x32xf32, #tpu.memory_space<vmem_shared>> -> memref<640x32xf32, #tpu.memory_space<vmem_shared>>
      %dma_wait3A_135 = arith.constant 0 : i32
      %dma_wait3A_136 = tpu.memref_slice %arg3[%mul3A_6, %dma_wait3A_135] : memref<10240x32xf32, #tpu.memory_space<hbm>> -> memref<640x32xf32, #tpu.memory_space<hbm>>
      tpu.wait_dma2 semaphore(%run_scoped3A : memref<!tpu.dma_semaphore, #tpu.memory_space<semaphore_mem>>) src(%dma_wait3A_136 : memref<640x32xf32, #tpu.memory_space<hbm>>) dst(%dma_wait3A_134 : memref<640x32xf32, #tpu.memory_space<vmem_shared>>)
      tpu.yield
    }) : () -> ()
    %barrier3A = arith.constant 0 : index
    tpu.barrier barrier_id(%barrier3A)
    %dma_start3A = arith.constant 0 : i32
    %dma_start3A_9 = arith.constant 0 : i32
    %dma_start3A_10 = tpu.memref_slice %arg7[%dma_start3A, %dma_start3A_9] : memref<80x128xi32, #tpu.memory_space<vmem>> -> memref<1x128xi32, #tpu.memory_space<vmem>>
    %dma_start3A_11 = tpu.memref_squeeze %dma_start3A_10 : memref<1x128xi32, #tpu.memory_space<vmem>> -> memref<128xi32, #tpu.memory_space<vmem>>
    %dma_start3A_12 = arith.constant 0 : i32
    %dma_start3A_13 = arith.constant 0 : i32
    %dma_start3A_14 = tpu.memref_slice %arg2[%dma_start3A_12, %dma_start3A_13] : memref<10240x32xf32, #tpu.memory_space<hbm>> -> memref<10240x32xf32, #tpu.memory_space<hbm>>
    tpu.enqueue_indirect_dma source(%dma_start3A_14 : memref<10240x32xf32, #tpu.memory_space<hbm>>) target(%arg9 : memref<128x32xf32, #tpu.memory_space<vmem>>) offsets(%dma_start3A_11 : memref<128xi32, #tpu.memory_space<vmem>>) semaphore(%arg14 : memref<!tpu.dma_semaphore, #tpu.memory_space<semaphore_mem>>)
    %dma_wait3A = arith.constant 0 : i32
    %dma_wait3A_15 = arith.constant 0 : i32
    %dma_wait3A_16 = tpu.memref_slice %arg7[%dma_wait3A, %dma_wait3A_15] : memref<80x128xi32, #tpu.memory_space<vmem>> -> memref<1x128xi32, #tpu.memory_space<vmem>>
    %dma_wait3A_17 = tpu.memref_squeeze %dma_wait3A_16 : memref<1x128xi32, #tpu.memory_space<vmem>> -> memref<128xi32, #tpu.memory_space<vmem>>
    %dma_wait3A_18 = arith.constant 0 : i32
    %dma_wait3A_19 = arith.constant 0 : i32
    %dma_wait3A_20 = tpu.memref_slice %arg2[%dma_wait3A_18, %dma_wait3A_19] : memref<10240x32xf32, #tpu.memory_space<hbm>> -> memref<10240x32xf32, #tpu.memory_space<hbm>>
    tpu.wait_indirect_dma semaphore(%arg14 : memref<!tpu.dma_semaphore, #tpu.memory_space<semaphore_mem>>) src(%dma_wait3A_20 : memref<10240x32xf32, #tpu.memory_space<hbm>>) dst(%arg9 : memref<128x32xf32, #tpu.memory_space<vmem>>)
    %dma_start3A_21 = arith.constant 0 : i32
    %dma_start3A_22 = arith.constant 0 : i32
    %dma_start3A_23 = tpu.memref_slice %arg8[%dma_start3A_21, %dma_start3A_22] : memref<80x128xi32, #tpu.memory_space<vmem>> -> memref<1x128xi32, #tpu.memory_space<vmem>>
    %dma_start3A_24 = tpu.memref_squeeze %dma_start3A_23 : memref<1x128xi32, #tpu.memory_space<vmem>> -> memref<128xi32, #tpu.memory_space<vmem>>
    %dma_start3A_25 = arith.constant 0 : i32
    %dma_start3A_26 = arith.constant 0 : i32
    %dma_start3A_27 = tpu.memref_slice %arg13[%dma_start3A_25, %dma_start3A_26] : memref<10240x32xf32, #tpu.memory_space<vmem_shared>> -> memref<10240x32xf32, #tpu.memory_space<vmem_shared>>
    tpu.enqueue_indirect_dma source(%arg9 : memref<128x32xf32, #tpu.memory_space<vmem>>) target(%dma_start3A_27 : memref<10240x32xf32, #tpu.memory_space<vmem_shared>>) offsets(%dma_start3A_24 : memref<128xi32, #tpu.memory_space<vmem>>) semaphore(%arg18 : memref<!tpu.dma_semaphore, #tpu.memory_space<semaphore_mem>>) {add = true}
    %dma_start3A_28 = arith.constant 1 : i32
    %dma_start3A_29 = arith.constant 0 : i32
    %dma_start3A_30 = tpu.memref_slice %arg7[%dma_start3A_28, %dma_start3A_29] : memref<80x128xi32, #tpu.memory_space<vmem>> -> memref<1x128xi32, #tpu.memory_space<vmem>>
    %dma_start3A_31 = tpu.memref_squeeze %dma_start3A_30 : memref<1x128xi32, #tpu.memory_space<vmem>> -> memref<128xi32, #tpu.memory_space<vmem>>
    %dma_start3A_32 = arith.constant 0 : i32
    %dma_start3A_33 = arith.constant 0 : i32
    %dma_start3A_34 = tpu.memref_slice %arg2[%dma_start3A_32, %dma_start3A_33] : memref<10240x32xf32, #tpu.memory_space<hbm>> -> memref<10240x32xf32, #tpu.memory_space<hbm>>
    tpu.enqueue_indirect_dma source(%dma_start3A_34 : memref<10240x32xf32, #tpu.memory_space<hbm>>) target(%arg10 : memref<128x32xf32, #tpu.memory_space<vmem>>) offsets(%dma_start3A_31 : memref<128xi32, #tpu.memory_space<vmem>>) semaphore(%arg15 : memref<!tpu.dma_semaphore, #tpu.memory_space<semaphore_mem>>)
    %dma_wait3A_35 = arith.constant 1 : i32
    %dma_wait3A_36 = arith.constant 0 : i32
    %dma_wait3A_37 = tpu.memref_slice %arg7[%dma_wait3A_35, %dma_wait3A_36] : memref<80x128xi32, #tpu.memory_space<vmem>> -> memref<1x128xi32, #tpu.memory_space<vmem>>
    %dma_wait3A_38 = tpu.memref_squeeze %dma_wait3A_37 : memref<1x128xi32, #tpu.memory_space<vmem>> -> memref<128xi32, #tpu.memory_space<vmem>>
    %dma_wait3A_39 = arith.constant 0 : i32
    %dma_wait3A_40 = arith.constant 0 : i32
    %dma_wait3A_41 = tpu.memref_slice %arg2[%dma_wait3A_39, %dma_wait3A_40] : memref<10240x32xf32, #tpu.memory_space<hbm>> -> memref<10240x32xf32, #tpu.memory_space<hbm>>
    tpu.wait_indirect_dma semaphore(%arg15 : memref<!tpu.dma_semaphore, #tpu.memory_space<semaphore_mem>>) src(%dma_wait3A_41 : memref<10240x32xf32, #tpu.memory_space<hbm>>) dst(%arg10 : memref<128x32xf32, #tpu.memory_space<vmem>>)
    %dma_start3A_42 = arith.constant 1 : i32
    %dma_start3A_43 = arith.constant 0 : i32
    %dma_start3A_44 = tpu.memref_slice %arg8[%dma_start3A_42, %dma_start3A_43] : memref<80x128xi32, #tpu.memory_space<vmem>> -> memref<1x128xi32, #tpu.memory_space<vmem>>
    %dma_start3A_45 = tpu.memref_squeeze %dma_start3A_44 : memref<1x128xi32, #tpu.memory_space<vmem>> -> memref<128xi32, #tpu.memory_space<vmem>>
    %dma_start3A_46 = arith.constant 0 : i32
    %dma_start3A_47 = arith.constant 0 : i32
    %dma_start3A_48 = tpu.memref_slice %arg13[%dma_start3A_46, %dma_start3A_47] : memref<10240x32xf32, #tpu.memory_space<vmem_shared>> -> memref<10240x32xf32, #tpu.memory_space<vmem_shared>>
    tpu.enqueue_indirect_dma source(%arg10 : memref<128x32xf32, #tpu.memory_space<vmem>>) target(%dma_start3A_48 : memref<10240x32xf32, #tpu.memory_space<vmem_shared>>) offsets(%dma_start3A_45 : memref<128xi32, #tpu.memory_space<vmem>>) semaphore(%arg19 : memref<!tpu.dma_semaphore, #tpu.memory_space<semaphore_mem>>) {add = true}
    %dma_start3A_49 = arith.constant 2 : i32
    %dma_start3A_50 = arith.constant 0 : i32
    %dma_start3A_51 = tpu.memref_slice %arg7[%dma_start3A_49, %dma_start3A_50] : memref<80x128xi32, #tpu.memory_space<vmem>> -> memref<1x128xi32, #tpu.memory_space<vmem>>
    %dma_start3A_52 = tpu.memref_squeeze %dma_start3A_51 : memref<1x128xi32, #tpu.memory_space<vmem>> -> memref<128xi32, #tpu.memory_space<vmem>>
    %dma_start3A_53 = arith.constant 0 : i32
    %dma_start3A_54 = arith.constant 0 : i32
    %dma_start3A_55 = tpu.memref_slice %arg2[%dma_start3A_53, %dma_start3A_54] : memref<10240x32xf32, #tpu.memory_space<hbm>> -> memref<10240x32xf32, #tpu.memory_space<hbm>>
    tpu.enqueue_indirect_dma source(%dma_start3A_55 : memref<10240x32xf32, #tpu.memory_space<hbm>>) target(%arg11 : memref<128x32xf32, #tpu.memory_space<vmem>>) offsets(%dma_start3A_52 : memref<128xi32, #tpu.memory_space<vmem>>) semaphore(%arg16 : memref<!tpu.dma_semaphore, #tpu.memory_space<semaphore_mem>>)
    %dma_wait3A_56 = arith.constant 2 : i32
    %dma_wait3A_57 = arith.constant 0 : i32
    %dma_wait3A_58 = tpu.memref_slice %arg7[%dma_wait3A_56, %dma_wait3A_57] : memref<80x128xi32, #tpu.memory_space<vmem>> -> memref<1x128xi32, #tpu.memory_space<vmem>>
    %dma_wait3A_59 = tpu.memref_squeeze %dma_wait3A_58 : memref<1x128xi32, #tpu.memory_space<vmem>> -> memref<128xi32, #tpu.memory_space<vmem>>
    %dma_wait3A_60 = arith.constant 0 : i32
    %dma_wait3A_61 = arith.constant 0 : i32
    %dma_wait3A_62 = tpu.memref_slice %arg2[%dma_wait3A_60, %dma_wait3A_61] : memref<10240x32xf32, #tpu.memory_space<hbm>> -> memref<10240x32xf32, #tpu.memory_space<hbm>>
    tpu.wait_indirect_dma semaphore(%arg16 : memref<!tpu.dma_semaphore, #tpu.memory_space<semaphore_mem>>) src(%dma_wait3A_62 : memref<10240x32xf32, #tpu.memory_space<hbm>>) dst(%arg11 : memref<128x32xf32, #tpu.memory_space<vmem>>)
    %dma_start3A_63 = arith.constant 2 : i32
    %dma_start3A_64 = arith.constant 0 : i32
    %dma_start3A_65 = tpu.memref_slice %arg8[%dma_start3A_63, %dma_start3A_64] : memref<80x128xi32, #tpu.memory_space<vmem>> -> memref<1x128xi32, #tpu.memory_space<vmem>>
    %dma_start3A_66 = tpu.memref_squeeze %dma_start3A_65 : memref<1x128xi32, #tpu.memory_space<vmem>> -> memref<128xi32, #tpu.memory_space<vmem>>
    %dma_start3A_67 = arith.constant 0 : i32
    %dma_start3A_68 = arith.constant 0 : i32
    %dma_start3A_69 = tpu.memref_slice %arg13[%dma_start3A_67, %dma_start3A_68] : memref<10240x32xf32, #tpu.memory_space<vmem_shared>> -> memref<10240x32xf32, #tpu.memory_space<vmem_shared>>
    tpu.enqueue_indirect_dma source(%arg11 : memref<128x32xf32, #tpu.memory_space<vmem>>) target(%dma_start3A_69 : memref<10240x32xf32, #tpu.memory_space<vmem_shared>>) offsets(%dma_start3A_66 : memref<128xi32, #tpu.memory_space<vmem>>) semaphore(%arg20 : memref<!tpu.dma_semaphore, #tpu.memory_space<semaphore_mem>>) {add = true}
    %dma_start3A_70 = arith.constant 3 : i32
    %dma_start3A_71 = arith.constant 0 : i32
    %dma_start3A_72 = tpu.memref_slice %arg7[%dma_start3A_70, %dma_start3A_71] : memref<80x128xi32, #tpu.memory_space<vmem>> -> memref<1x128xi32, #tpu.memory_space<vmem>>
    %dma_start3A_73 = tpu.memref_squeeze %dma_start3A_72 : memref<1x128xi32, #tpu.memory_space<vmem>> -> memref<128xi32, #tpu.memory_space<vmem>>
    %dma_start3A_74 = arith.constant 0 : i32
    %dma_start3A_75 = arith.constant 0 : i32
    %dma_start3A_76 = tpu.memref_slice %arg2[%dma_start3A_74, %dma_start3A_75] : memref<10240x32xf32, #tpu.memory_space<hbm>> -> memref<10240x32xf32, #tpu.memory_space<hbm>>
    tpu.enqueue_indirect_dma source(%dma_start3A_76 : memref<10240x32xf32, #tpu.memory_space<hbm>>) target(%arg12 : memref<128x32xf32, #tpu.memory_space<vmem>>) offsets(%dma_start3A_73 : memref<128xi32, #tpu.memory_space<vmem>>) semaphore(%arg17 : memref<!tpu.dma_semaphore, #tpu.memory_space<semaphore_mem>>)
    %dma_wait3A_77 = arith.constant 3 : i32
    %dma_wait3A_78 = arith.constant 0 : i32
    %dma_wait3A_79 = tpu.memref_slice %arg7[%dma_wait3A_77, %dma_wait3A_78] : memref<80x128xi32, #tpu.memory_space<vmem>> -> memref<1x128xi32, #tpu.memory_space<vmem>>
    %dma_wait3A_80 = tpu.memref_squeeze %dma_wait3A_79 : memref<1x128xi32, #tpu.memory_space<vmem>> -> memref<128xi32, #tpu.memory_space<vmem>>
    %dma_wait3A_81 = arith.constant 0 : i32
    %dma_wait3A_82 = arith.constant 0 : i32
    %dma_wait3A_83 = tpu.memref_slice %arg2[%dma_wait3A_81, %dma_wait3A_82] : memref<10240x32xf32, #tpu.memory_space<hbm>> -> memref<10240x32xf32, #tpu.memory_space<hbm>>
    tpu.wait_indirect_dma semaphore(%arg17 : memref<!tpu.dma_semaphore, #tpu.memory_space<semaphore_mem>>) src(%dma_wait3A_83 : memref<10240x32xf32, #tpu.memory_space<hbm>>) dst(%arg12 : memref<128x32xf32, #tpu.memory_space<vmem>>)
    %dma_start3A_84 = arith.constant 3 : i32
    %dma_start3A_85 = arith.constant 0 : i32
    %dma_start3A_86 = tpu.memref_slice %arg8[%dma_start3A_84, %dma_start3A_85] : memref<80x128xi32, #tpu.memory_space<vmem>> -> memref<1x128xi32, #tpu.memory_space<vmem>>
    %dma_start3A_87 = tpu.memref_squeeze %dma_start3A_86 : memref<1x128xi32, #tpu.memory_space<vmem>> -> memref<128xi32, #tpu.memory_space<vmem>>
    %dma_start3A_88 = arith.constant 0 : i32
    %dma_start3A_89 = arith.constant 0 : i32
    %dma_start3A_90 = tpu.memref_slice %arg13[%dma_start3A_88, %dma_start3A_89] : memref<10240x32xf32, #tpu.memory_space<vmem_shared>> -> memref<10240x32xf32, #tpu.memory_space<vmem_shared>>
    tpu.enqueue_indirect_dma source(%arg12 : memref<128x32xf32, #tpu.memory_space<vmem>>) target(%dma_start3A_90 : memref<10240x32xf32, #tpu.memory_space<vmem_shared>>) offsets(%dma_start3A_87 : memref<128xi32, #tpu.memory_space<vmem>>) semaphore(%arg21 : memref<!tpu.dma_semaphore, #tpu.memory_space<semaphore_mem>>) {add = true}
    %scan3A = arith.constant 0 : i32
    %scan3A_91 = arith.constant 1 : i32
    %scan3A_92 = arith.constant 19 : i32
    %scan3A_93 = arith.addi %scan3A_91, %scan3A_92 : i32
    %scan3A_94 = arith.constant 1 : i32
    scf.for %scan3A_129 = %scan3A_91 to %scan3A_93 step %scan3A_94  : i32 {
      %mul3A_130 = arith.constant 4 : i32
      %mul3A_131 = arith.muli %scan3A_129, %mul3A_130 : i32
      %add3A_132 = arith.constant 0 : i32
      %add3A_133 = arith.addi %mul3A_131, %add3A_132 : i32
      %dma_wait3A_134 = arith.constant 0 : i32
      %dma_wait3A_135 = arith.constant 0 : i32
      %dma_wait3A_136 = tpu.memref_slice %arg8[%dma_wait3A_134, %dma_wait3A_135] : memref<80x128xi32, #tpu.memory_space<vmem>> -> memref<1x128xi32, #tpu.memory_space<vmem>>
      %dma_wait3A_137 = tpu.memref_squeeze %dma_wait3A_136 : memref<1x128xi32, #tpu.memory_space<vmem>> -> memref<128xi32, #tpu.memory_space<vmem>>
      %dma_wait3A_138 = arith.constant 0 : i32
      %dma_wait3A_139 = arith.constant 0 : i32
      %dma_wait3A_140 = tpu.memref_slice %arg13[%dma_wait3A_138, %dma_wait3A_139] : memref<10240x32xf32, #tpu.memory_space<vmem_shared>> -> memref<10240x32xf32, #tpu.memory_space<vmem_shared>>
      tpu.wait_indirect_dma semaphore(%arg18 : memref<!tpu.dma_semaphore, #tpu.memory_space<semaphore_mem>>) src(%arg9 : memref<128x32xf32, #tpu.memory_space<vmem>>) dst(%dma_wait3A_140 : memref<10240x32xf32, #tpu.memory_space<vmem_shared>>)
      %dma_start3A_141 = arith.constant 0 : i32
      %dma_start3A_142 = tpu.memref_slice %arg7[%add3A_133, %dma_start3A_141] : memref<80x128xi32, #tpu.memory_space<vmem>> -> memref<1x128xi32, #tpu.memory_space<vmem>>
      %dma_start3A_143 = tpu.memref_squeeze %dma_start3A_142 : memref<1x128xi32, #tpu.memory_space<vmem>> -> memref<128xi32, #tpu.memory_space<vmem>>
      %dma_start3A_144 = arith.constant 0 : i32
      %dma_start3A_145 = arith.constant 0 : i32
      %dma_start3A_146 = tpu.memref_slice %arg2[%dma_start3A_144, %dma_start3A_145] : memref<10240x32xf32, #tpu.memory_space<hbm>> -> memref<10240x32xf32, #tpu.memory_space<hbm>>
      tpu.enqueue_indirect_dma source(%dma_start3A_146 : memref<10240x32xf32, #tpu.memory_space<hbm>>) target(%arg9 : memref<128x32xf32, #tpu.memory_space<vmem>>) offsets(%dma_start3A_143 : memref<128xi32, #tpu.memory_space<vmem>>) semaphore(%arg14 : memref<!tpu.dma_semaphore, #tpu.memory_space<semaphore_mem>>)
      %dma_wait3A_147 = arith.constant 0 : i32
      %dma_wait3A_148 = tpu.memref_slice %arg7[%add3A_133, %dma_wait3A_147] : memref<80x128xi32, #tpu.memory_space<vmem>> -> memref<1x128xi32, #tpu.memory_space<vmem>>
      %dma_wait3A_149 = tpu.memref_squeeze %dma_wait3A_148 : memref<1x128xi32, #tpu.memory_space<vmem>> -> memref<128xi32, #tpu.memory_space<vmem>>
      %dma_wait3A_150 = arith.constant 0 : i32
      %dma_wait3A_151 = arith.constant 0 : i32
      %dma_wait3A_152 = tpu.memref_slice %arg2[%dma_wait3A_150, %dma_wait3A_151] : memref<10240x32xf32, #tpu.memory_space<hbm>> -> memref<10240x32xf32, #tpu.memory_space<hbm>>
      tpu.wait_indirect_dma semaphore(%arg14 : memref<!tpu.dma_semaphore, #tpu.memory_space<semaphore_mem>>) src(%dma_wait3A_152 : memref<10240x32xf32, #tpu.memory_space<hbm>>) dst(%arg9 : memref<128x32xf32, #tpu.memory_space<vmem>>)
      %dma_start3A_153 = arith.constant 0 : i32
      %dma_start3A_154 = tpu.memref_slice %arg8[%add3A_133, %dma_start3A_153] : memref<80x128xi32, #tpu.memory_space<vmem>> -> memref<1x128xi32, #tpu.memory_space<vmem>>
      %dma_start3A_155 = tpu.memref_squeeze %dma_start3A_154 : memref<1x128xi32, #tpu.memory_space<vmem>> -> memref<128xi32, #tpu.memory_space<vmem>>
      %dma_start3A_156 = arith.constant 0 : i32
      %dma_start3A_157 = arith.constant 0 : i32
      %dma_start3A_158 = tpu.memref_slice %arg13[%dma_start3A_156, %dma_start3A_157] : memref<10240x32xf32, #tpu.memory_space<vmem_shared>> -> memref<10240x32xf32, #tpu.memory_space<vmem_shared>>
      tpu.enqueue_indirect_dma source(%arg9 : memref<128x32xf32, #tpu.memory_space<vmem>>) target(%dma_start3A_158 : memref<10240x32xf32, #tpu.memory_space<vmem_shared>>) offsets(%dma_start3A_155 : memref<128xi32, #tpu.memory_space<vmem>>) semaphore(%arg18 : memref<!tpu.dma_semaphore, #tpu.memory_space<semaphore_mem>>) {add = true}
      %mul3A_159 = arith.constant 4 : i32
      %mul3A_160 = arith.muli %scan3A_129, %mul3A_159 : i32
      %add3A_161 = arith.constant 1 : i32
      %add3A_162 = arith.addi %mul3A_160, %add3A_161 : i32
      %dma_wait3A_163 = arith.constant 0 : i32
      %dma_wait3A_164 = arith.constant 0 : i32
      %dma_wait3A_165 = tpu.memref_slice %arg8[%dma_wait3A_163, %dma_wait3A_164] : memref<80x128xi32, #tpu.memory_space<vmem>> -> memref<1x128xi32, #tpu.memory_space<vmem>>
      %dma_wait3A_166 = tpu.memref_squeeze %dma_wait3A_165 : memref<1x128xi32, #tpu.memory_space<vmem>> -> memref<128xi32, #tpu.memory_space<vmem>>
      %dma_wait3A_167 = arith.constant 0 : i32
      %dma_wait3A_168 = arith.constant 0 : i32
      %dma_wait3A_169 = tpu.memref_slice %arg13[%dma_wait3A_167, %dma_wait3A_168] : memref<10240x32xf32, #tpu.memory_space<vmem_shared>> -> memref<10240x32xf32, #tpu.memory_space<vmem_shared>>
      tpu.wait_indirect_dma semaphore(%arg19 : memref<!tpu.dma_semaphore, #tpu.memory_space<semaphore_mem>>) src(%arg10 : memref<128x32xf32, #tpu.memory_space<vmem>>) dst(%dma_wait3A_169 : memref<10240x32xf32, #tpu.memory_space<vmem_shared>>)
      %dma_start3A_170 = arith.constant 0 : i32
      %dma_start3A_171 = tpu.memref_slice %arg7[%add3A_162, %dma_start3A_170] : memref<80x128xi32, #tpu.memory_space<vmem>> -> memref<1x128xi32, #tpu.memory_space<vmem>>
      %dma_start3A_172 = tpu.memref_squeeze %dma_start3A_171 : memref<1x128xi32, #tpu.memory_space<vmem>> -> memref<128xi32, #tpu.memory_space<vmem>>
      %dma_start3A_173 = arith.constant 0 : i32
      %dma_start3A_174 = arith.constant 0 : i32
      %dma_start3A_175 = tpu.memref_slice %arg2[%dma_start3A_173, %dma_start3A_174] : memref<10240x32xf32, #tpu.memory_space<hbm>> -> memref<10240x32xf32, #tpu.memory_space<hbm>>
      tpu.enqueue_indirect_dma source(%dma_start3A_175 : memref<10240x32xf32, #tpu.memory_space<hbm>>) target(%arg10 : memref<128x32xf32, #tpu.memory_space<vmem>>) offsets(%dma_start3A_172 : memref<128xi32, #tpu.memory_space<vmem>>) semaphore(%arg15 : memref<!tpu.dma_semaphore, #tpu.memory_space<semaphore_mem>>)
      %dma_wait3A_176 = arith.constant 0 : i32
      %dma_wait3A_177 = tpu.memref_slice %arg7[%add3A_162, %dma_wait3A_176] : memref<80x128xi32, #tpu.memory_space<vmem>> -> memref<1x128xi32, #tpu.memory_space<vmem>>
      %dma_wait3A_178 = tpu.memref_squeeze %dma_wait3A_177 : memref<1x128xi32, #tpu.memory_space<vmem>> -> memref<128xi32, #tpu.memory_space<vmem>>
      %dma_wait3A_179 = arith.constant 0 : i32
      %dma_wait3A_180 = arith.constant 0 : i32
      %dma_wait3A_181 = tpu.memref_slice %arg2[%dma_wait3A_179, %dma_wait3A_180] : memref<10240x32xf32, #tpu.memory_space<hbm>> -> memref<10240x32xf32, #tpu.memory_space<hbm>>
      tpu.wait_indirect_dma semaphore(%arg15 : memref<!tpu.dma_semaphore, #tpu.memory_space<semaphore_mem>>) src(%dma_wait3A_181 : memref<10240x32xf32, #tpu.memory_space<hbm>>) dst(%arg10 : memref<128x32xf32, #tpu.memory_space<vmem>>)
      %dma_start3A_182 = arith.constant 0 : i32
      %dma_start3A_183 = tpu.memref_slice %arg8[%add3A_162, %dma_start3A_182] : memref<80x128xi32, #tpu.memory_space<vmem>> -> memref<1x128xi32, #tpu.memory_space<vmem>>
      %dma_start3A_184 = tpu.memref_squeeze %dma_start3A_183 : memref<1x128xi32, #tpu.memory_space<vmem>> -> memref<128xi32, #tpu.memory_space<vmem>>
      %dma_start3A_185 = arith.constant 0 : i32
      %dma_start3A_186 = arith.constant 0 : i32
      %dma_start3A_187 = tpu.memref_slice %arg13[%dma_start3A_185, %dma_start3A_186] : memref<10240x32xf32, #tpu.memory_space<vmem_shared>> -> memref<10240x32xf32, #tpu.memory_space<vmem_shared>>
      tpu.enqueue_indirect_dma source(%arg10 : memref<128x32xf32, #tpu.memory_space<vmem>>) target(%dma_start3A_187 : memref<10240x32xf32, #tpu.memory_space<vmem_shared>>) offsets(%dma_start3A_184 : memref<128xi32, #tpu.memory_space<vmem>>) semaphore(%arg19 : memref<!tpu.dma_semaphore, #tpu.memory_space<semaphore_mem>>) {add = true}
      %mul3A_188 = arith.constant 4 : i32
      %mul3A_189 = arith.muli %scan3A_129, %mul3A_188 : i32
      %add3A_190 = arith.constant 2 : i32
      %add3A_191 = arith.addi %mul3A_189, %add3A_190 : i32
      %dma_wait3A_192 = arith.constant 0 : i32
      %dma_wait3A_193 = arith.constant 0 : i32
      %dma_wait3A_194 = tpu.memref_slice %arg8[%dma_wait3A_192, %dma_wait3A_193] : memref<80x128xi32, #tpu.memory_space<vmem>> -> memref<1x128xi32, #tpu.memory_space<vmem>>
      %dma_wait3A_195 = tpu.memref_squeeze %dma_wait3A_194 : memref<1x128xi32, #tpu.memory_space<vmem>> -> memref<128xi32, #tpu.memory_space<vmem>>
      %dma_wait3A_196 = arith.constant 0 : i32
      %dma_wait3A_197 = arith.constant 0 : i32
      %dma_wait3A_198 = tpu.memref_slice %arg13[%dma_wait3A_196, %dma_wait3A_197] : memref<10240x32xf32, #tpu.memory_space<vmem_shared>> -> memref<10240x32xf32, #tpu.memory_space<vmem_shared>>
      tpu.wait_indirect_dma semaphore(%arg20 : memref<!tpu.dma_semaphore, #tpu.memory_space<semaphore_mem>>) src(%arg11 : memref<128x32xf32, #tpu.memory_space<vmem>>) dst(%dma_wait3A_198 : memref<10240x32xf32, #tpu.memory_space<vmem_shared>>)
      %dma_start3A_199 = arith.constant 0 : i32
      %dma_start3A_200 = tpu.memref_slice %arg7[%add3A_191, %dma_start3A_199] : memref<80x128xi32, #tpu.memory_space<vmem>> -> memref<1x128xi32, #tpu.memory_space<vmem>>
      %dma_start3A_201 = tpu.memref_squeeze %dma_start3A_200 : memref<1x128xi32, #tpu.memory_space<vmem>> -> memref<128xi32, #tpu.memory_space<vmem>>
      %dma_start3A_202 = arith.constant 0 : i32
      %dma_start3A_203 = arith.constant 0 : i32
      %dma_start3A_204 = tpu.memref_slice %arg2[%dma_start3A_202, %dma_start3A_203] : memref<10240x32xf32, #tpu.memory_space<hbm>> -> memref<10240x32xf32, #tpu.memory_space<hbm>>
      tpu.enqueue_indirect_dma source(%dma_start3A_204 : memref<10240x32xf32, #tpu.memory_space<hbm>>) target(%arg11 : memref<128x32xf32, #tpu.memory_space<vmem>>) offsets(%dma_start3A_201 : memref<128xi32, #tpu.memory_space<vmem>>) semaphore(%arg16 : memref<!tpu.dma_semaphore, #tpu.memory_space<semaphore_mem>>)
      %dma_wait3A_205 = arith.constant 0 : i32
      %dma_wait3A_206 = tpu.memref_slice %arg7[%add3A_191, %dma_wait3A_205] : memref<80x128xi32, #tpu.memory_space<vmem>> -> memref<1x128xi32, #tpu.memory_space<vmem>>
      %dma_wait3A_207 = tpu.memref_squeeze %dma_wait3A_206 : memref<1x128xi32, #tpu.memory_space<vmem>> -> memref<128xi32, #tpu.memory_space<vmem>>
      %dma_wait3A_208 = arith.constant 0 : i32
      %dma_wait3A_209 = arith.constant 0 : i32
      %dma_wait3A_210 = tpu.memref_slice %arg2[%dma_wait3A_208, %dma_wait3A_209] : memref<10240x32xf32, #tpu.memory_space<hbm>> -> memref<10240x32xf32, #tpu.memory_space<hbm>>
      tpu.wait_indirect_dma semaphore(%arg16 : memref<!tpu.dma_semaphore, #tpu.memory_space<semaphore_mem>>) src(%dma_wait3A_210 : memref<10240x32xf32, #tpu.memory_space<hbm>>) dst(%arg11 : memref<128x32xf32, #tpu.memory_space<vmem>>)
      %dma_start3A_211 = arith.constant 0 : i32
      %dma_start3A_212 = tpu.memref_slice %arg8[%add3A_191, %dma_start3A_211] : memref<80x128xi32, #tpu.memory_space<vmem>> -> memref<1x128xi32, #tpu.memory_space<vmem>>
      %dma_start3A_213 = tpu.memref_squeeze %dma_start3A_212 : memref<1x128xi32, #tpu.memory_space<vmem>> -> memref<128xi32, #tpu.memory_space<vmem>>
      %dma_start3A_214 = arith.constant 0 : i32
      %dma_start3A_215 = arith.constant 0 : i32
      %dma_start3A_216 = tpu.memref_slice %arg13[%dma_start3A_214, %dma_start3A_215] : memref<10240x32xf32, #tpu.memory_space<vmem_shared>> -> memref<10240x32xf32, #tpu.memory_space<vmem_shared>>
      tpu.enqueue_indirect_dma source(%arg11 : memref<128x32xf32, #tpu.memory_space<vmem>>) target(%dma_start3A_216 : memref<10240x32xf32, #tpu.memory_space<vmem_shared>>) offsets(%dma_start3A_213 : memref<128xi32, #tpu.memory_space<vmem>>) semaphore(%arg20 : memref<!tpu.dma_semaphore, #tpu.memory_space<semaphore_mem>>) {add = true}
      %mul3A_217 = arith.constant 4 : i32
      %mul3A_218 = arith.muli %scan3A_129, %mul3A_217 : i32
      %add3A_219 = arith.constant 3 : i32
      %add3A_220 = arith.addi %mul3A_218, %add3A_219 : i32
      %dma_wait3A_221 = arith.constant 0 : i32
      %dma_wait3A_222 = arith.constant 0 : i32
      %dma_wait3A_223 = tpu.memref_slice %arg8[%dma_wait3A_221, %dma_wait3A_222] : memref<80x128xi32, #tpu.memory_space<vmem>> -> memref<1x128xi32, #tpu.memory_space<vmem>>
      %dma_wait3A_224 = tpu.memref_squeeze %dma_wait3A_223 : memref<1x128xi32, #tpu.memory_space<vmem>> -> memref<128xi32, #tpu.memory_space<vmem>>
      %dma_wait3A_225 = arith.constant 0 : i32
      %dma_wait3A_226 = arith.constant 0 : i32
      %dma_wait3A_227 = tpu.memref_slice %arg13[%dma_wait3A_225, %dma_wait3A_226] : memref<10240x32xf32, #tpu.memory_space<vmem_shared>> -> memref<10240x32xf32, #tpu.memory_space<vmem_shared>>
      tpu.wait_indirect_dma semaphore(%arg21 : memref<!tpu.dma_semaphore, #tpu.memory_space<semaphore_mem>>) src(%arg12 : memref<128x32xf32, #tpu.memory_space<vmem>>) dst(%dma_wait3A_227 : memref<10240x32xf32, #tpu.memory_space<vmem_shared>>)
      %dma_start3A_228 = arith.constant 0 : i32
      %dma_start3A_229 = tpu.memref_slice %arg7[%add3A_220, %dma_start3A_228] : memref<80x128xi32, #tpu.memory_space<vmem>> -> memref<1x128xi32, #tpu.memory_space<vmem>>
      %dma_start3A_230 = tpu.memref_squeeze %dma_start3A_229 : memref<1x128xi32, #tpu.memory_space<vmem>> -> memref<128xi32, #tpu.memory_space<vmem>>
      %dma_start3A_231 = arith.constant 0 : i32
      %dma_start3A_232 = arith.constant 0 : i32
      %dma_start3A_233 = tpu.memref_slice %arg2[%dma_start3A_231, %dma_start3A_232] : memref<10240x32xf32, #tpu.memory_space<hbm>> -> memref<10240x32xf32, #tpu.memory_space<hbm>>
      tpu.enqueue_indirect_dma source(%dma_start3A_233 : memref<10240x32xf32, #tpu.memory_space<hbm>>) target(%arg12 : memref<128x32xf32, #tpu.memory_space<vmem>>) offsets(%dma_start3A_230 : memref<128xi32, #tpu.memory_space<vmem>>) semaphore(%arg17 : memref<!tpu.dma_semaphore, #tpu.memory_space<semaphore_mem>>)
      %dma_wait3A_234 = arith.constant 0 : i32
      %dma_wait3A_235 = tpu.memref_slice %arg7[%add3A_220, %dma_wait3A_234] : memref<80x128xi32, #tpu.memory_space<vmem>> -> memref<1x128xi32, #tpu.memory_space<vmem>>
      %dma_wait3A_236 = tpu.memref_squeeze %dma_wait3A_235 : memref<1x128xi32, #tpu.memory_space<vmem>> -> memref<128xi32, #tpu.memory_space<vmem>>
      %dma_wait3A_237 = arith.constant 0 : i32
      %dma_wait3A_238 = arith.constant 0 : i32
      %dma_wait3A_239 = tpu.memref_slice %arg2[%dma_wait3A_237, %dma_wait3A_238] : memref<10240x32xf32, #tpu.memory_space<hbm>> -> memref<10240x32xf32, #tpu.memory_space<hbm>>
      tpu.wait_indirect_dma semaphore(%arg17 : memref<!tpu.dma_semaphore, #tpu.memory_space<semaphore_mem>>) src(%dma_wait3A_239 : memref<10240x32xf32, #tpu.memory_space<hbm>>) dst(%arg12 : memref<128x32xf32, #tpu.memory_space<vmem>>)
      %dma_start3A_240 = arith.constant 0 : i32
      %dma_start3A_241 = tpu.memref_slice %arg8[%add3A_220, %dma_start3A_240] : memref<80x128xi32, #tpu.memory_space<vmem>> -> memref<1x128xi32, #tpu.memory_space<vmem>>
      %dma_start3A_242 = tpu.memref_squeeze %dma_start3A_241 : memref<1x128xi32, #tpu.memory_space<vmem>> -> memref<128xi32, #tpu.memory_space<vmem>>
      %dma_start3A_243 = arith.constant 0 : i32
      %dma_start3A_244 = arith.constant 0 : i32
      %dma_start3A_245 = tpu.memref_slice %arg13[%dma_start3A_243, %dma_start3A_244] : memref<10240x32xf32, #tpu.memory_space<vmem_shared>> -> memref<10240x32xf32, #tpu.memory_space<vmem_shared>>
      tpu.enqueue_indirect_dma source(%arg12 : memref<128x32xf32, #tpu.memory_space<vmem>>) target(%dma_start3A_245 : memref<10240x32xf32, #tpu.memory_space<vmem_shared>>) offsets(%dma_start3A_242 : memref<128xi32, #tpu.memory_space<vmem>>) semaphore(%arg21 : memref<!tpu.dma_semaphore, #tpu.memory_space<semaphore_mem>>) {add = true}
    }
    %scan3A_95 = arith.constant 19 : i32
    %dma_wait3A_96 = arith.constant 0 : i32
    %dma_wait3A_97 = arith.constant 0 : i32
    %dma_wait3A_98 = tpu.memref_slice %arg8[%dma_wait3A_96, %dma_wait3A_97] : memref<80x128xi32, #tpu.memory_space<vmem>> -> memref<1x128xi32, #tpu.memory_space<vmem>>
    %dma_wait3A_99 = tpu.memref_squeeze %dma_wait3A_98 : memref<1x128xi32, #tpu.memory_space<vmem>> -> memref<128xi32, #tpu.memory_space<vmem>>
    %dma_wait3A_100 = arith.constant 0 : i32
    %dma_wait3A_101 = arith.constant 0 : i32
    %dma_wait3A_102 = tpu.memref_slice %arg13[%dma_wait3A_100, %dma_wait3A_101] : memref<10240x32xf32, #tpu.memory_space<vmem_shared>> -> memref<10240x32xf32, #tpu.memory_space<vmem_shared>>
    tpu.wait_indirect_dma semaphore(%arg18 : memref<!tpu.dma_semaphore, #tpu.memory_space<semaphore_mem>>) src(%arg9 : memref<128x32xf32, #tpu.memory_space<vmem>>) dst(%dma_wait3A_102 : memref<10240x32xf32, #tpu.memory_space<vmem_shared>>)
    %dma_wait3A_103 = arith.constant 0 : i32
    %dma_wait3A_104 = arith.constant 0 : i32
    %dma_wait3A_105 = tpu.memref_slice %arg8[%dma_wait3A_103, %dma_wait3A_104] : memref<80x128xi32, #tpu.memory_space<vmem>> -> memref<1x128xi32, #tpu.memory_space<vmem>>
    %dma_wait3A_106 = tpu.memref_squeeze %dma_wait3A_105 : memref<1x128xi32, #tpu.memory_space<vmem>> -> memref<128xi32, #tpu.memory_space<vmem>>
    %dma_wait3A_107 = arith.constant 0 : i32
    %dma_wait3A_108 = arith.constant 0 : i32
    %dma_wait3A_109 = tpu.memref_slice %arg13[%dma_wait3A_107, %dma_wait3A_108] : memref<10240x32xf32, #tpu.memory_space<vmem_shared>> -> memref<10240x32xf32, #tpu.memory_space<vmem_shared>>
    tpu.wait_indirect_dma semaphore(%arg19 : memref<!tpu.dma_semaphore, #tpu.memory_space<semaphore_mem>>) src(%arg10 : memref<128x32xf32, #tpu.memory_space<vmem>>) dst(%dma_wait3A_109 : memref<10240x32xf32, #tpu.memory_space<vmem_shared>>)
    %dma_wait3A_110 = arith.constant 0 : i32
    %dma_wait3A_111 = arith.constant 0 : i32
    %dma_wait3A_112 = tpu.memref_slice %arg8[%dma_wait3A_110, %dma_wait3A_111] : memref<80x128xi32, #tpu.memory_space<vmem>> -> memref<1x128xi32, #tpu.memory_space<vmem>>
    %dma_wait3A_113 = tpu.memref_squeeze %dma_wait3A_112 : memref<1x128xi32, #tpu.memory_space<vmem>> -> memref<128xi32, #tpu.memory_space<vmem>>
    %dma_wait3A_114 = arith.constant 0 : i32
    %dma_wait3A_115 = arith.constant 0 : i32
    %dma_wait3A_116 = tpu.memref_slice %arg13[%dma_wait3A_114, %dma_wait3A_115] : memref<10240x32xf32, #tpu.memory_space<vmem_shared>> -> memref<10240x32xf32, #tpu.memory_space<vmem_shared>>
    tpu.wait_indirect_dma semaphore(%arg20 : memref<!tpu.dma_semaphore, #tpu.memory_space<semaphore_mem>>) src(%arg11 : memref<128x32xf32, #tpu.memory_space<vmem>>) dst(%dma_wait3A_116 : memref<10240x32xf32, #tpu.memory_space<vmem_shared>>)
    %dma_wait3A_117 = arith.constant 0 : i32
    %dma_wait3A_118 = arith.constant 0 : i32
    %dma_wait3A_119 = tpu.memref_slice %arg8[%dma_wait3A_117, %dma_wait3A_118] : memref<80x128xi32, #tpu.memory_space<vmem>> -> memref<1x128xi32, #tpu.memory_space<vmem>>
    %dma_wait3A_120 = tpu.memref_squeeze %dma_wait3A_119 : memref<1x128xi32, #tpu.memory_space<vmem>> -> memref<128xi32, #tpu.memory_space<vmem>>
    %dma_wait3A_121 = arith.constant 0 : i32
    %dma_wait3A_122 = arith.constant 0 : i32
    %dma_wait3A_123 = tpu.memref_slice %arg13[%dma_wait3A_121, %dma_wait3A_122] : memref<10240x32xf32, #tpu.memory_space<vmem_shared>> -> memref<10240x32xf32, #tpu.memory_space<vmem_shared>>
    tpu.wait_indirect_dma semaphore(%arg21 : memref<!tpu.dma_semaphore, #tpu.memory_space<semaphore_mem>>) src(%arg12 : memref<128x32xf32, #tpu.memory_space<vmem>>) dst(%dma_wait3A_123 : memref<10240x32xf32, #tpu.memory_space<vmem_shared>>)
    %barrier3A_124 = arith.constant 0 : index
    tpu.barrier barrier_id(%barrier3A_124)
    %mul3A_125 = arith.constant 640 : i32
    %mul3A_126 = arith.muli %arg1, %mul3A_125 : i32
    %mul3A_127 = arith.constant 640 : i32
    %mul3A_128 = arith.muli %arg1, %mul3A_127 : i32
    "tpu.region"() ({
      %run_scoped3A = tpu.sem_alloc : memref<!tpu.dma_semaphore, #tpu.memory_space<semaphore_mem>>
      %dma_start3A_129 = arith.constant 0 : i32
      %dma_start3A_130 = tpu.memref_slice %arg6[%arg0, %mul3A_128, %dma_start3A_129] : memref<2x10240x32xf32, #tpu.memory_space<hbm>> -> memref<1x640x32xf32, #tpu.memory_space<hbm>>
      %dma_start3A_131 = tpu.memref_squeeze %dma_start3A_130 : memref<1x640x32xf32, #tpu.memory_space<hbm>> -> memref<640x32xf32, #tpu.memory_space<hbm>>
      %dma_start3A_132 = arith.constant 0 : i32
      %dma_start3A_133 = tpu.memref_slice %arg13[%mul3A_126, %dma_start3A_132] : memref<10240x32xf32, #tpu.memory_space<vmem_shared>> -> memref<640x32xf32, #tpu.memory_space<vmem_shared>>
      tpu.enqueue_dma source(%dma_start3A_133 : memref<640x32xf32, #tpu.memory_space<vmem_shared>>) target(%dma_start3A_131 : memref<640x32xf32, #tpu.memory_space<hbm>>) target_semaphore(%run_scoped3A : memref<!tpu.dma_semaphore, #tpu.memory_space<semaphore_mem>>)
      %dma_wait3A_134 = arith.constant 0 : i32
      %dma_wait3A_135 = tpu.memref_slice %arg6[%arg0, %mul3A_128, %dma_wait3A_134] : memref<2x10240x32xf32, #tpu.memory_space<hbm>> -> memref<1x640x32xf32, #tpu.memory_space<hbm>>
      %dma_wait3A_136 = tpu.memref_squeeze %dma_wait3A_135 : memref<1x640x32xf32, #tpu.memory_space<hbm>> -> memref<640x32xf32, #tpu.memory_space<hbm>>
      %dma_wait3A_137 = arith.constant 0 : i32
      %dma_wait3A_138 = tpu.memref_slice %arg13[%mul3A_126, %dma_wait3A_137] : memref<10240x32xf32, #tpu.memory_space<vmem_shared>> -> memref<640x32xf32, #tpu.memory_space<vmem_shared>>
      tpu.wait_dma2 semaphore(%run_scoped3A : memref<!tpu.dma_semaphore, #tpu.memory_space<semaphore_mem>>) src(%dma_wait3A_138 : memref<640x32xf32, #tpu.memory_space<vmem_shared>>) dst(%dma_wait3A_136 : memref<640x32xf32, #tpu.memory_space<hbm>>)
      tpu.yield
    }) : () -> ()
    return
  }
}

#map = affine_map<(d0, d1) -> (0, 0)>
#map1 = affine_map<(d0, d1) -> (0, 0, 0)>
module attributes {stable_mosaic.version = 14 : i64} {
  func.func @agg(%arg0: i32, %arg1: i32, %arg2: memref<10240x64xf32, #tpu.memory_space<hbm>>, %arg3: memref<10240x64xf32, #tpu.memory_space<hbm>>, %arg4: memref<2560x128xi32, #tpu.memory_space<hbm>>, %arg5: memref<2560x128xi32, #tpu.memory_space<hbm>>, %arg6: memref<2x10240x64xf32, #tpu.memory_space<hbm>>, %arg7: memref<80x128xi32, #tpu.memory_space<vmem>>, %arg8: memref<80x128xi32, #tpu.memory_space<vmem>>, %arg9: memref<128x64xf32, #tpu.memory_space<vmem>>, %arg10: memref<128x64xf32, #tpu.memory_space<vmem>>, %arg11: memref<128x64xf32, #tpu.memory_space<vmem>>, %arg12: memref<128x64xf32, #tpu.memory_space<vmem>>, %arg13: memref<10240x64xf32, #tpu.memory_space<vmem_shared>>, %arg14: memref<!tpu.dma_semaphore, #tpu.memory_space<semaphore_mem>>, %arg15: memref<!tpu.dma_semaphore, #tpu.memory_space<semaphore_mem>>, %arg16: memref<!tpu.dma_semaphore, #tpu.memory_space<semaphore_mem>>, %arg17: memref<!tpu.dma_semaphore, #tpu.memory_space<semaphore_mem>>, %arg18: memref<!tpu.dma_semaphore, #tpu.memory_space<semaphore_mem>>, %arg19: memref<!tpu.dma_semaphore, #tpu.memory_space<semaphore_mem>>, %arg20: memref<!tpu.dma_semaphore, #tpu.memory_space<semaphore_mem>>, %arg21: memref<!tpu.dma_semaphore, #tpu.memory_space<semaphore_mem>>) attributes {dimension_semantics = [#tpu.dimension_semantics<core_parallel>, #tpu.dimension_semantics<subcore_parallel>], iteration_bounds = array<i64: 2, 16>, scalar_prefetch = 0 : i64, scratch_operands = 15 : i64, tpu.core_type = #tpu.core_type<sc_vector_subcore>, window_params = [{transform_indices = #map}, {transform_indices = #map}, {transform_indices = #map}, {transform_indices = #map}, {transform_indices = #map1}]} {
    %mul3A = arith.constant 16 : i32
    %mul3A_0 = arith.muli %arg0, %mul3A : i32
    %add3A = arith.addi %mul3A_0, %arg1 : i32
    %mul3A_1 = arith.constant 80 : i32
    %mul3A_2 = arith.muli %add3A, %mul3A_1 : i32
    "tpu.region"() ({
      %run_scoped3A = tpu.sem_alloc : memref<!tpu.dma_semaphore, #tpu.memory_space<semaphore_mem>>
      %dma_start3A_129 = arith.constant 0 : i32
      %dma_start3A_130 = tpu.memref_slice %arg4[%mul3A_2, %dma_start3A_129] : memref<2560x128xi32, #tpu.memory_space<hbm>> -> memref<80x128xi32, #tpu.memory_space<hbm>>
      %dma_start3A_131 = arith.constant 0 : i32
      %dma_start3A_132 = tpu.memref_slice %arg4[%mul3A_2, %dma_start3A_131] : memref<2560x128xi32, #tpu.memory_space<hbm>> -> memref<80x128xi32, #tpu.memory_space<hbm>>
      tpu.enqueue_dma source(%dma_start3A_132 : memref<80x128xi32, #tpu.memory_space<hbm>>) target(%arg7 : memref<80x128xi32, #tpu.memory_space<vmem>>) target_semaphore(%run_scoped3A : memref<!tpu.dma_semaphore, #tpu.memory_space<semaphore_mem>>)
      %dma_wait3A_133 = arith.constant 0 : i32
      %dma_wait3A_134 = tpu.memref_slice %arg4[%mul3A_2, %dma_wait3A_133] : memref<2560x128xi32, #tpu.memory_space<hbm>> -> memref<80x128xi32, #tpu.memory_space<hbm>>
      %dma_wait3A_135 = arith.constant 0 : i32
      %dma_wait3A_136 = tpu.memref_slice %arg4[%mul3A_2, %dma_wait3A_135] : memref<2560x128xi32, #tpu.memory_space<hbm>> -> memref<80x128xi32, #tpu.memory_space<hbm>>
      tpu.wait_dma2 semaphore(%run_scoped3A : memref<!tpu.dma_semaphore, #tpu.memory_space<semaphore_mem>>) src(%dma_wait3A_136 : memref<80x128xi32, #tpu.memory_space<hbm>>) dst(%arg7 : memref<80x128xi32, #tpu.memory_space<vmem>>)
      tpu.yield
    }) : () -> ()
    %mul3A_3 = arith.constant 80 : i32
    %mul3A_4 = arith.muli %add3A, %mul3A_3 : i32
    "tpu.region"() ({
      %run_scoped3A = tpu.sem_alloc : memref<!tpu.dma_semaphore, #tpu.memory_space<semaphore_mem>>
      %dma_start3A_129 = arith.constant 0 : i32
      %dma_start3A_130 = tpu.memref_slice %arg5[%mul3A_4, %dma_start3A_129] : memref<2560x128xi32, #tpu.memory_space<hbm>> -> memref<80x128xi32, #tpu.memory_space<hbm>>
      %dma_start3A_131 = arith.constant 0 : i32
      %dma_start3A_132 = tpu.memref_slice %arg5[%mul3A_4, %dma_start3A_131] : memref<2560x128xi32, #tpu.memory_space<hbm>> -> memref<80x128xi32, #tpu.memory_space<hbm>>
      tpu.enqueue_dma source(%dma_start3A_132 : memref<80x128xi32, #tpu.memory_space<hbm>>) target(%arg8 : memref<80x128xi32, #tpu.memory_space<vmem>>) target_semaphore(%run_scoped3A : memref<!tpu.dma_semaphore, #tpu.memory_space<semaphore_mem>>)
      %dma_wait3A_133 = arith.constant 0 : i32
      %dma_wait3A_134 = tpu.memref_slice %arg5[%mul3A_4, %dma_wait3A_133] : memref<2560x128xi32, #tpu.memory_space<hbm>> -> memref<80x128xi32, #tpu.memory_space<hbm>>
      %dma_wait3A_135 = arith.constant 0 : i32
      %dma_wait3A_136 = tpu.memref_slice %arg5[%mul3A_4, %dma_wait3A_135] : memref<2560x128xi32, #tpu.memory_space<hbm>> -> memref<80x128xi32, #tpu.memory_space<hbm>>
      tpu.wait_dma2 semaphore(%run_scoped3A : memref<!tpu.dma_semaphore, #tpu.memory_space<semaphore_mem>>) src(%dma_wait3A_136 : memref<80x128xi32, #tpu.memory_space<hbm>>) dst(%arg8 : memref<80x128xi32, #tpu.memory_space<vmem>>)
      tpu.yield
    }) : () -> ()
    %mul3A_5 = arith.constant 640 : i32
    %mul3A_6 = arith.muli %arg1, %mul3A_5 : i32
    %mul3A_7 = arith.constant 640 : i32
    %mul3A_8 = arith.muli %arg1, %mul3A_7 : i32
    "tpu.region"() ({
      %run_scoped3A = tpu.sem_alloc : memref<!tpu.dma_semaphore, #tpu.memory_space<semaphore_mem>>
      %dma_start3A_129 = arith.constant 0 : i32
      %dma_start3A_130 = tpu.memref_slice %arg13[%mul3A_8, %dma_start3A_129] : memref<10240x64xf32, #tpu.memory_space<vmem_shared>> -> memref<640x64xf32, #tpu.memory_space<vmem_shared>>
      %dma_start3A_131 = arith.constant 0 : i32
      %dma_start3A_132 = tpu.memref_slice %arg3[%mul3A_6, %dma_start3A_131] : memref<10240x64xf32, #tpu.memory_space<hbm>> -> memref<640x64xf32, #tpu.memory_space<hbm>>
      tpu.enqueue_dma source(%dma_start3A_132 : memref<640x64xf32, #tpu.memory_space<hbm>>) target(%dma_start3A_130 : memref<640x64xf32, #tpu.memory_space<vmem_shared>>) target_semaphore(%run_scoped3A : memref<!tpu.dma_semaphore, #tpu.memory_space<semaphore_mem>>)
      %dma_wait3A_133 = arith.constant 0 : i32
      %dma_wait3A_134 = tpu.memref_slice %arg13[%mul3A_8, %dma_wait3A_133] : memref<10240x64xf32, #tpu.memory_space<vmem_shared>> -> memref<640x64xf32, #tpu.memory_space<vmem_shared>>
      %dma_wait3A_135 = arith.constant 0 : i32
      %dma_wait3A_136 = tpu.memref_slice %arg3[%mul3A_6, %dma_wait3A_135] : memref<10240x64xf32, #tpu.memory_space<hbm>> -> memref<640x64xf32, #tpu.memory_space<hbm>>
      tpu.wait_dma2 semaphore(%run_scoped3A : memref<!tpu.dma_semaphore, #tpu.memory_space<semaphore_mem>>) src(%dma_wait3A_136 : memref<640x64xf32, #tpu.memory_space<hbm>>) dst(%dma_wait3A_134 : memref<640x64xf32, #tpu.memory_space<vmem_shared>>)
      tpu.yield
    }) : () -> ()
    %barrier3A = arith.constant 0 : index
    tpu.barrier barrier_id(%barrier3A)
    %dma_start3A = arith.constant 0 : i32
    %dma_start3A_9 = arith.constant 0 : i32
    %dma_start3A_10 = tpu.memref_slice %arg7[%dma_start3A, %dma_start3A_9] : memref<80x128xi32, #tpu.memory_space<vmem>> -> memref<1x128xi32, #tpu.memory_space<vmem>>
    %dma_start3A_11 = tpu.memref_squeeze %dma_start3A_10 : memref<1x128xi32, #tpu.memory_space<vmem>> -> memref<128xi32, #tpu.memory_space<vmem>>
    %dma_start3A_12 = arith.constant 0 : i32
    %dma_start3A_13 = arith.constant 0 : i32
    %dma_start3A_14 = tpu.memref_slice %arg2[%dma_start3A_12, %dma_start3A_13] : memref<10240x64xf32, #tpu.memory_space<hbm>> -> memref<10240x64xf32, #tpu.memory_space<hbm>>
    tpu.enqueue_indirect_dma source(%dma_start3A_14 : memref<10240x64xf32, #tpu.memory_space<hbm>>) target(%arg9 : memref<128x64xf32, #tpu.memory_space<vmem>>) offsets(%dma_start3A_11 : memref<128xi32, #tpu.memory_space<vmem>>) semaphore(%arg14 : memref<!tpu.dma_semaphore, #tpu.memory_space<semaphore_mem>>)
    %dma_wait3A = arith.constant 0 : i32
    %dma_wait3A_15 = arith.constant 0 : i32
    %dma_wait3A_16 = tpu.memref_slice %arg7[%dma_wait3A, %dma_wait3A_15] : memref<80x128xi32, #tpu.memory_space<vmem>> -> memref<1x128xi32, #tpu.memory_space<vmem>>
    %dma_wait3A_17 = tpu.memref_squeeze %dma_wait3A_16 : memref<1x128xi32, #tpu.memory_space<vmem>> -> memref<128xi32, #tpu.memory_space<vmem>>
    %dma_wait3A_18 = arith.constant 0 : i32
    %dma_wait3A_19 = arith.constant 0 : i32
    %dma_wait3A_20 = tpu.memref_slice %arg2[%dma_wait3A_18, %dma_wait3A_19] : memref<10240x64xf32, #tpu.memory_space<hbm>> -> memref<10240x64xf32, #tpu.memory_space<hbm>>
    tpu.wait_indirect_dma semaphore(%arg14 : memref<!tpu.dma_semaphore, #tpu.memory_space<semaphore_mem>>) src(%dma_wait3A_20 : memref<10240x64xf32, #tpu.memory_space<hbm>>) dst(%arg9 : memref<128x64xf32, #tpu.memory_space<vmem>>)
    %dma_start3A_21 = arith.constant 0 : i32
    %dma_start3A_22 = arith.constant 0 : i32
    %dma_start3A_23 = tpu.memref_slice %arg8[%dma_start3A_21, %dma_start3A_22] : memref<80x128xi32, #tpu.memory_space<vmem>> -> memref<1x128xi32, #tpu.memory_space<vmem>>
    %dma_start3A_24 = tpu.memref_squeeze %dma_start3A_23 : memref<1x128xi32, #tpu.memory_space<vmem>> -> memref<128xi32, #tpu.memory_space<vmem>>
    %dma_start3A_25 = arith.constant 0 : i32
    %dma_start3A_26 = arith.constant 0 : i32
    %dma_start3A_27 = tpu.memref_slice %arg13[%dma_start3A_25, %dma_start3A_26] : memref<10240x64xf32, #tpu.memory_space<vmem_shared>> -> memref<10240x64xf32, #tpu.memory_space<vmem_shared>>
    tpu.enqueue_indirect_dma source(%arg9 : memref<128x64xf32, #tpu.memory_space<vmem>>) target(%dma_start3A_27 : memref<10240x64xf32, #tpu.memory_space<vmem_shared>>) offsets(%dma_start3A_24 : memref<128xi32, #tpu.memory_space<vmem>>) semaphore(%arg18 : memref<!tpu.dma_semaphore, #tpu.memory_space<semaphore_mem>>) {add = true}
    %dma_start3A_28 = arith.constant 1 : i32
    %dma_start3A_29 = arith.constant 0 : i32
    %dma_start3A_30 = tpu.memref_slice %arg7[%dma_start3A_28, %dma_start3A_29] : memref<80x128xi32, #tpu.memory_space<vmem>> -> memref<1x128xi32, #tpu.memory_space<vmem>>
    %dma_start3A_31 = tpu.memref_squeeze %dma_start3A_30 : memref<1x128xi32, #tpu.memory_space<vmem>> -> memref<128xi32, #tpu.memory_space<vmem>>
    %dma_start3A_32 = arith.constant 0 : i32
    %dma_start3A_33 = arith.constant 0 : i32
    %dma_start3A_34 = tpu.memref_slice %arg2[%dma_start3A_32, %dma_start3A_33] : memref<10240x64xf32, #tpu.memory_space<hbm>> -> memref<10240x64xf32, #tpu.memory_space<hbm>>
    tpu.enqueue_indirect_dma source(%dma_start3A_34 : memref<10240x64xf32, #tpu.memory_space<hbm>>) target(%arg10 : memref<128x64xf32, #tpu.memory_space<vmem>>) offsets(%dma_start3A_31 : memref<128xi32, #tpu.memory_space<vmem>>) semaphore(%arg15 : memref<!tpu.dma_semaphore, #tpu.memory_space<semaphore_mem>>)
    %dma_wait3A_35 = arith.constant 1 : i32
    %dma_wait3A_36 = arith.constant 0 : i32
    %dma_wait3A_37 = tpu.memref_slice %arg7[%dma_wait3A_35, %dma_wait3A_36] : memref<80x128xi32, #tpu.memory_space<vmem>> -> memref<1x128xi32, #tpu.memory_space<vmem>>
    %dma_wait3A_38 = tpu.memref_squeeze %dma_wait3A_37 : memref<1x128xi32, #tpu.memory_space<vmem>> -> memref<128xi32, #tpu.memory_space<vmem>>
    %dma_wait3A_39 = arith.constant 0 : i32
    %dma_wait3A_40 = arith.constant 0 : i32
    %dma_wait3A_41 = tpu.memref_slice %arg2[%dma_wait3A_39, %dma_wait3A_40] : memref<10240x64xf32, #tpu.memory_space<hbm>> -> memref<10240x64xf32, #tpu.memory_space<hbm>>
    tpu.wait_indirect_dma semaphore(%arg15 : memref<!tpu.dma_semaphore, #tpu.memory_space<semaphore_mem>>) src(%dma_wait3A_41 : memref<10240x64xf32, #tpu.memory_space<hbm>>) dst(%arg10 : memref<128x64xf32, #tpu.memory_space<vmem>>)
    %dma_start3A_42 = arith.constant 1 : i32
    %dma_start3A_43 = arith.constant 0 : i32
    %dma_start3A_44 = tpu.memref_slice %arg8[%dma_start3A_42, %dma_start3A_43] : memref<80x128xi32, #tpu.memory_space<vmem>> -> memref<1x128xi32, #tpu.memory_space<vmem>>
    %dma_start3A_45 = tpu.memref_squeeze %dma_start3A_44 : memref<1x128xi32, #tpu.memory_space<vmem>> -> memref<128xi32, #tpu.memory_space<vmem>>
    %dma_start3A_46 = arith.constant 0 : i32
    %dma_start3A_47 = arith.constant 0 : i32
    %dma_start3A_48 = tpu.memref_slice %arg13[%dma_start3A_46, %dma_start3A_47] : memref<10240x64xf32, #tpu.memory_space<vmem_shared>> -> memref<10240x64xf32, #tpu.memory_space<vmem_shared>>
    tpu.enqueue_indirect_dma source(%arg10 : memref<128x64xf32, #tpu.memory_space<vmem>>) target(%dma_start3A_48 : memref<10240x64xf32, #tpu.memory_space<vmem_shared>>) offsets(%dma_start3A_45 : memref<128xi32, #tpu.memory_space<vmem>>) semaphore(%arg19 : memref<!tpu.dma_semaphore, #tpu.memory_space<semaphore_mem>>) {add = true}
    %dma_start3A_49 = arith.constant 2 : i32
    %dma_start3A_50 = arith.constant 0 : i32
    %dma_start3A_51 = tpu.memref_slice %arg7[%dma_start3A_49, %dma_start3A_50] : memref<80x128xi32, #tpu.memory_space<vmem>> -> memref<1x128xi32, #tpu.memory_space<vmem>>
    %dma_start3A_52 = tpu.memref_squeeze %dma_start3A_51 : memref<1x128xi32, #tpu.memory_space<vmem>> -> memref<128xi32, #tpu.memory_space<vmem>>
    %dma_start3A_53 = arith.constant 0 : i32
    %dma_start3A_54 = arith.constant 0 : i32
    %dma_start3A_55 = tpu.memref_slice %arg2[%dma_start3A_53, %dma_start3A_54] : memref<10240x64xf32, #tpu.memory_space<hbm>> -> memref<10240x64xf32, #tpu.memory_space<hbm>>
    tpu.enqueue_indirect_dma source(%dma_start3A_55 : memref<10240x64xf32, #tpu.memory_space<hbm>>) target(%arg11 : memref<128x64xf32, #tpu.memory_space<vmem>>) offsets(%dma_start3A_52 : memref<128xi32, #tpu.memory_space<vmem>>) semaphore(%arg16 : memref<!tpu.dma_semaphore, #tpu.memory_space<semaphore_mem>>)
    %dma_wait3A_56 = arith.constant 2 : i32
    %dma_wait3A_57 = arith.constant 0 : i32
    %dma_wait3A_58 = tpu.memref_slice %arg7[%dma_wait3A_56, %dma_wait3A_57] : memref<80x128xi32, #tpu.memory_space<vmem>> -> memref<1x128xi32, #tpu.memory_space<vmem>>
    %dma_wait3A_59 = tpu.memref_squeeze %dma_wait3A_58 : memref<1x128xi32, #tpu.memory_space<vmem>> -> memref<128xi32, #tpu.memory_space<vmem>>
    %dma_wait3A_60 = arith.constant 0 : i32
    %dma_wait3A_61 = arith.constant 0 : i32
    %dma_wait3A_62 = tpu.memref_slice %arg2[%dma_wait3A_60, %dma_wait3A_61] : memref<10240x64xf32, #tpu.memory_space<hbm>> -> memref<10240x64xf32, #tpu.memory_space<hbm>>
    tpu.wait_indirect_dma semaphore(%arg16 : memref<!tpu.dma_semaphore, #tpu.memory_space<semaphore_mem>>) src(%dma_wait3A_62 : memref<10240x64xf32, #tpu.memory_space<hbm>>) dst(%arg11 : memref<128x64xf32, #tpu.memory_space<vmem>>)
    %dma_start3A_63 = arith.constant 2 : i32
    %dma_start3A_64 = arith.constant 0 : i32
    %dma_start3A_65 = tpu.memref_slice %arg8[%dma_start3A_63, %dma_start3A_64] : memref<80x128xi32, #tpu.memory_space<vmem>> -> memref<1x128xi32, #tpu.memory_space<vmem>>
    %dma_start3A_66 = tpu.memref_squeeze %dma_start3A_65 : memref<1x128xi32, #tpu.memory_space<vmem>> -> memref<128xi32, #tpu.memory_space<vmem>>
    %dma_start3A_67 = arith.constant 0 : i32
    %dma_start3A_68 = arith.constant 0 : i32
    %dma_start3A_69 = tpu.memref_slice %arg13[%dma_start3A_67, %dma_start3A_68] : memref<10240x64xf32, #tpu.memory_space<vmem_shared>> -> memref<10240x64xf32, #tpu.memory_space<vmem_shared>>
    tpu.enqueue_indirect_dma source(%arg11 : memref<128x64xf32, #tpu.memory_space<vmem>>) target(%dma_start3A_69 : memref<10240x64xf32, #tpu.memory_space<vmem_shared>>) offsets(%dma_start3A_66 : memref<128xi32, #tpu.memory_space<vmem>>) semaphore(%arg20 : memref<!tpu.dma_semaphore, #tpu.memory_space<semaphore_mem>>) {add = true}
    %dma_start3A_70 = arith.constant 3 : i32
    %dma_start3A_71 = arith.constant 0 : i32
    %dma_start3A_72 = tpu.memref_slice %arg7[%dma_start3A_70, %dma_start3A_71] : memref<80x128xi32, #tpu.memory_space<vmem>> -> memref<1x128xi32, #tpu.memory_space<vmem>>
    %dma_start3A_73 = tpu.memref_squeeze %dma_start3A_72 : memref<1x128xi32, #tpu.memory_space<vmem>> -> memref<128xi32, #tpu.memory_space<vmem>>
    %dma_start3A_74 = arith.constant 0 : i32
    %dma_start3A_75 = arith.constant 0 : i32
    %dma_start3A_76 = tpu.memref_slice %arg2[%dma_start3A_74, %dma_start3A_75] : memref<10240x64xf32, #tpu.memory_space<hbm>> -> memref<10240x64xf32, #tpu.memory_space<hbm>>
    tpu.enqueue_indirect_dma source(%dma_start3A_76 : memref<10240x64xf32, #tpu.memory_space<hbm>>) target(%arg12 : memref<128x64xf32, #tpu.memory_space<vmem>>) offsets(%dma_start3A_73 : memref<128xi32, #tpu.memory_space<vmem>>) semaphore(%arg17 : memref<!tpu.dma_semaphore, #tpu.memory_space<semaphore_mem>>)
    %dma_wait3A_77 = arith.constant 3 : i32
    %dma_wait3A_78 = arith.constant 0 : i32
    %dma_wait3A_79 = tpu.memref_slice %arg7[%dma_wait3A_77, %dma_wait3A_78] : memref<80x128xi32, #tpu.memory_space<vmem>> -> memref<1x128xi32, #tpu.memory_space<vmem>>
    %dma_wait3A_80 = tpu.memref_squeeze %dma_wait3A_79 : memref<1x128xi32, #tpu.memory_space<vmem>> -> memref<128xi32, #tpu.memory_space<vmem>>
    %dma_wait3A_81 = arith.constant 0 : i32
    %dma_wait3A_82 = arith.constant 0 : i32
    %dma_wait3A_83 = tpu.memref_slice %arg2[%dma_wait3A_81, %dma_wait3A_82] : memref<10240x64xf32, #tpu.memory_space<hbm>> -> memref<10240x64xf32, #tpu.memory_space<hbm>>
    tpu.wait_indirect_dma semaphore(%arg17 : memref<!tpu.dma_semaphore, #tpu.memory_space<semaphore_mem>>) src(%dma_wait3A_83 : memref<10240x64xf32, #tpu.memory_space<hbm>>) dst(%arg12 : memref<128x64xf32, #tpu.memory_space<vmem>>)
    %dma_start3A_84 = arith.constant 3 : i32
    %dma_start3A_85 = arith.constant 0 : i32
    %dma_start3A_86 = tpu.memref_slice %arg8[%dma_start3A_84, %dma_start3A_85] : memref<80x128xi32, #tpu.memory_space<vmem>> -> memref<1x128xi32, #tpu.memory_space<vmem>>
    %dma_start3A_87 = tpu.memref_squeeze %dma_start3A_86 : memref<1x128xi32, #tpu.memory_space<vmem>> -> memref<128xi32, #tpu.memory_space<vmem>>
    %dma_start3A_88 = arith.constant 0 : i32
    %dma_start3A_89 = arith.constant 0 : i32
    %dma_start3A_90 = tpu.memref_slice %arg13[%dma_start3A_88, %dma_start3A_89] : memref<10240x64xf32, #tpu.memory_space<vmem_shared>> -> memref<10240x64xf32, #tpu.memory_space<vmem_shared>>
    tpu.enqueue_indirect_dma source(%arg12 : memref<128x64xf32, #tpu.memory_space<vmem>>) target(%dma_start3A_90 : memref<10240x64xf32, #tpu.memory_space<vmem_shared>>) offsets(%dma_start3A_87 : memref<128xi32, #tpu.memory_space<vmem>>) semaphore(%arg21 : memref<!tpu.dma_semaphore, #tpu.memory_space<semaphore_mem>>) {add = true}
    %scan3A = arith.constant 0 : i32
    %scan3A_91 = arith.constant 1 : i32
    %scan3A_92 = arith.constant 19 : i32
    %scan3A_93 = arith.addi %scan3A_91, %scan3A_92 : i32
    %scan3A_94 = arith.constant 1 : i32
    scf.for %scan3A_129 = %scan3A_91 to %scan3A_93 step %scan3A_94  : i32 {
      %mul3A_130 = arith.constant 4 : i32
      %mul3A_131 = arith.muli %scan3A_129, %mul3A_130 : i32
      %add3A_132 = arith.constant 0 : i32
      %add3A_133 = arith.addi %mul3A_131, %add3A_132 : i32
      %dma_wait3A_134 = arith.constant 0 : i32
      %dma_wait3A_135 = arith.constant 0 : i32
      %dma_wait3A_136 = tpu.memref_slice %arg8[%dma_wait3A_134, %dma_wait3A_135] : memref<80x128xi32, #tpu.memory_space<vmem>> -> memref<1x128xi32, #tpu.memory_space<vmem>>
      %dma_wait3A_137 = tpu.memref_squeeze %dma_wait3A_136 : memref<1x128xi32, #tpu.memory_space<vmem>> -> memref<128xi32, #tpu.memory_space<vmem>>
      %dma_wait3A_138 = arith.constant 0 : i32
      %dma_wait3A_139 = arith.constant 0 : i32
      %dma_wait3A_140 = tpu.memref_slice %arg13[%dma_wait3A_138, %dma_wait3A_139] : memref<10240x64xf32, #tpu.memory_space<vmem_shared>> -> memref<10240x64xf32, #tpu.memory_space<vmem_shared>>
      tpu.wait_indirect_dma semaphore(%arg18 : memref<!tpu.dma_semaphore, #tpu.memory_space<semaphore_mem>>) src(%arg9 : memref<128x64xf32, #tpu.memory_space<vmem>>) dst(%dma_wait3A_140 : memref<10240x64xf32, #tpu.memory_space<vmem_shared>>)
      %dma_start3A_141 = arith.constant 0 : i32
      %dma_start3A_142 = tpu.memref_slice %arg7[%add3A_133, %dma_start3A_141] : memref<80x128xi32, #tpu.memory_space<vmem>> -> memref<1x128xi32, #tpu.memory_space<vmem>>
      %dma_start3A_143 = tpu.memref_squeeze %dma_start3A_142 : memref<1x128xi32, #tpu.memory_space<vmem>> -> memref<128xi32, #tpu.memory_space<vmem>>
      %dma_start3A_144 = arith.constant 0 : i32
      %dma_start3A_145 = arith.constant 0 : i32
      %dma_start3A_146 = tpu.memref_slice %arg2[%dma_start3A_144, %dma_start3A_145] : memref<10240x64xf32, #tpu.memory_space<hbm>> -> memref<10240x64xf32, #tpu.memory_space<hbm>>
      tpu.enqueue_indirect_dma source(%dma_start3A_146 : memref<10240x64xf32, #tpu.memory_space<hbm>>) target(%arg9 : memref<128x64xf32, #tpu.memory_space<vmem>>) offsets(%dma_start3A_143 : memref<128xi32, #tpu.memory_space<vmem>>) semaphore(%arg14 : memref<!tpu.dma_semaphore, #tpu.memory_space<semaphore_mem>>)
      %dma_wait3A_147 = arith.constant 0 : i32
      %dma_wait3A_148 = tpu.memref_slice %arg7[%add3A_133, %dma_wait3A_147] : memref<80x128xi32, #tpu.memory_space<vmem>> -> memref<1x128xi32, #tpu.memory_space<vmem>>
      %dma_wait3A_149 = tpu.memref_squeeze %dma_wait3A_148 : memref<1x128xi32, #tpu.memory_space<vmem>> -> memref<128xi32, #tpu.memory_space<vmem>>
      %dma_wait3A_150 = arith.constant 0 : i32
      %dma_wait3A_151 = arith.constant 0 : i32
      %dma_wait3A_152 = tpu.memref_slice %arg2[%dma_wait3A_150, %dma_wait3A_151] : memref<10240x64xf32, #tpu.memory_space<hbm>> -> memref<10240x64xf32, #tpu.memory_space<hbm>>
      tpu.wait_indirect_dma semaphore(%arg14 : memref<!tpu.dma_semaphore, #tpu.memory_space<semaphore_mem>>) src(%dma_wait3A_152 : memref<10240x64xf32, #tpu.memory_space<hbm>>) dst(%arg9 : memref<128x64xf32, #tpu.memory_space<vmem>>)
      %dma_start3A_153 = arith.constant 0 : i32
      %dma_start3A_154 = tpu.memref_slice %arg8[%add3A_133, %dma_start3A_153] : memref<80x128xi32, #tpu.memory_space<vmem>> -> memref<1x128xi32, #tpu.memory_space<vmem>>
      %dma_start3A_155 = tpu.memref_squeeze %dma_start3A_154 : memref<1x128xi32, #tpu.memory_space<vmem>> -> memref<128xi32, #tpu.memory_space<vmem>>
      %dma_start3A_156 = arith.constant 0 : i32
      %dma_start3A_157 = arith.constant 0 : i32
      %dma_start3A_158 = tpu.memref_slice %arg13[%dma_start3A_156, %dma_start3A_157] : memref<10240x64xf32, #tpu.memory_space<vmem_shared>> -> memref<10240x64xf32, #tpu.memory_space<vmem_shared>>
      tpu.enqueue_indirect_dma source(%arg9 : memref<128x64xf32, #tpu.memory_space<vmem>>) target(%dma_start3A_158 : memref<10240x64xf32, #tpu.memory_space<vmem_shared>>) offsets(%dma_start3A_155 : memref<128xi32, #tpu.memory_space<vmem>>) semaphore(%arg18 : memref<!tpu.dma_semaphore, #tpu.memory_space<semaphore_mem>>) {add = true}
      %mul3A_159 = arith.constant 4 : i32
      %mul3A_160 = arith.muli %scan3A_129, %mul3A_159 : i32
      %add3A_161 = arith.constant 1 : i32
      %add3A_162 = arith.addi %mul3A_160, %add3A_161 : i32
      %dma_wait3A_163 = arith.constant 0 : i32
      %dma_wait3A_164 = arith.constant 0 : i32
      %dma_wait3A_165 = tpu.memref_slice %arg8[%dma_wait3A_163, %dma_wait3A_164] : memref<80x128xi32, #tpu.memory_space<vmem>> -> memref<1x128xi32, #tpu.memory_space<vmem>>
      %dma_wait3A_166 = tpu.memref_squeeze %dma_wait3A_165 : memref<1x128xi32, #tpu.memory_space<vmem>> -> memref<128xi32, #tpu.memory_space<vmem>>
      %dma_wait3A_167 = arith.constant 0 : i32
      %dma_wait3A_168 = arith.constant 0 : i32
      %dma_wait3A_169 = tpu.memref_slice %arg13[%dma_wait3A_167, %dma_wait3A_168] : memref<10240x64xf32, #tpu.memory_space<vmem_shared>> -> memref<10240x64xf32, #tpu.memory_space<vmem_shared>>
      tpu.wait_indirect_dma semaphore(%arg19 : memref<!tpu.dma_semaphore, #tpu.memory_space<semaphore_mem>>) src(%arg10 : memref<128x64xf32, #tpu.memory_space<vmem>>) dst(%dma_wait3A_169 : memref<10240x64xf32, #tpu.memory_space<vmem_shared>>)
      %dma_start3A_170 = arith.constant 0 : i32
      %dma_start3A_171 = tpu.memref_slice %arg7[%add3A_162, %dma_start3A_170] : memref<80x128xi32, #tpu.memory_space<vmem>> -> memref<1x128xi32, #tpu.memory_space<vmem>>
      %dma_start3A_172 = tpu.memref_squeeze %dma_start3A_171 : memref<1x128xi32, #tpu.memory_space<vmem>> -> memref<128xi32, #tpu.memory_space<vmem>>
      %dma_start3A_173 = arith.constant 0 : i32
      %dma_start3A_174 = arith.constant 0 : i32
      %dma_start3A_175 = tpu.memref_slice %arg2[%dma_start3A_173, %dma_start3A_174] : memref<10240x64xf32, #tpu.memory_space<hbm>> -> memref<10240x64xf32, #tpu.memory_space<hbm>>
      tpu.enqueue_indirect_dma source(%dma_start3A_175 : memref<10240x64xf32, #tpu.memory_space<hbm>>) target(%arg10 : memref<128x64xf32, #tpu.memory_space<vmem>>) offsets(%dma_start3A_172 : memref<128xi32, #tpu.memory_space<vmem>>) semaphore(%arg15 : memref<!tpu.dma_semaphore, #tpu.memory_space<semaphore_mem>>)
      %dma_wait3A_176 = arith.constant 0 : i32
      %dma_wait3A_177 = tpu.memref_slice %arg7[%add3A_162, %dma_wait3A_176] : memref<80x128xi32, #tpu.memory_space<vmem>> -> memref<1x128xi32, #tpu.memory_space<vmem>>
      %dma_wait3A_178 = tpu.memref_squeeze %dma_wait3A_177 : memref<1x128xi32, #tpu.memory_space<vmem>> -> memref<128xi32, #tpu.memory_space<vmem>>
      %dma_wait3A_179 = arith.constant 0 : i32
      %dma_wait3A_180 = arith.constant 0 : i32
      %dma_wait3A_181 = tpu.memref_slice %arg2[%dma_wait3A_179, %dma_wait3A_180] : memref<10240x64xf32, #tpu.memory_space<hbm>> -> memref<10240x64xf32, #tpu.memory_space<hbm>>
      tpu.wait_indirect_dma semaphore(%arg15 : memref<!tpu.dma_semaphore, #tpu.memory_space<semaphore_mem>>) src(%dma_wait3A_181 : memref<10240x64xf32, #tpu.memory_space<hbm>>) dst(%arg10 : memref<128x64xf32, #tpu.memory_space<vmem>>)
      %dma_start3A_182 = arith.constant 0 : i32
      %dma_start3A_183 = tpu.memref_slice %arg8[%add3A_162, %dma_start3A_182] : memref<80x128xi32, #tpu.memory_space<vmem>> -> memref<1x128xi32, #tpu.memory_space<vmem>>
      %dma_start3A_184 = tpu.memref_squeeze %dma_start3A_183 : memref<1x128xi32, #tpu.memory_space<vmem>> -> memref<128xi32, #tpu.memory_space<vmem>>
      %dma_start3A_185 = arith.constant 0 : i32
      %dma_start3A_186 = arith.constant 0 : i32
      %dma_start3A_187 = tpu.memref_slice %arg13[%dma_start3A_185, %dma_start3A_186] : memref<10240x64xf32, #tpu.memory_space<vmem_shared>> -> memref<10240x64xf32, #tpu.memory_space<vmem_shared>>
      tpu.enqueue_indirect_dma source(%arg10 : memref<128x64xf32, #tpu.memory_space<vmem>>) target(%dma_start3A_187 : memref<10240x64xf32, #tpu.memory_space<vmem_shared>>) offsets(%dma_start3A_184 : memref<128xi32, #tpu.memory_space<vmem>>) semaphore(%arg19 : memref<!tpu.dma_semaphore, #tpu.memory_space<semaphore_mem>>) {add = true}
      %mul3A_188 = arith.constant 4 : i32
      %mul3A_189 = arith.muli %scan3A_129, %mul3A_188 : i32
      %add3A_190 = arith.constant 2 : i32
      %add3A_191 = arith.addi %mul3A_189, %add3A_190 : i32
      %dma_wait3A_192 = arith.constant 0 : i32
      %dma_wait3A_193 = arith.constant 0 : i32
      %dma_wait3A_194 = tpu.memref_slice %arg8[%dma_wait3A_192, %dma_wait3A_193] : memref<80x128xi32, #tpu.memory_space<vmem>> -> memref<1x128xi32, #tpu.memory_space<vmem>>
      %dma_wait3A_195 = tpu.memref_squeeze %dma_wait3A_194 : memref<1x128xi32, #tpu.memory_space<vmem>> -> memref<128xi32, #tpu.memory_space<vmem>>
      %dma_wait3A_196 = arith.constant 0 : i32
      %dma_wait3A_197 = arith.constant 0 : i32
      %dma_wait3A_198 = tpu.memref_slice %arg13[%dma_wait3A_196, %dma_wait3A_197] : memref<10240x64xf32, #tpu.memory_space<vmem_shared>> -> memref<10240x64xf32, #tpu.memory_space<vmem_shared>>
      tpu.wait_indirect_dma semaphore(%arg20 : memref<!tpu.dma_semaphore, #tpu.memory_space<semaphore_mem>>) src(%arg11 : memref<128x64xf32, #tpu.memory_space<vmem>>) dst(%dma_wait3A_198 : memref<10240x64xf32, #tpu.memory_space<vmem_shared>>)
      %dma_start3A_199 = arith.constant 0 : i32
      %dma_start3A_200 = tpu.memref_slice %arg7[%add3A_191, %dma_start3A_199] : memref<80x128xi32, #tpu.memory_space<vmem>> -> memref<1x128xi32, #tpu.memory_space<vmem>>
      %dma_start3A_201 = tpu.memref_squeeze %dma_start3A_200 : memref<1x128xi32, #tpu.memory_space<vmem>> -> memref<128xi32, #tpu.memory_space<vmem>>
      %dma_start3A_202 = arith.constant 0 : i32
      %dma_start3A_203 = arith.constant 0 : i32
      %dma_start3A_204 = tpu.memref_slice %arg2[%dma_start3A_202, %dma_start3A_203] : memref<10240x64xf32, #tpu.memory_space<hbm>> -> memref<10240x64xf32, #tpu.memory_space<hbm>>
      tpu.enqueue_indirect_dma source(%dma_start3A_204 : memref<10240x64xf32, #tpu.memory_space<hbm>>) target(%arg11 : memref<128x64xf32, #tpu.memory_space<vmem>>) offsets(%dma_start3A_201 : memref<128xi32, #tpu.memory_space<vmem>>) semaphore(%arg16 : memref<!tpu.dma_semaphore, #tpu.memory_space<semaphore_mem>>)
      %dma_wait3A_205 = arith.constant 0 : i32
      %dma_wait3A_206 = tpu.memref_slice %arg7[%add3A_191, %dma_wait3A_205] : memref<80x128xi32, #tpu.memory_space<vmem>> -> memref<1x128xi32, #tpu.memory_space<vmem>>
      %dma_wait3A_207 = tpu.memref_squeeze %dma_wait3A_206 : memref<1x128xi32, #tpu.memory_space<vmem>> -> memref<128xi32, #tpu.memory_space<vmem>>
      %dma_wait3A_208 = arith.constant 0 : i32
      %dma_wait3A_209 = arith.constant 0 : i32
      %dma_wait3A_210 = tpu.memref_slice %arg2[%dma_wait3A_208, %dma_wait3A_209] : memref<10240x64xf32, #tpu.memory_space<hbm>> -> memref<10240x64xf32, #tpu.memory_space<hbm>>
      tpu.wait_indirect_dma semaphore(%arg16 : memref<!tpu.dma_semaphore, #tpu.memory_space<semaphore_mem>>) src(%dma_wait3A_210 : memref<10240x64xf32, #tpu.memory_space<hbm>>) dst(%arg11 : memref<128x64xf32, #tpu.memory_space<vmem>>)
      %dma_start3A_211 = arith.constant 0 : i32
      %dma_start3A_212 = tpu.memref_slice %arg8[%add3A_191, %dma_start3A_211] : memref<80x128xi32, #tpu.memory_space<vmem>> -> memref<1x128xi32, #tpu.memory_space<vmem>>
      %dma_start3A_213 = tpu.memref_squeeze %dma_start3A_212 : memref<1x128xi32, #tpu.memory_space<vmem>> -> memref<128xi32, #tpu.memory_space<vmem>>
      %dma_start3A_214 = arith.constant 0 : i32
      %dma_start3A_215 = arith.constant 0 : i32
      %dma_start3A_216 = tpu.memref_slice %arg13[%dma_start3A_214, %dma_start3A_215] : memref<10240x64xf32, #tpu.memory_space<vmem_shared>> -> memref<10240x64xf32, #tpu.memory_space<vmem_shared>>
      tpu.enqueue_indirect_dma source(%arg11 : memref<128x64xf32, #tpu.memory_space<vmem>>) target(%dma_start3A_216 : memref<10240x64xf32, #tpu.memory_space<vmem_shared>>) offsets(%dma_start3A_213 : memref<128xi32, #tpu.memory_space<vmem>>) semaphore(%arg20 : memref<!tpu.dma_semaphore, #tpu.memory_space<semaphore_mem>>) {add = true}
      %mul3A_217 = arith.constant 4 : i32
      %mul3A_218 = arith.muli %scan3A_129, %mul3A_217 : i32
      %add3A_219 = arith.constant 3 : i32
      %add3A_220 = arith.addi %mul3A_218, %add3A_219 : i32
      %dma_wait3A_221 = arith.constant 0 : i32
      %dma_wait3A_222 = arith.constant 0 : i32
      %dma_wait3A_223 = tpu.memref_slice %arg8[%dma_wait3A_221, %dma_wait3A_222] : memref<80x128xi32, #tpu.memory_space<vmem>> -> memref<1x128xi32, #tpu.memory_space<vmem>>
      %dma_wait3A_224 = tpu.memref_squeeze %dma_wait3A_223 : memref<1x128xi32, #tpu.memory_space<vmem>> -> memref<128xi32, #tpu.memory_space<vmem>>
      %dma_wait3A_225 = arith.constant 0 : i32
      %dma_wait3A_226 = arith.constant 0 : i32
      %dma_wait3A_227 = tpu.memref_slice %arg13[%dma_wait3A_225, %dma_wait3A_226] : memref<10240x64xf32, #tpu.memory_space<vmem_shared>> -> memref<10240x64xf32, #tpu.memory_space<vmem_shared>>
      tpu.wait_indirect_dma semaphore(%arg21 : memref<!tpu.dma_semaphore, #tpu.memory_space<semaphore_mem>>) src(%arg12 : memref<128x64xf32, #tpu.memory_space<vmem>>) dst(%dma_wait3A_227 : memref<10240x64xf32, #tpu.memory_space<vmem_shared>>)
      %dma_start3A_228 = arith.constant 0 : i32
      %dma_start3A_229 = tpu.memref_slice %arg7[%add3A_220, %dma_start3A_228] : memref<80x128xi32, #tpu.memory_space<vmem>> -> memref<1x128xi32, #tpu.memory_space<vmem>>
      %dma_start3A_230 = tpu.memref_squeeze %dma_start3A_229 : memref<1x128xi32, #tpu.memory_space<vmem>> -> memref<128xi32, #tpu.memory_space<vmem>>
      %dma_start3A_231 = arith.constant 0 : i32
      %dma_start3A_232 = arith.constant 0 : i32
      %dma_start3A_233 = tpu.memref_slice %arg2[%dma_start3A_231, %dma_start3A_232] : memref<10240x64xf32, #tpu.memory_space<hbm>> -> memref<10240x64xf32, #tpu.memory_space<hbm>>
      tpu.enqueue_indirect_dma source(%dma_start3A_233 : memref<10240x64xf32, #tpu.memory_space<hbm>>) target(%arg12 : memref<128x64xf32, #tpu.memory_space<vmem>>) offsets(%dma_start3A_230 : memref<128xi32, #tpu.memory_space<vmem>>) semaphore(%arg17 : memref<!tpu.dma_semaphore, #tpu.memory_space<semaphore_mem>>)
      %dma_wait3A_234 = arith.constant 0 : i32
      %dma_wait3A_235 = tpu.memref_slice %arg7[%add3A_220, %dma_wait3A_234] : memref<80x128xi32, #tpu.memory_space<vmem>> -> memref<1x128xi32, #tpu.memory_space<vmem>>
      %dma_wait3A_236 = tpu.memref_squeeze %dma_wait3A_235 : memref<1x128xi32, #tpu.memory_space<vmem>> -> memref<128xi32, #tpu.memory_space<vmem>>
      %dma_wait3A_237 = arith.constant 0 : i32
      %dma_wait3A_238 = arith.constant 0 : i32
      %dma_wait3A_239 = tpu.memref_slice %arg2[%dma_wait3A_237, %dma_wait3A_238] : memref<10240x64xf32, #tpu.memory_space<hbm>> -> memref<10240x64xf32, #tpu.memory_space<hbm>>
      tpu.wait_indirect_dma semaphore(%arg17 : memref<!tpu.dma_semaphore, #tpu.memory_space<semaphore_mem>>) src(%dma_wait3A_239 : memref<10240x64xf32, #tpu.memory_space<hbm>>) dst(%arg12 : memref<128x64xf32, #tpu.memory_space<vmem>>)
      %dma_start3A_240 = arith.constant 0 : i32
      %dma_start3A_241 = tpu.memref_slice %arg8[%add3A_220, %dma_start3A_240] : memref<80x128xi32, #tpu.memory_space<vmem>> -> memref<1x128xi32, #tpu.memory_space<vmem>>
      %dma_start3A_242 = tpu.memref_squeeze %dma_start3A_241 : memref<1x128xi32, #tpu.memory_space<vmem>> -> memref<128xi32, #tpu.memory_space<vmem>>
      %dma_start3A_243 = arith.constant 0 : i32
      %dma_start3A_244 = arith.constant 0 : i32
      %dma_start3A_245 = tpu.memref_slice %arg13[%dma_start3A_243, %dma_start3A_244] : memref<10240x64xf32, #tpu.memory_space<vmem_shared>> -> memref<10240x64xf32, #tpu.memory_space<vmem_shared>>
      tpu.enqueue_indirect_dma source(%arg12 : memref<128x64xf32, #tpu.memory_space<vmem>>) target(%dma_start3A_245 : memref<10240x64xf32, #tpu.memory_space<vmem_shared>>) offsets(%dma_start3A_242 : memref<128xi32, #tpu.memory_space<vmem>>) semaphore(%arg21 : memref<!tpu.dma_semaphore, #tpu.memory_space<semaphore_mem>>) {add = true}
    }
    %scan3A_95 = arith.constant 19 : i32
    %dma_wait3A_96 = arith.constant 0 : i32
    %dma_wait3A_97 = arith.constant 0 : i32
    %dma_wait3A_98 = tpu.memref_slice %arg8[%dma_wait3A_96, %dma_wait3A_97] : memref<80x128xi32, #tpu.memory_space<vmem>> -> memref<1x128xi32, #tpu.memory_space<vmem>>
    %dma_wait3A_99 = tpu.memref_squeeze %dma_wait3A_98 : memref<1x128xi32, #tpu.memory_space<vmem>> -> memref<128xi32, #tpu.memory_space<vmem>>
    %dma_wait3A_100 = arith.constant 0 : i32
    %dma_wait3A_101 = arith.constant 0 : i32
    %dma_wait3A_102 = tpu.memref_slice %arg13[%dma_wait3A_100, %dma_wait3A_101] : memref<10240x64xf32, #tpu.memory_space<vmem_shared>> -> memref<10240x64xf32, #tpu.memory_space<vmem_shared>>
    tpu.wait_indirect_dma semaphore(%arg18 : memref<!tpu.dma_semaphore, #tpu.memory_space<semaphore_mem>>) src(%arg9 : memref<128x64xf32, #tpu.memory_space<vmem>>) dst(%dma_wait3A_102 : memref<10240x64xf32, #tpu.memory_space<vmem_shared>>)
    %dma_wait3A_103 = arith.constant 0 : i32
    %dma_wait3A_104 = arith.constant 0 : i32
    %dma_wait3A_105 = tpu.memref_slice %arg8[%dma_wait3A_103, %dma_wait3A_104] : memref<80x128xi32, #tpu.memory_space<vmem>> -> memref<1x128xi32, #tpu.memory_space<vmem>>
    %dma_wait3A_106 = tpu.memref_squeeze %dma_wait3A_105 : memref<1x128xi32, #tpu.memory_space<vmem>> -> memref<128xi32, #tpu.memory_space<vmem>>
    %dma_wait3A_107 = arith.constant 0 : i32
    %dma_wait3A_108 = arith.constant 0 : i32
    %dma_wait3A_109 = tpu.memref_slice %arg13[%dma_wait3A_107, %dma_wait3A_108] : memref<10240x64xf32, #tpu.memory_space<vmem_shared>> -> memref<10240x64xf32, #tpu.memory_space<vmem_shared>>
    tpu.wait_indirect_dma semaphore(%arg19 : memref<!tpu.dma_semaphore, #tpu.memory_space<semaphore_mem>>) src(%arg10 : memref<128x64xf32, #tpu.memory_space<vmem>>) dst(%dma_wait3A_109 : memref<10240x64xf32, #tpu.memory_space<vmem_shared>>)
    %dma_wait3A_110 = arith.constant 0 : i32
    %dma_wait3A_111 = arith.constant 0 : i32
    %dma_wait3A_112 = tpu.memref_slice %arg8[%dma_wait3A_110, %dma_wait3A_111] : memref<80x128xi32, #tpu.memory_space<vmem>> -> memref<1x128xi32, #tpu.memory_space<vmem>>
    %dma_wait3A_113 = tpu.memref_squeeze %dma_wait3A_112 : memref<1x128xi32, #tpu.memory_space<vmem>> -> memref<128xi32, #tpu.memory_space<vmem>>
    %dma_wait3A_114 = arith.constant 0 : i32
    %dma_wait3A_115 = arith.constant 0 : i32
    %dma_wait3A_116 = tpu.memref_slice %arg13[%dma_wait3A_114, %dma_wait3A_115] : memref<10240x64xf32, #tpu.memory_space<vmem_shared>> -> memref<10240x64xf32, #tpu.memory_space<vmem_shared>>
    tpu.wait_indirect_dma semaphore(%arg20 : memref<!tpu.dma_semaphore, #tpu.memory_space<semaphore_mem>>) src(%arg11 : memref<128x64xf32, #tpu.memory_space<vmem>>) dst(%dma_wait3A_116 : memref<10240x64xf32, #tpu.memory_space<vmem_shared>>)
    %dma_wait3A_117 = arith.constant 0 : i32
    %dma_wait3A_118 = arith.constant 0 : i32
    %dma_wait3A_119 = tpu.memref_slice %arg8[%dma_wait3A_117, %dma_wait3A_118] : memref<80x128xi32, #tpu.memory_space<vmem>> -> memref<1x128xi32, #tpu.memory_space<vmem>>
    %dma_wait3A_120 = tpu.memref_squeeze %dma_wait3A_119 : memref<1x128xi32, #tpu.memory_space<vmem>> -> memref<128xi32, #tpu.memory_space<vmem>>
    %dma_wait3A_121 = arith.constant 0 : i32
    %dma_wait3A_122 = arith.constant 0 : i32
    %dma_wait3A_123 = tpu.memref_slice %arg13[%dma_wait3A_121, %dma_wait3A_122] : memref<10240x64xf32, #tpu.memory_space<vmem_shared>> -> memref<10240x64xf32, #tpu.memory_space<vmem_shared>>
    tpu.wait_indirect_dma semaphore(%arg21 : memref<!tpu.dma_semaphore, #tpu.memory_space<semaphore_mem>>) src(%arg12 : memref<128x64xf32, #tpu.memory_space<vmem>>) dst(%dma_wait3A_123 : memref<10240x64xf32, #tpu.memory_space<vmem_shared>>)
    %barrier3A_124 = arith.constant 0 : index
    tpu.barrier barrier_id(%barrier3A_124)
    %mul3A_125 = arith.constant 640 : i32
    %mul3A_126 = arith.muli %arg1, %mul3A_125 : i32
    %mul3A_127 = arith.constant 640 : i32
    %mul3A_128 = arith.muli %arg1, %mul3A_127 : i32
    "tpu.region"() ({
      %run_scoped3A = tpu.sem_alloc : memref<!tpu.dma_semaphore, #tpu.memory_space<semaphore_mem>>
      %dma_start3A_129 = arith.constant 0 : i32
      %dma_start3A_130 = tpu.memref_slice %arg6[%arg0, %mul3A_128, %dma_start3A_129] : memref<2x10240x64xf32, #tpu.memory_space<hbm>> -> memref<1x640x64xf32, #tpu.memory_space<hbm>>
      %dma_start3A_131 = tpu.memref_squeeze %dma_start3A_130 : memref<1x640x64xf32, #tpu.memory_space<hbm>> -> memref<640x64xf32, #tpu.memory_space<hbm>>
      %dma_start3A_132 = arith.constant 0 : i32
      %dma_start3A_133 = tpu.memref_slice %arg13[%mul3A_126, %dma_start3A_132] : memref<10240x64xf32, #tpu.memory_space<vmem_shared>> -> memref<640x64xf32, #tpu.memory_space<vmem_shared>>
      tpu.enqueue_dma source(%dma_start3A_133 : memref<640x64xf32, #tpu.memory_space<vmem_shared>>) target(%dma_start3A_131 : memref<640x64xf32, #tpu.memory_space<hbm>>) target_semaphore(%run_scoped3A : memref<!tpu.dma_semaphore, #tpu.memory_space<semaphore_mem>>)
      %dma_wait3A_134 = arith.constant 0 : i32
      %dma_wait3A_135 = tpu.memref_slice %arg6[%arg0, %mul3A_128, %dma_wait3A_134] : memref<2x10240x64xf32, #tpu.memory_space<hbm>> -> memref<1x640x64xf32, #tpu.memory_space<hbm>>
      %dma_wait3A_136 = tpu.memref_squeeze %dma_wait3A_135 : memref<1x640x64xf32, #tpu.memory_space<hbm>> -> memref<640x64xf32, #tpu.memory_space<hbm>>
      %dma_wait3A_137 = arith.constant 0 : i32
      %dma_wait3A_138 = tpu.memref_slice %arg13[%mul3A_126, %dma_wait3A_137] : memref<10240x64xf32, #tpu.memory_space<vmem_shared>> -> memref<640x64xf32, #tpu.memory_space<vmem_shared>>
      tpu.wait_dma2 semaphore(%run_scoped3A : memref<!tpu.dma_semaphore, #tpu.memory_space<semaphore_mem>>) src(%dma_wait3A_138 : memref<640x64xf32, #tpu.memory_space<vmem_shared>>) dst(%dma_wait3A_136 : memref<640x64xf32, #tpu.memory_space<hbm>>)
      tpu.yield
    }) : () -> ()
    return
  }
}

module attributes {stable_mosaic.version = 14 : i64} {
  func.func @_mm1_body(%arg0: i32, %arg1: memref<1024x2xf32, #tpu.memory_space<vmem>>, %arg2: memref<1024x1xf32, #tpu.memory_space<vmem>>, %arg3: memref<1024x128xf32, #tpu.memory_space<vmem>>, %arg4: memref<128x64xf32, #tpu.memory_space<vmem>>, %arg5: memref<1024x64xf32, #tpu.memory_space<vmem>>, %arg6: memref<1024x1xf32, #tpu.memory_space<vmem>>) attributes {dimension_semantics = [#tpu.dimension_semantics<arbitrary>], iteration_bounds = array<i64: 10>, scalar_prefetch = 0 : i64, scratch_operands = 0 : i64, tpu.core_type = #tpu.core_type<tc>, window_params = [{transform_indices = @transform_0, window_bounds = array<i64: 1024, 2>}, {transform_indices = @transform_1, window_bounds = array<i64: 1024, 1>}, {transform_indices = @transform_2, window_bounds = array<i64: 1024, 128>}, {pipeline_mode = #tpu.pipeline_mode<synchronous>, transform_indices = @transform_3, window_bounds = array<i64: 128, 64>}, {transform_indices = @transform_4, window_bounds = array<i64: 1024, 64>}, {transform_indices = @transform_5, window_bounds = array<i64: 1024, 1>}]} {
    %get3A = arith.constant 0 : index
    %get3A_0 = arith.constant 0 : index
    %get3A_1 = vector.load %arg1[%get3A, %get3A_0] : memref<1024x2xf32, #tpu.memory_space<vmem>>, vector<1024x1xf32>
    %get3A_2 = arith.constant 0 : index
    %get3A_3 = arith.constant 1 : index
    %get3A_4 = vector.load %arg1[%get3A_2, %get3A_3] : memref<1024x2xf32, #tpu.memory_space<vmem>>, vector<1024x1xf32>
    %add3A = arith.addf %get3A_1, %get3A_4 : vector<1024x1xf32>
    %get3A_5 = arith.constant 0 : index
    %get3A_6 = arith.constant 0 : index
    %get3A_7 = vector.load %arg2[%get3A_5, %get3A_6] : memref<1024x1xf32, #tpu.memory_space<vmem>>, vector<1024x1xf32>
    %add3A_8 = arith.addf %add3A, %get3A_7 : vector<1024x1xf32>
    %gt3A = arith.constant 0.000000e+00 : f32
    %gt3A_9 = vector.broadcast %gt3A : f32 to vector<1024x1xf32>
    %gt3A_10 = arith.cmpf ogt, %add3A_8, %gt3A_9 : vector<1024x1xf32>
    %max3A = arith.constant 9.99999996E-13 : f32
    %max3A_11 = vector.broadcast %max3A : f32 to vector<1024x1xf32>
    %max3A_12 = arith.maximumf %add3A_8, %max3A_11 : vector<1024x1xf32>
    %rsqrt3A = math.rsqrt %max3A_12 : vector<1024x1xf32>
    %broadcast_in_dim3A = arith.constant 0.000000e+00 : f32
    %broadcast_in_dim3A_13 = vector.broadcast %broadcast_in_dim3A : f32 to vector<1024x1xf32>
    %select_n3A = arith.select %gt3A_10, %rsqrt3A, %broadcast_in_dim3A_13 : vector<1024x1xi1>, vector<1024x1xf32>
    %swap3A = arith.constant 0 : index
    %swap3A_14 = arith.constant 0 : index
    %swap3A_15 = vector.load %arg6[%swap3A, %swap3A_14] : memref<1024x1xf32, #tpu.memory_space<vmem>>, vector<1024x1xf32>
    tpu.vector_store %arg6[%swap3A, %swap3A_14], %select_n3A {strides = array<i32>} : memref<1024x1xf32, #tpu.memory_space<vmem>>, vector<1024x1xf32>,
    %get3A_16 = arith.constant 0 : index
    %get3A_17 = arith.constant 0 : index
    %get3A_18 = vector.load %arg3[%get3A_16, %get3A_17] : memref<1024x128xf32, #tpu.memory_space<vmem>>, vector<1024x128xf32>
    %get3A_19 = arith.constant 0 : index
    %get3A_20 = arith.constant 0 : index
    %get3A_21 = vector.load %arg4[%get3A_19, %get3A_20] : memref<128x64xf32, #tpu.memory_space<vmem>>, vector<128x64xf32>
    %dot_general3A = arith.constant dense<0.000000e+00> : vector<1024x64xf32>
    %dot_general3A_22 = tpu.matmul %get3A_18, %get3A_21, %dot_general3A {dimension_numbers = #tpu.dot_dimension_numbers<[1], [0], [0], [1], [0, 0, 1, 1], [], []>, transpose_lhs_hint = false} : vector<1024x128xf32>, vector<128x64xf32>, vector<1024x64xf32> -> vector<1024x64xf32>
    %mul3A = vector.broadcast %select_n3A : vector<1024x1xf32> to vector<1024x64xf32>
    %mul3A_23 = arith.mulf %dot_general3A_22, %mul3A : vector<1024x64xf32>
    %swap3A_24 = arith.constant 0 : index
    %swap3A_25 = arith.constant 0 : index
    %swap3A_26 = vector.load %arg5[%swap3A_24, %swap3A_25] : memref<1024x64xf32, #tpu.memory_space<vmem>>, vector<1024x64xf32>
    tpu.vector_store %arg5[%swap3A_24, %swap3A_25], %mul3A_23 {strides = array<i32>} : memref<1024x64xf32, #tpu.memory_space<vmem>>, vector<1024x64xf32>,
    return
  }
  func.func @transform_0(%arg0: i32) -> (i32, i32) {
    %c0_i32 = arith.constant 0 : i32
    %c0_i32_0 = arith.constant 0 : i32
    return %arg0, %c0_i32 : i32, i32
  }
  func.func @transform_1(%arg0: i32) -> (i32, i32) {
    %c0_i32 = arith.constant 0 : i32
    %c0_i32_0 = arith.constant 0 : i32
    return %arg0, %c0_i32 : i32, i32
  }
  func.func @transform_2(%arg0: i32) -> (i32, i32) {
    %c0_i32 = arith.constant 0 : i32
    %c0_i32_0 = arith.constant 0 : i32
    return %arg0, %c0_i32 : i32, i32
  }
  func.func @transform_3(%arg0: i32) -> (i32, i32) {
    %c0_i32 = arith.constant 0 : i32
    %c0_i32_0 = arith.constant 0 : i32
    %c0_i32_1 = arith.constant 0 : i32
    return %c0_i32, %c0_i32_0 : i32, i32
  }
  func.func @transform_4(%arg0: i32) -> (i32, i32) {
    %c0_i32 = arith.constant 0 : i32
    %c0_i32_0 = arith.constant 0 : i32
    return %arg0, %c0_i32 : i32, i32
  }
  func.func @transform_5(%arg0: i32) -> (i32, i32) {
    %c0_i32 = arith.constant 0 : i32
    %c0_i32_0 = arith.constant 0 : i32
    return %arg0, %c0_i32 : i32, i32
  }
}

module attributes {stable_mosaic.version = 14 : i64} {
  func.func @_layer_body(%arg0: i32, %arg1: memref<2x1024x64xf32, #tpu.memory_space<vmem>>, %arg2: memref<1024x64xf32, #tpu.memory_space<vmem>>, %arg3: memref<1024x1xf32, #tpu.memory_space<vmem>>, %arg4: memref<1x64xf32, #tpu.memory_space<vmem>>, %arg5: memref<64x32xf32, #tpu.memory_space<vmem>>, %arg6: memref<1024x32xf32, #tpu.memory_space<vmem>>) attributes {dimension_semantics = [#tpu.dimension_semantics<arbitrary>], iteration_bounds = array<i64: 10>, scalar_prefetch = 0 : i64, scratch_operands = 0 : i64, tpu.core_type = #tpu.core_type<tc>, window_params = [{transform_indices = @transform_0, window_bounds = array<i64: 2, 1024, 64>}, {transform_indices = @transform_1, window_bounds = array<i64: 1024, 64>}, {transform_indices = @transform_2, window_bounds = array<i64: 1024, 1>}, {pipeline_mode = #tpu.pipeline_mode<synchronous>, transform_indices = @transform_3, window_bounds = array<i64: 1, 64>}, {pipeline_mode = #tpu.pipeline_mode<synchronous>, transform_indices = @transform_4, window_bounds = array<i64: 64, 32>}, {transform_indices = @transform_5, window_bounds = array<i64: 1024, 32>}]} {
    %get3A = arith.constant 0 : index
    %get3A_0 = arith.constant 0 : index
    %get3A_1 = arith.constant 0 : index
    %get3A_2 = vector.load %arg1[%get3A, %get3A_0, %get3A_1] : memref<2x1024x64xf32, #tpu.memory_space<vmem>>, vector<1x1024x64xf32>
    %get3A_3 = vector.shape_cast %get3A_2 : vector<1x1024x64xf32> to vector<1024x64xf32>
    %get3A_4 = arith.constant 1 : index
    %get3A_5 = arith.constant 0 : index
    %get3A_6 = arith.constant 0 : index
    %get3A_7 = vector.load %arg1[%get3A_4, %get3A_5, %get3A_6] : memref<2x1024x64xf32, #tpu.memory_space<vmem>>, vector<1x1024x64xf32>
    %get3A_8 = vector.shape_cast %get3A_7 : vector<1x1024x64xf32> to vector<1024x64xf32>
    %add3A = arith.addf %get3A_3, %get3A_8 : vector<1024x64xf32>
    %get3A_9 = arith.constant 0 : index
    %get3A_10 = arith.constant 0 : index
    %get3A_11 = vector.load %arg2[%get3A_9, %get3A_10] : memref<1024x64xf32, #tpu.memory_space<vmem>>, vector<1024x64xf32>
    %add3A_12 = arith.addf %add3A, %get3A_11 : vector<1024x64xf32>
    %get3A_13 = arith.constant 0 : index
    %get3A_14 = arith.constant 0 : index
    %get3A_15 = vector.load %arg3[%get3A_13, %get3A_14] : memref<1024x1xf32, #tpu.memory_space<vmem>>, vector<1024x1xf32>
    %mul3A = vector.broadcast %get3A_15 : vector<1024x1xf32> to vector<1024x64xf32>
    %mul3A_16 = arith.mulf %add3A_12, %mul3A : vector<1024x64xf32>
    %get3A_17 = arith.constant 0 : index
    %get3A_18 = arith.constant 0 : index
    %get3A_19 = vector.load %arg4[%get3A_17, %get3A_18] : memref<1x64xf32, #tpu.memory_space<vmem>>, vector<1x64xf32>
    %add3A_20 = vector.broadcast %get3A_19 : vector<1x64xf32> to vector<1024x64xf32>
    %add3A_21 = arith.addf %mul3A_16, %add3A_20 : vector<1024x64xf32>
    %max3A = arith.constant 0.000000e+00 : f32
    %max3A_22 = vector.broadcast %max3A : f32 to vector<1024x64xf32>
    %max3A_23 = arith.maximumf %add3A_21, %max3A_22 : vector<1024x64xf32>
    %get3A_24 = arith.constant 0 : index
    %get3A_25 = arith.constant 0 : index
    %get3A_26 = vector.load %arg5[%get3A_24, %get3A_25] : memref<64x32xf32, #tpu.memory_space<vmem>>, vector<64x32xf32>
    %dot_general3A = arith.constant dense<0.000000e+00> : vector<1024x32xf32>
    %dot_general3A_27 = tpu.matmul %max3A_23, %get3A_26, %dot_general3A {dimension_numbers = #tpu.dot_dimension_numbers<[1], [0], [0], [1], [0, 0, 1, 1], [], []>, transpose_lhs_hint = false} : vector<1024x64xf32>, vector<64x32xf32>, vector<1024x32xf32> -> vector<1024x32xf32>
    %get3A_28 = arith.constant 0 : index
    %get3A_29 = arith.constant 0 : index
    %get3A_30 = vector.load %arg3[%get3A_28, %get3A_29] : memref<1024x1xf32, #tpu.memory_space<vmem>>, vector<1024x1xf32>
    %mul3A_31 = vector.broadcast %get3A_30 : vector<1024x1xf32> to vector<1024x32xf32>
    %mul3A_32 = arith.mulf %dot_general3A_27, %mul3A_31 : vector<1024x32xf32>
    %swap3A = arith.constant 0 : index
    %swap3A_33 = arith.constant 0 : index
    %swap3A_34 = vector.load %arg6[%swap3A, %swap3A_33] : memref<1024x32xf32, #tpu.memory_space<vmem>>, vector<1024x32xf32>
    tpu.vector_store %arg6[%swap3A, %swap3A_33], %mul3A_32 {strides = array<i32>} : memref<1024x32xf32, #tpu.memory_space<vmem>>, vector<1024x32xf32>,
    return
  }
  func.func @transform_0(%arg0: i32) -> (i32, i32, i32) {
    %c0_i32 = arith.constant 0 : i32
    %c0_i32_0 = arith.constant 0 : i32
    %c0_i32_1 = arith.constant 0 : i32
    return %c0_i32, %arg0, %c0_i32_0 : i32, i32, i32
  }
  func.func @transform_1(%arg0: i32) -> (i32, i32) {
    %c0_i32 = arith.constant 0 : i32
    %c0_i32_0 = arith.constant 0 : i32
    return %arg0, %c0_i32 : i32, i32
  }
  func.func @transform_2(%arg0: i32) -> (i32, i32) {
    %c0_i32 = arith.constant 0 : i32
    %c0_i32_0 = arith.constant 0 : i32
    return %arg0, %c0_i32 : i32, i32
  }
  func.func @transform_3(%arg0: i32) -> (i32, i32) {
    %c0_i32 = arith.constant 0 : i32
    %c0_i32_0 = arith.constant 0 : i32
    %c0_i32_1 = arith.constant 0 : i32
    return %c0_i32, %c0_i32_0 : i32, i32
  }
  func.func @transform_4(%arg0: i32) -> (i32, i32) {
    %c0_i32 = arith.constant 0 : i32
    %c0_i32_0 = arith.constant 0 : i32
    %c0_i32_1 = arith.constant 0 : i32
    return %c0_i32, %c0_i32_0 : i32, i32
  }
  func.func @transform_5(%arg0: i32) -> (i32, i32) {
    %c0_i32 = arith.constant 0 : i32
    %c0_i32_0 = arith.constant 0 : i32
    return %arg0, %c0_i32 : i32, i32
  }
}

module attributes {stable_mosaic.version = 14 : i64} {
  func.func @_layer_body(%arg0: i32, %arg1: memref<2x1024x32xf32, #tpu.memory_space<vmem>>, %arg2: memref<1024x32xf32, #tpu.memory_space<vmem>>, %arg3: memref<1024x1xf32, #tpu.memory_space<vmem>>, %arg4: memref<1x32xf32, #tpu.memory_space<vmem>>, %arg5: memref<32x16xf32, #tpu.memory_space<vmem>>, %arg6: memref<1024x16xf32, #tpu.memory_space<vmem>>) attributes {dimension_semantics = [#tpu.dimension_semantics<arbitrary>], iteration_bounds = array<i64: 10>, scalar_prefetch = 0 : i64, scratch_operands = 0 : i64, tpu.core_type = #tpu.core_type<tc>, window_params = [{transform_indices = @transform_0, window_bounds = array<i64: 2, 1024, 32>}, {transform_indices = @transform_1, window_bounds = array<i64: 1024, 32>}, {transform_indices = @transform_2, window_bounds = array<i64: 1024, 1>}, {pipeline_mode = #tpu.pipeline_mode<synchronous>, transform_indices = @transform_3, window_bounds = array<i64: 1, 32>}, {pipeline_mode = #tpu.pipeline_mode<synchronous>, transform_indices = @transform_4, window_bounds = array<i64: 32, 16>}, {transform_indices = @transform_5, window_bounds = array<i64: 1024, 16>}]} {
    %get3A = arith.constant 0 : index
    %get3A_0 = arith.constant 0 : index
    %get3A_1 = arith.constant 0 : index
    %get3A_2 = vector.load %arg1[%get3A, %get3A_0, %get3A_1] : memref<2x1024x32xf32, #tpu.memory_space<vmem>>, vector<1x1024x32xf32>
    %get3A_3 = vector.shape_cast %get3A_2 : vector<1x1024x32xf32> to vector<1024x32xf32>
    %get3A_4 = arith.constant 1 : index
    %get3A_5 = arith.constant 0 : index
    %get3A_6 = arith.constant 0 : index
    %get3A_7 = vector.load %arg1[%get3A_4, %get3A_5, %get3A_6] : memref<2x1024x32xf32, #tpu.memory_space<vmem>>, vector<1x1024x32xf32>
    %get3A_8 = vector.shape_cast %get3A_7 : vector<1x1024x32xf32> to vector<1024x32xf32>
    %add3A = arith.addf %get3A_3, %get3A_8 : vector<1024x32xf32>
    %get3A_9 = arith.constant 0 : index
    %get3A_10 = arith.constant 0 : index
    %get3A_11 = vector.load %arg2[%get3A_9, %get3A_10] : memref<1024x32xf32, #tpu.memory_space<vmem>>, vector<1024x32xf32>
    %add3A_12 = arith.addf %add3A, %get3A_11 : vector<1024x32xf32>
    %get3A_13 = arith.constant 0 : index
    %get3A_14 = arith.constant 0 : index
    %get3A_15 = vector.load %arg3[%get3A_13, %get3A_14] : memref<1024x1xf32, #tpu.memory_space<vmem>>, vector<1024x1xf32>
    %mul3A = vector.broadcast %get3A_15 : vector<1024x1xf32> to vector<1024x32xf32>
    %mul3A_16 = arith.mulf %add3A_12, %mul3A : vector<1024x32xf32>
    %get3A_17 = arith.constant 0 : index
    %get3A_18 = arith.constant 0 : index
    %get3A_19 = vector.load %arg4[%get3A_17, %get3A_18] : memref<1x32xf32, #tpu.memory_space<vmem>>, vector<1x32xf32>
    %add3A_20 = vector.broadcast %get3A_19 : vector<1x32xf32> to vector<1024x32xf32>
    %add3A_21 = arith.addf %mul3A_16, %add3A_20 : vector<1024x32xf32>
    %max3A = arith.constant 0.000000e+00 : f32
    %max3A_22 = vector.broadcast %max3A : f32 to vector<1024x32xf32>
    %max3A_23 = arith.maximumf %add3A_21, %max3A_22 : vector<1024x32xf32>
    %get3A_24 = arith.constant 0 : index
    %get3A_25 = arith.constant 0 : index
    %get3A_26 = vector.load %arg5[%get3A_24, %get3A_25] : memref<32x16xf32, #tpu.memory_space<vmem>>, vector<32x16xf32>
    %dot_general3A = arith.constant dense<0.000000e+00> : vector<1024x16xf32>
    %dot_general3A_27 = tpu.matmul %max3A_23, %get3A_26, %dot_general3A {dimension_numbers = #tpu.dot_dimension_numbers<[1], [0], [0], [1], [0, 0, 1, 1], [], []>, transpose_lhs_hint = false} : vector<1024x32xf32>, vector<32x16xf32>, vector<1024x16xf32> -> vector<1024x16xf32>
    %get3A_28 = arith.constant 0 : index
    %get3A_29 = arith.constant 0 : index
    %get3A_30 = vector.load %arg3[%get3A_28, %get3A_29] : memref<1024x1xf32, #tpu.memory_space<vmem>>, vector<1024x1xf32>
    %mul3A_31 = vector.broadcast %get3A_30 : vector<1024x1xf32> to vector<1024x16xf32>
    %mul3A_32 = arith.mulf %dot_general3A_27, %mul3A_31 : vector<1024x16xf32>
    %swap3A = arith.constant 0 : index
    %swap3A_33 = arith.constant 0 : index
    %swap3A_34 = vector.load %arg6[%swap3A, %swap3A_33] : memref<1024x16xf32, #tpu.memory_space<vmem>>, vector<1024x16xf32>
    tpu.vector_store %arg6[%swap3A, %swap3A_33], %mul3A_32 {strides = array<i32>} : memref<1024x16xf32, #tpu.memory_space<vmem>>, vector<1024x16xf32>,
    return
  }
  func.func @transform_0(%arg0: i32) -> (i32, i32, i32) {
    %c0_i32 = arith.constant 0 : i32
    %c0_i32_0 = arith.constant 0 : i32
    %c0_i32_1 = arith.constant 0 : i32
    return %c0_i32, %arg0, %c0_i32_0 : i32, i32, i32
  }
  func.func @transform_1(%arg0: i32) -> (i32, i32) {
    %c0_i32 = arith.constant 0 : i32
    %c0_i32_0 = arith.constant 0 : i32
    return %arg0, %c0_i32 : i32, i32
  }
  func.func @transform_2(%arg0: i32) -> (i32, i32) {
    %c0_i32 = arith.constant 0 : i32
    %c0_i32_0 = arith.constant 0 : i32
    return %arg0, %c0_i32 : i32, i32
  }
  func.func @transform_3(%arg0: i32) -> (i32, i32) {
    %c0_i32 = arith.constant 0 : i32
    %c0_i32_0 = arith.constant 0 : i32
    %c0_i32_1 = arith.constant 0 : i32
    return %c0_i32, %c0_i32_0 : i32, i32
  }
  func.func @transform_4(%arg0: i32) -> (i32, i32) {
    %c0_i32 = arith.constant 0 : i32
    %c0_i32_0 = arith.constant 0 : i32
    %c0_i32_1 = arith.constant 0 : i32
    return %c0_i32, %c0_i32_0 : i32, i32
  }
  func.func @transform_5(%arg0: i32) -> (i32, i32) {
    %c0_i32 = arith.constant 0 : i32
    %c0_i32_0 = arith.constant 0 : i32
    return %arg0, %c0_i32 : i32, i32
  }
}

module attributes {stable_mosaic.version = 14 : i64} {
  func.func @_pool_head_body(%arg0: i32, %arg1: memref<2x1024x16xf32, #tpu.memory_space<vmem>>, %arg2: memref<1024x16xf32, #tpu.memory_space<vmem>>, %arg3: memref<1024x1xf32, #tpu.memory_space<vmem>>, %arg4: memref<1x16xf32, #tpu.memory_space<vmem>>, %arg5: memref<1024x1xf32, #tpu.memory_space<vmem>>, %arg6: memref<16x8xf32, #tpu.memory_space<vmem>>, %arg7: memref<1x8xf32, #tpu.memory_space<vmem>>, %arg8: memref<8x10xf32, #tpu.memory_space<vmem>>, %arg9: memref<1x10xf32, #tpu.memory_space<vmem>>, %arg10: memref<1x16xf32, #tpu.memory_space<vmem>>, %arg11: memref<1x10xf32, #tpu.memory_space<vmem>>) attributes {dimension_semantics = [#tpu.dimension_semantics<arbitrary>], iteration_bounds = array<i64: 10>, scalar_prefetch = 0 : i64, scratch_operands = 0 : i64, tpu.core_type = #tpu.core_type<tc>, window_params = [{transform_indices = @transform_0, window_bounds = array<i64: 2, 1024, 16>}, {transform_indices = @transform_1, window_bounds = array<i64: 1024, 16>}, {transform_indices = @transform_2, window_bounds = array<i64: 1024, 1>}, {pipeline_mode = #tpu.pipeline_mode<synchronous>, transform_indices = @transform_3, window_bounds = array<i64: 1, 16>}, {transform_indices = @transform_4, window_bounds = array<i64: 1024, 1>}, {pipeline_mode = #tpu.pipeline_mode<synchronous>, transform_indices = @transform_5, window_bounds = array<i64: 16, 8>}, {pipeline_mode = #tpu.pipeline_mode<synchronous>, transform_indices = @transform_6, window_bounds = array<i64: 1, 8>}, {pipeline_mode = #tpu.pipeline_mode<synchronous>, transform_indices = @transform_7, window_bounds = array<i64: 8, 10>}, {pipeline_mode = #tpu.pipeline_mode<synchronous>, transform_indices = @transform_8, window_bounds = array<i64: 1, 10>}, {pipeline_mode = #tpu.pipeline_mode<synchronous>, transform_indices = @transform_9, window_bounds = array<i64: 1, 16>}, {pipeline_mode = #tpu.pipeline_mode<synchronous>, transform_indices = @transform_10, window_bounds = array<i64: 1, 10>}]} {
    %get3A = arith.constant 0 : index
    %get3A_0 = arith.constant 0 : index
    %get3A_1 = arith.constant 0 : index
    %get3A_2 = vector.load %arg1[%get3A, %get3A_0, %get3A_1] : memref<2x1024x16xf32, #tpu.memory_space<vmem>>, vector<1x1024x16xf32>
    %get3A_3 = vector.shape_cast %get3A_2 : vector<1x1024x16xf32> to vector<1024x16xf32>
    %get3A_4 = arith.constant 1 : index
    %get3A_5 = arith.constant 0 : index
    %get3A_6 = arith.constant 0 : index
    %get3A_7 = vector.load %arg1[%get3A_4, %get3A_5, %get3A_6] : memref<2x1024x16xf32, #tpu.memory_space<vmem>>, vector<1x1024x16xf32>
    %get3A_8 = vector.shape_cast %get3A_7 : vector<1x1024x16xf32> to vector<1024x16xf32>
    %add3A = arith.addf %get3A_3, %get3A_8 : vector<1024x16xf32>
    %get3A_9 = arith.constant 0 : index
    %get3A_10 = arith.constant 0 : index
    %get3A_11 = vector.load %arg2[%get3A_9, %get3A_10] : memref<1024x16xf32, #tpu.memory_space<vmem>>, vector<1024x16xf32>
    %add3A_12 = arith.addf %add3A, %get3A_11 : vector<1024x16xf32>
    %get3A_13 = arith.constant 0 : index
    %get3A_14 = arith.constant 0 : index
    %get3A_15 = vector.load %arg3[%get3A_13, %get3A_14] : memref<1024x1xf32, #tpu.memory_space<vmem>>, vector<1024x1xf32>
    %mul3A = vector.broadcast %get3A_15 : vector<1024x1xf32> to vector<1024x16xf32>
    %mul3A_16 = arith.mulf %add3A_12, %mul3A : vector<1024x16xf32>
    %get3A_17 = arith.constant 0 : index
    %get3A_18 = arith.constant 0 : index
    %get3A_19 = vector.load %arg4[%get3A_17, %get3A_18] : memref<1x16xf32, #tpu.memory_space<vmem>>, vector<1x16xf32>
    %add3A_20 = vector.broadcast %get3A_19 : vector<1x16xf32> to vector<1024x16xf32>
    %add3A_21 = arith.addf %mul3A_16, %add3A_20 : vector<1024x16xf32>
    %max3A = arith.constant 0.000000e+00 : f32
    %max3A_22 = vector.broadcast %max3A : f32 to vector<1024x16xf32>
    %max3A_23 = arith.maximumf %add3A_21, %max3A_22 : vector<1024x16xf32>
    %get3A_24 = arith.constant 0 : index
    %get3A_25 = arith.constant 0 : index
    %get3A_26 = vector.load %arg5[%get3A_24, %get3A_25] : memref<1024x1xf32, #tpu.memory_space<vmem>>, vector<1024x1xf32>
    %mul3A_27 = vector.broadcast %get3A_26 : vector<1024x1xf32> to vector<1024x16xf32>
    %mul3A_28 = arith.mulf %max3A_23, %mul3A_27 : vector<1024x16xf32>
    %reduce_sum3A = arith.constant dense<0.000000e+00> : vector<16xf32>
    %reduce_sum3A_29 = vector.multi_reduction <add>, %mul3A_28, %reduce_sum3A [0] : vector<1024x16xf32> to vector<16xf32>
    %broadcast_in_dim3A = vector.shape_cast %reduce_sum3A_29 : vector<16xf32> to vector<1x16xf32>
    %eq3A = arith.constant 0 : i32
    %eq3A_30 = arith.cmpi eq, %arg0, %eq3A : i32
    %convert_element_type3A = arith.extui %eq3A_30 : i1 to i32
    %cond3A = arith.constant 0 : i32
    %cond3A_31 = arith.cmpi ne, %convert_element_type3A, %cond3A : i32
    scf.if %cond3A_31 {
      %broadcast_in_dim3A_43 = arith.constant 0.000000e+00 : f32
      %broadcast_in_dim3A_44 = vector.broadcast %broadcast_in_dim3A_43 : f32 to vector<1x16xf32>
      %swap3A_45 = arith.constant 0 : index
      %swap3A_46 = arith.constant 0 : index
      %swap3A_47 = vector.load %arg10[%swap3A_45, %swap3A_46] : memref<1x16xf32, #tpu.memory_space<vmem>>, vector<1x16xf32>
      tpu.vector_store %arg10[%swap3A_45, %swap3A_46], %broadcast_in_dim3A_44 {strides = array<i32>} : memref<1x16xf32, #tpu.memory_space<vmem>>, vector<1x16xf32>,
    } else {
    }
    %get3A_32 = arith.constant 0 : index
    %get3A_33 = arith.constant 0 : index
    %get3A_34 = vector.load %arg10[%get3A_32, %get3A_33] : memref<1x16xf32, #tpu.memory_space<vmem>>, vector<1x16xf32>
    %add3A_35 = arith.addf %get3A_34, %broadcast_in_dim3A : vector<1x16xf32>
    %swap3A = arith.constant 0 : index
    %swap3A_36 = arith.constant 0 : index
    %swap3A_37 = vector.load %arg10[%swap3A, %swap3A_36] : memref<1x16xf32, #tpu.memory_space<vmem>>, vector<1x16xf32>
    tpu.vector_store %arg10[%swap3A, %swap3A_36], %add3A_35 {strides = array<i32>} : memref<1x16xf32, #tpu.memory_space<vmem>>, vector<1x16xf32>,
    %eq3A_38 = arith.constant 9 : i32
    %eq3A_39 = arith.cmpi eq, %arg0, %eq3A_38 : i32
    %convert_element_type3A_40 = arith.extui %eq3A_39 : i1 to i32
    %cond3A_41 = arith.constant 0 : i32
    %cond3A_42 = arith.cmpi ne, %convert_element_type3A_40, %cond3A_41 : i32
    scf.if %cond3A_42 {
      %get3A_43 = arith.constant 0 : index
      %get3A_44 = arith.constant 0 : index
      %get3A_45 = vector.load %arg10[%get3A_43, %get3A_44] : memref<1x16xf32, #tpu.memory_space<vmem>>, vector<1x16xf32>
      %mul3A_46 = arith.constant 9.99999974E-5 : f32
      %mul3A_47 = vector.broadcast %mul3A_46 : f32 to vector<1x16xf32>
      %mul3A_48 = arith.mulf %get3A_45, %mul3A_47 : vector<1x16xf32>
      %get3A_49 = arith.constant 0 : index
      %get3A_50 = arith.constant 0 : index
      %get3A_51 = vector.load %arg6[%get3A_49, %get3A_50] : memref<16x8xf32, #tpu.memory_space<vmem>>, vector<16x8xf32>
      %dot_general3A = arith.constant dense<0.000000e+00> : vector<1x8xf32>
      %dot_general3A_52 = tpu.matmul %mul3A_48, %get3A_51, %dot_general3A {dimension_numbers = #tpu.dot_dimension_numbers<[1], [0], [0], [1], [0, 0, 1, 1], [], []>, transpose_lhs_hint = false} : vector<1x16xf32>, vector<16x8xf32>, vector<1x8xf32> -> vector<1x8xf32>
      %get3A_53 = arith.constant 0 : index
      %get3A_54 = arith.constant 0 : index
      %get3A_55 = vector.load %arg7[%get3A_53, %get3A_54] : memref<1x8xf32, #tpu.memory_space<vmem>>, vector<1x8xf32>
      %add3A_56 = arith.addf %dot_general3A_52, %get3A_55 : vector<1x8xf32>
      %max3A_57 = arith.constant 0.000000e+00 : f32
      %max3A_58 = vector.broadcast %max3A_57 : f32 to vector<1x8xf32>
      %max3A_59 = arith.maximumf %add3A_56, %max3A_58 : vector<1x8xf32>
      %get3A_60 = arith.constant 0 : index
      %get3A_61 = arith.constant 0 : index
      %get3A_62 = vector.load %arg8[%get3A_60, %get3A_61] : memref<8x10xf32, #tpu.memory_space<vmem>>, vector<8x10xf32>
      %dot_general3A_63 = arith.constant dense<0.000000e+00> : vector<1x10xf32>
      %dot_general3A_64 = tpu.matmul %max3A_59, %get3A_62, %dot_general3A_63 {dimension_numbers = #tpu.dot_dimension_numbers<[1], [0], [0], [1], [0, 0, 1, 1], [], []>, transpose_lhs_hint = false} : vector<1x8xf32>, vector<8x10xf32>, vector<1x10xf32> -> vector<1x10xf32>
      %get3A_65 = arith.constant 0 : index
      %get3A_66 = arith.constant 0 : index
      %get3A_67 = vector.load %arg9[%get3A_65, %get3A_66] : memref<1x10xf32, #tpu.memory_space<vmem>>, vector<1x10xf32>
      %add3A_68 = arith.addf %dot_general3A_64, %get3A_67 : vector<1x10xf32>
      %reduce_max3A = arith.constant dense<0xFF800000> : vector<1xf32>
      %reduce_max3A_69 = vector.multi_reduction <maximumf>, %add3A_68, %reduce_max3A [1] : vector<1x10xf32> to vector<1xf32>
      %broadcast_in_dim3A_70 = vector.shape_cast %reduce_max3A_69 : vector<1xf32> to vector<1x1xf32>
      %sub3A = vector.broadcast %broadcast_in_dim3A_70 : vector<1x1xf32> to vector<1x10xf32>
      %sub3A_71 = arith.subf %add3A_68, %sub3A : vector<1x10xf32>
      %exp3A = math.exp %sub3A_71 : vector<1x10xf32>
      %reduce_sum3A_72 = arith.constant dense<0.000000e+00> : vector<1xf32>
      %reduce_sum3A_73 = vector.multi_reduction <add>, %exp3A, %reduce_sum3A_72 [1] : vector<1x10xf32> to vector<1xf32>
      %broadcast_in_dim3A_74 = vector.shape_cast %reduce_sum3A_73 : vector<1xf32> to vector<1x1xf32>
      %log3A = math.log %broadcast_in_dim3A_74 : vector<1x1xf32>
      %sub3A_75 = vector.broadcast %log3A : vector<1x1xf32> to vector<1x10xf32>
      %sub3A_76 = arith.subf %sub3A_71, %sub3A_75 : vector<1x10xf32>
      %swap3A_77 = arith.constant 0 : index
      %swap3A_78 = arith.constant 0 : index
      %swap3A_79 = vector.load %arg11[%swap3A_77, %swap3A_78] : memref<1x10xf32, #tpu.memory_space<vmem>>, vector<1x10xf32>
      tpu.vector_store %arg11[%swap3A_77, %swap3A_78], %sub3A_76 {strides = array<i32>} : memref<1x10xf32, #tpu.memory_space<vmem>>, vector<1x10xf32>,
    } else {
    }
    return
  }
  func.func @transform_0(%arg0: i32) -> (i32, i32, i32) {
    %c0_i32 = arith.constant 0 : i32
    %c0_i32_0 = arith.constant 0 : i32
    %c0_i32_1 = arith.constant 0 : i32
    return %c0_i32, %arg0, %c0_i32_0 : i32, i32, i32
  }
  func.func @transform_1(%arg0: i32) -> (i32, i32) {
    %c0_i32 = arith.constant 0 : i32
    %c0_i32_0 = arith.constant 0 : i32
    return %arg0, %c0_i32 : i32, i32
  }
  func.func @transform_2(%arg0: i32) -> (i32, i32) {
    %c0_i32 = arith.constant 0 : i32
    %c0_i32_0 = arith.constant 0 : i32
    return %arg0, %c0_i32 : i32, i32
  }
  func.func @transform_3(%arg0: i32) -> (i32, i32) {
    %c0_i32 = arith.constant 0 : i32
    %c0_i32_0 = arith.constant 0 : i32
    %c0_i32_1 = arith.constant 0 : i32
    return %c0_i32, %c0_i32_0 : i32, i32
  }
  func.func @transform_4(%arg0: i32) -> (i32, i32) {
    %c0_i32 = arith.constant 0 : i32
    %c0_i32_0 = arith.constant 0 : i32
    return %arg0, %c0_i32 : i32, i32
  }
  func.func @transform_5(%arg0: i32) -> (i32, i32) {
    %c0_i32 = arith.constant 0 : i32
    %c0_i32_0 = arith.constant 0 : i32
    %c0_i32_1 = arith.constant 0 : i32
    return %c0_i32, %c0_i32_0 : i32, i32
  }
  func.func @transform_6(%arg0: i32) -> (i32, i32) {
    %c0_i32 = arith.constant 0 : i32
    %c0_i32_0 = arith.constant 0 : i32
    %c0_i32_1 = arith.constant 0 : i32
    return %c0_i32, %c0_i32_0 : i32, i32
  }
  func.func @transform_7(%arg0: i32) -> (i32, i32) {
    %c0_i32 = arith.constant 0 : i32
    %c0_i32_0 = arith.constant 0 : i32
    %c0_i32_1 = arith.constant 0 : i32
    return %c0_i32, %c0_i32_0 : i32, i32
  }
  func.func @transform_8(%arg0: i32) -> (i32, i32) {
    %c0_i32 = arith.constant 0 : i32
    %c0_i32_0 = arith.constant 0 : i32
    %c0_i32_1 = arith.constant 0 : i32
    return %c0_i32, %c0_i32_0 : i32, i32
  }
  func.func @transform_9(%arg0: i32) -> (i32, i32) {
    %c0_i32 = arith.constant 0 : i32
    %c0_i32_0 = arith.constant 0 : i32
    %c0_i32_1 = arith.constant 0 : i32
    return %c0_i32, %c0_i32_0 : i32, i32
  }
  func.func @transform_10(%arg0: i32) -> (i32, i32) {
    %c0_i32 = arith.constant 0 : i32
    %c0_i32_0 = arith.constant 0 : i32
    %c0_i32_1 = arith.constant 0 : i32
    return %c0_i32, %c0_i32_0 : i32, i32
  }
}

</mosaic_0001>

<sc_bundles>
// kernel: kernel.10.cloned.1.call-start
scs
__scs_entry_jumppad:
0x0: {  	(pc) =	sbr.rel $0x88, $3  }
0x1: {  	(tag) =	ssettag $0x0;
	lr =	simm.s32 $0x1  }
0x2: {  	[smem:$0x3F94] =	sst lr;
	_ =	strace $0xD0000000  }
0x3: {  	_ = 	snop  }
0x4: {  	_ = 	snop  }
0x5: {  	_ = 	snop  }
0x6: {  	_ = 	snop  }
0x7: {  	_ = 	snop  }
__scs_overlays_trampoline_lowered:
0x8: {  	[smem:$0x3FA3] =	sst s0  }
0x9: {  	[smem:$0x3FA4] =	sst s1  }
0xa: {  	[smem:$0x3FA5] =	sst s2  }
0xb: {  	[smem:$0x3FA6] =	sst s3  }
0xc: {  	[smem:$0x3FA7] =	sst s4  }
0xd: {  	[smem:$0x3FA8] =	sst s5  }
0xe: {  	[smem:$0x3FA9] =	sst s6  }
0xf: {  	[smem:$0x3FAA] =	sst s7  }
0x10: {  	[smem:$0x3FAB] =	sst s8  }
0x11: {  	[smem:$0x3FAC] =	sst s9;
	s0 =	simm.s32 @!p0 $0x0  }
0x12: {  	s1 =	sld [smem:$0x3F92];
	s0 =	simm.s32 @p0 $0x1  }
0x13: {  	[smem:$0x3FAD] =	sst s0;
	s0 =	simm.s32 @!p1 $0x0  }
0x14: {  	s2 =	sld [smem:$0x3F91];
	s0 =	simm.s32 @p1 $0x1  }
0x15: {  	[smem:$0x3FAE] =	sst s0;
	s0 =	simm.s32 @!p2 $0x0  }
0x16: {  	s3 =	sld [smem:$0x3FDB];
	s0 =	simm.s32 @p2 $0x1  }
0x17: {  	s4 =	simm.s32 $0x1BF5;
	[smem:$0x3FB0] =	sst s0  }
0x18: {  	s0 =	sld [smem:$0x3F93];
	_ =	swait.ge [sflag:s4], $0x0  }
0x19: {  	s7 =	sld [smem:$0x3F94]  }
0x1a: {  	s8 =	sadd.s32 $0xFFFFE003, lr  }
0x1b: {  	s9 =	sadd.s32 $0xFFFFFEF7, lr;
	s5 =	simm.s32 $0xFFFFFFFF;
	p2 =	slt.u32 s8, $0xFFFFF086  }
0x1c: {  	p1 =	slt.u32 s9, $0xF7A;
	s5 =	simm.s32 @!p2 $0x0  }
0x1d: {  	s5 =	simm.s32 @p1 $0x1;
	p0 =	seq.s32 s7, s2  }
0x1e: {  	s7 =	smul.u32 @!p0 $0xF7A, s2;
	p2 =	seq.s32 @!p0 s5, $0x0  }
0x1f: {  	s9 =	smul.u32 $0xF7A, s1;
	s8 =	simm.s32 @!p0 $0x1BF5;
	p2 =	por !p2, p0  }
0x20: {  	[sflag:s8] =	ssyncset.s32 @!p0 $0xFFFFF086;
	s6 =	sadd.s32 @!p0 s3, s7;
	s7 =	simm.s32 @!p0 $0x108  }
0x21: {  	s3 =	sadd.s32 s3, s9;
	s6 =	sadd.s32 @!p0 $0x88, s6;
	s7 =	simm.s32 @p2 $0x1082  }
0x22: {  	[simem:s7], [sflag:s8] =	dma.local @!p0 [hbm:s6], $0xF7A  }
0x23: {  	s9 =	sor.u32 $0xD0000000, s2;
	s6 =	simm.s32 $0x108;
	_ =	swait.ge @!p0 [sflag:s8], $0x0  }
0x24: {  	s3 =	sadd.s32 $0x88, s3;
	s6 =	simm.s32 @!p1 $0x1082;
	[sflag:s4] =	ssyncset.s32 $0xFFFFF086  }
0x25: {  	[simem:s6], [sflag:s4] =	dma.local [hbm:s3], $0xF7A  }
0x26: {  	[smem:$0x3F94] =	sst s1;
	(tag) =	ssettag s2;
	_ =	strace s9  }
0x27: {  	s1 =	sld [smem:$0x3FA4]  }
0x28: {  	s2 =	sld [smem:$0x3FA5]  }
0x29: {  	s4 =	sld [smem:$0x3FA7]  }
0x2a: {  	p0 =	seq.s32 s5, $0x0;
	s5 =	sld [smem:$0x3FA8]  }
0x2b: {  	s6 =	sld [smem:$0x3FA9]  }
0x2c: {  	s7 =	sld [smem:$0x3FAA]  }
0x2d: {  	s3 =	simm.s32 $0x108;
	s8 =	sld [smem:$0x3FAB]  }
0x2e: {  	s3 =	simm.s32 @!p0 $0x1082;
	s9 =	sld [smem:$0x3FAC]  }
0x2f: {  	lr =	sadd.s32 s0, s3;
	s0 =	sld [smem:$0x3FA3]  }
0x30: {  	s3 =	sld [smem:$0x3FA6]  }
0x31: {  	[smem:$0x3FAF] =	sst s10  }
0x32: {  	s10 =	sld [smem:$0x3FAD];
	_ =	sdelay $0x3  }
0x33: {  	p0 =	seq.s32 s10, $0x1;
	s10 =	sld [smem:$0x3FAF];
	_ =	sdelay $0x3  }
0x34: {  	[smem:$0x3FAF] =	sst s10  }
0x35: {  	s10 =	sld [smem:$0x3FAE];
	_ =	sdelay $0x3  }
0x36: {  	p1 =	seq.s32 s10, $0x1;
	s10 =	sld [smem:$0x3FAF];
	_ =	sdelay $0x3  }
0x37: {  	[smem:$0x3FAF] =	sst s10  }
0x38: {  	s10 =	sld [smem:$0x3FB0]  }
0x39: {  	_ = 	snop;
	(pc) =	sbr.ind lr, $3  }
0x3a: {  	_ = 	snop  }
0x3b: {  	_ = 	snop  }
0x3c: {  	p2 =	seq.s32 s10, $0x1;
	s10 =	sld [smem:$0x3FAF]  }
0x3d: {  	_ =	shalt  }
0x3e: {  	_ =	shalt  }
0x3f: {  	_ =	shalt  }
0x40: {  	_ =	shalt  }
0x41: {  	_ =	shalt  }
0x42: {  	_ =	shalt  }
0x43: {  	_ =	shalt  }
0x44: {  	_ =	shalt  }
0x45: {  	_ =	shalt  }
0x46: {  	_ =	shalt  }
0x47: {  	_ =	shalt  }
0x48: {  	_ =	shalt  }
0x49: {  	_ =	shalt  }
0x4a: {  	_ =	shalt  }
0x4b: {  	_ =	shalt  }
0x4c: {  	_ =	shalt  }
0x4d: {  	_ =	shalt  }
0x4e: {  	_ =	shalt  }
0x4f: {  	_ =	shalt  }
0x50: {  	_ =	shalt  }
0x51: {  	_ =	shalt  }
0x52: {  	_ =	shalt  }
0x53: {  	_ =	shalt  }
0x54: {  	_ =	shalt  }
0x55: {  	_ =	shalt  }
0x56: {  	_ =	shalt  }
0x57: {  	_ =	shalt  }
0x58: {  	_ =	shalt  }
0x59: {  	_ =	shalt  }
0x5a: {  	_ =	shalt  }
0x5b: {  	_ =	shalt  }
0x5c: {  	_ =	shalt  }
0x5d: {  	_ =	shalt  }
0x5e: {  	_ =	shalt  }
0x5f: {  	_ =	shalt  }
0x60: {  	_ =	shalt  }
0x61: {  	_ =	shalt  }
0x62: {  	_ =	shalt  }
0x63: {  	_ =	shalt  }
0x64: {  	_ =	shalt  }
0x65: {  	_ =	shalt  }
0x66: {  	_ =	shalt  }
0x67: {  	_ =	shalt  }
0x68: {  	_ =	shalt  }
0x69: {  	_ =	shalt  }
0x6a: {  	_ =	shalt  }
0x6b: {  	_ =	shalt  }
0x6c: {  	_ =	shalt  }
0x6d: {  	_ =	shalt  }
0x6e: {  	_ =	shalt  }
0x6f: {  	_ =	shalt  }
0x70: {  	_ =	shalt  }
0x71: {  	_ =	shalt  }
0x72: {  	_ =	shalt  }
0x73: {  	_ =	shalt  }
0x74: {  	_ =	shalt  }
0x75: {  	_ =	shalt  }
0x76: {  	_ =	shalt  }
0x77: {  	_ =	shalt  }
0x78: {  	_ =	shalt  }
0x79: {  	_ =	shalt  }
0x7a: {  	_ =	shalt  }
0x7b: {  	_ =	shalt  }
0x7c: {  	_ =	shalt  }
0x7d: {  	_ =	shalt  }
0x7e: {  	_ =	shalt  }
0x7f: {  	_ =	shalt  }
0x80: {  	_ =	shalt  }
0x81: {  	_ =	shalt  }
0x82: {  	_ =	shalt  }
0x83: {  	_ =	shalt  }
0x84: {  	_ =	shalt  }
0x85: {  	_ =	shalt  }
0x86: {  	_ =	shalt  }
0x87: {  	_ =	shalt  }
.Lfunc_end0:
.L_simem_size_0:
called_computation_lowered:
.L_overlay_start_0:
0x88: {  	s2 =	sld [smem:$0x3FD9]  }
0x89: {  	s3 =	sld [smem:$0x3FFE];
	_ =	sdelay $0x1  }
0x8a: {  	s1 =	srdreg.scid  }
0x8b: {  	s0 =	sand.u32 $0x1, s1  }
0x8c: {  	s16 =	sshll.u32 s0, $0xA;
	s2 =	sadd.s32 s3, s2  }
0x8d: {  	s2 =	sadd.s32 s2, s16  }
0x8e: {  	[smem:$0x3FBB] =	sst s2  }
0x8f: {  	_ = 	snop  }
0x90: {  	(tm) =	ssettm $0x1  }
0x91: {  	s17 =	sld [smem:$0x3FFB];
	_ =	sdelay $0x3  }
0x92: {  	_ =	strace s17  }
0x93: {  	s2 =	sld [smem:$0x3FFC];
	_ =	sdelay $0x3  }
0x94: {  	_ =	strace s2  }
0x95: {  	s2 =	sld [smem:$0x3FFD];
	_ =	sdelay $0x3  }
0x96: {  	_ =	strace s2  }
0x97: {  	_ =	strace $0x8FFFFFFF  }
0x98: {  	s18 =	sld [smem:$0x3FDB];
	_ =	sdelay $0x1  }
0x99: {  	s19 =	simm.s32 $_scs_section_size  }
0x9a: {  	s4 =	simm.s32 $_size__tile_overlayer_lowered;
	s5 =	simm.s32 $_tile_overlayer_lowered  }
0x9b: {  	s22 =	simm.s32 $0x1BFF;
	s21 =	sshll.u32 s5, $0x1;
	s2 =	sadd.s32 s19, s18  }
0x9c: {  	s6 =	simm.s32 $0x0;
	s20 =	sshll.u32 s4, $0x1;
	s4 =	sadd.s32 s21, s2  }
0x9d: {  	[timem:s6], [sflag:s22] =	dma.local [hbm:s4], s20  }
0x9e: {  	_ =	swait.ge [sflag:s22], s20  }
0x9f: {  	s3 =	ssub.s32 $0x0, s20;
	[sflag:s22] =	ssyncset.done $0x0  }
0xa0: {  	[sflag:s22] =	ssyncadd.s32 s3;
	_ =	sdelay $0x1  }
0xa1: {  	s23 =	simm.s32 $0x1B8B  }
0xa2: {  	_ =	swait.ge [sflag:s23], $0x1  }
0xa3: {  	[sflag:s23] =	ssyncset.done $0x0  }
0xa4: {  	s25 =	simm.s32 $0x1B8E;
	s24 =	sld [smem:$0x3FFE];
	[sflag:s23] =	ssyncadd.s32 $0xFFFFFFFF  }
0xa5: {  	s26 =	simm.s32 $execute0_lowered;
	[smem:$0x3FD2] =	sst s25  }
0xa6: {  	s4 =	sshll.u32 s26, $0x1;
	_ =	strace $0x80000046;
	[dreg:$0x1] =	wrdreg $0xFFFFFFFF  }
0xa7: {  	s28 =	simm.s32 $_size_execute0_lowered;
	s2 =	sadd.s32 s2, s4;
	[dreg:$0x0] =	wrdreg $0x0  }
0xa8: {  	s4 =	sshll.u32 s28, $0x1;
	[dreg:$0x2] =	wrdreg s2  }
0xa9: {  	[dreg:$0x3] =	wrdreg s4  }
0xaa: {  	[dreg:$0x4] =	wrdreg $0xC0  }
0xab: {  	_ =	task [dreg:s6], $0x5FFFF  }
0xac: {  	[dreg:$0x1] =	wrdreg $0xFFFFFFFF  }
0xad: {  	[dreg:$0x0] =	wrdreg $0x60  }
0xae: {  	[dreg:$0x2] =	wrdreg s24  }
0xaf: {  	[dreg:$0x3] =	wrdreg $0x28800  }
0xb0: {  	[dreg:$0x4] =	wrdreg $0x9  }
0xb1: {  	_ =	task.clear_ibuf [dreg:s6], $0x5FFFF;
	_ =	strace $0x90000046  }
0xb2: {  	s29 =	simm.s32 $0x9;
	_ =	strace $0x80000048  }
0xb3: {  	_ =	swait.ge [sflag:s29], $0x1  }
0xb4: {  	[sflag:s29] =	ssyncadd.s32 $0xFFFFFFFF  }
0xb5: {  	_ =	strace $0x90000048  }
0xb6: {  	_ =	sfence  }
0xb7: {  	s30 =	sld [smem:$0x0];
	_ =	sdelay $0x2  }
0xb8: {  	s31 =	sshll.u32 s1, $0xD;
	s1 =	sshrl.u32 s1, $0x2  }
0xb9: {  	s3 =	sand.u32 $0x4000, s31;
	s1 =	sadd.s32 s1, s30  }
0xba: {  	s0 =	sor.u32 s3, s0;
	s1 =	sshll.u32 s1, $0x11  }
0xbb: {  	s0 =	sor.u32 s1, s0  }
0xbc: {  	s0 =	sadd.s32 $0x8F2B, s0  }
0xbd: {  	[sflag:s0] =	ssyncadd.remote.s32 $0x1  }
0xbe: {  	_ =	sfence.sel $0xFFFF  }
0xbf: {  	[dreg:$0x0] =	wrdreg $0xFFFFFFFF;
	(pc) =	sbr.abs _section_cstart, $3  }
0xc0: {  	[dreg:$0x1] =	wrdreg $0xFFFFFFFF  }
0xc1: {  	_ =	task.clear_ibuf [dreg:s6], $0x2FFFF;
	_ =	strace $0x9FFFFFFF  }
0xc2: {  	(tm) =	ssettm $0x7FFFFFFF  }
0xc3: {  	_ =	shalt  }
tec
execute0_lowered:
.L_overlay_start_1:
0x0: {  	(tag) =	ssettag $0x1  }
0x1: {  	s5 =	rddreg [dreg:$0x0]  }
0x2: {  	s0 =	srdreg.scid;
	s2 =	rddreg [dreg:$0x1]  }
0x3: {  	s3 =	simm.s32 $0x0;
	s12 =	simm.s32 $0x2800;
	s13 =	simm.s32 $0x1  }
0x4: {  	s14 =	simm.s32 $0x0;
	s4 =	sand.u32 $0x1, s0;
	s0 =	stileid.u32  }
0x5: {  	[smem:$0x7FF] =	sst s3;
	s1 =	sshll.u32 s4, $0x4;
	s7 =	smul.u32 $0x280, s0  }
0x6: {  	s8 =	smul.u32 $0x2800, s4;
	s4 =	ssub.s32 $0x2, s4;
	s1 =	sor.u32 s0, s1  }
0x7: {  	s31 =	sshll.u32 s0, $0x6;
	s10 =	sshrl.u32 s4, $0x1;
	s6 =	smul.u32 $0x500, s1  }
0x8: {  	s1 =	rddreg [dreg:$0x2];
	_ =	strace $0x80000047;
	s9 =	sshrl.u32 s7, $0x3  }
0x9: {  	s8 =	sadd.s32 s7, s8;
	s10 =	ssub.s32 s4, s10;
	s11 =	sadd.s32 s7, s2  }
0xa: {  	s9 =	sadd.s32 s9, s5;
	s8 =	sshrl.u32 s8, $0x3;
	s7 =	smax.u32 s10, $0x1  }
0xb: {  	s10 =	sshrl.u32 s11, $0x3;
	s11 =	simm.s32 $0x80;
	s6 =	sadd.s32 s6, s5  }
0xc: {  	s8 =	sadd.s32 s8, s5;
	s5 =	sadd.s32 $0xCC00, s9;
	s9 =	sor.u32 $0x1C02, s31  }
0xd: {  	v0 =	vimm.f32 $1.000000000e+00;
	s4 =	sadd.s32 $0x2C00, s6;
	s6 =	sadd.s32 $0xD200, s8;
	s8 =	simm.s32 $0x2  }
.LBB2_1:
0xe: {  	[tilespmem:$0x2800] =	vst v0  }
0xf: {  	[tilespmem:$0x2810] =	vst v0  }
0x10: {  	[tilespmem:$0x2820] =	vst v0  }
0x11: {  	[tilespmem:$0x2830] =	vst v0  }
0x12: {  	[tilespmem:$0x2840] =	vst v0  }
0x13: {  	[tilespmem:$0x2850] =	vst v0  }
0x14: {  	[tilespmem:$0x2860] =	vst v0  }
0x15: {  	[tilespmem:$0x2870] =	vst v0  }
0x16: {  	[tilespmem:s3], [sflag:$0x2] =	stream.linear.gather [hbm4b:s4+s3], $0x2800, $0x38;
	[tilespmem:$0x2B00] =	vst v63  }
0x17: {  	_ =	swait.ge [sflag:s8], $0x2800  }
0x18: {  	[sflag:s8] =	ssyncset.done $0x0  }
0x19: {  	[sflag:s8] =	ssyncadd.s32 $0xFFFFD800  }
0x1a: {  	[spmem:s10], [sflag:s9] =	dma.local [hbm:s5], $0x50  }
0x1b: {  	_ =	swait.ge [sflag:s8], $0x50  }
0x1c: {  	[sflag:s8] =	ssyncset.done $0x0  }
0x1d: {  	[sflag:s8] =	ssyncadd.s32 $0xFFFFFFB0  }
0x1e: {  	s15 =	simm.s32 $0x0;
	[bflag:$0x0] =	sbarrier.arrive $0xFFFF  }
0x1f: {  	[spmem:s2] =	stream.indirect.scatter.add.f32 [tilespmem:s12], [sflag:$0x1], $0x1, s15, s11, $0xb8;
	[tilespmem:$0x2B00] =	vst v63  }
0x20: {  	s29 =	simm.s32 $0x80  }
0x21: {  	[spmem:s2] =	stream.indirect.scatter.add.f32 [tilespmem:s12], [sflag:$0x1], $0x1, s29, s11, $0xb8;
	[tilespmem:$0x2B00] =	vst v63  }
0x22: {  	s30 =	simm.s32 $0x100  }
0x23: {  	[spmem:s2] =	stream.indirect.scatter.add.f32 [tilespmem:s12], [sflag:$0x1], $0x1, s30, s11, $0xb8;
	[tilespmem:$0x2B00] =	vst v63  }
0x24: {  	s31 =	simm.s32 $0x180  }
0x25: {  	[spmem:s2] =	stream.indirect.scatter.add.f32 [tilespmem:s12], [sflag:$0x1], $0x1, s31, s11, $0xb8;
	[tilespmem:$0x2B00] =	vst v63  }
0x26: {  	_ =	swait.ge [sflag:s13], $0x80  }
0x27: {  	[sflag:s13] =	ssyncset.done $0x0  }
0x28: {  	[sflag:s13] =	ssyncadd.s32 $0xFFFFFF80  }
0x29: {  	_ =	swait.ge [sflag:s13], $0x80  }
0x2a: {  	[sflag:s13] =	ssyncset.done $0x0  }
0x2b: {  	[sflag:s13] =	ssyncadd.s32 $0xFFFFFF80  }
0x2c: {  	_ =	swait.ge [sflag:s13], $0x80  }
0x2d: {  	[sflag:s13] =	ssyncset.done $0x0  }
0x2e: {  	[sflag:s13] =	ssyncadd.s32 $0xFFFFFF80  }
0x2f: {  	_ =	swait.ge [sflag:s13], $0x80  }
0x30: {  	s16 =	simm.s32 $0x1000;
	s15 =	simm.s32 $0x800;
	[sflag:s13] =	ssyncset.done $0x0  }
.LBB2_2:
0x31: {  	s17 =	sshra.s32 s15, $0x2  }
0x32: {  	[sflag:s13] =	ssyncadd.s32 $0xFFFFFF80;
	s15 =	smov.u32 s16;
	s18 =	sadd.s32 $0x800, s16  }
0x33: {  	[spmem:s2] =	stream.indirect.scatter.add.f32 [tilespmem:s12], [sflag:$0x1], $0x1, s17, s11, $0xb8;
	[tilespmem:$0x2B00] =	vst v63  }
0x34: {  	p0 =	sne.s32 s16, $0x9800;
	s16 =	sadd.s32 $0x80, s17  }
0x35: {  	[spmem:s2] =	stream.indirect.scatter.add.f32 [tilespmem:s12], [sflag:$0x1], $0x1, s16, s11, $0xb8;
	[tilespmem:$0x2B00] =	vst v63  }
0x36: {  	s16 =	sadd.s32 $0x100, s17  }
0x37: {  	[spmem:s2] =	stream.indirect.scatter.add.f32 [tilespmem:s12], [sflag:$0x1], $0x1, s16, s11, $0xb8;
	[tilespmem:$0x2B00] =	vst v63  }
0x38: {  	s16 =	sadd.s32 $0x180, s17  }
0x39: {  	[spmem:s2] =	stream.indirect.scatter.add.f32 [tilespmem:s12], [sflag:$0x1], $0x1, s16, s11, $0xb8;
	[tilespmem:$0x2B00] =	vst v63  }
0x3a: {  	_ =	swait.ge [sflag:s13], $0x80  }
0x3b: {  	[sflag:s13] =	ssyncset.done $0x0  }
0x3c: {  	[sflag:s13] =	ssyncadd.s32 $0xFFFFFF80  }
0x3d: {  	_ =	swait.ge [sflag:s13], $0x80  }
0x3e: {  	[sflag:s13] =	ssyncset.done $0x0  }
0x3f: {  	[sflag:s13] =	ssyncadd.s32 $0xFFFFFF80  }
.Ltmp0:
0x40: {  	_ =	swait.ge [sflag:s13], $0x80;
	(pc) =	sbr.rel @p0 .LBB2_2-.Ltmp0, $4  }
0x41: {  	[sflag:s13] =	ssyncset.done $0x0  }
0x42: {  	[sflag:s13] =	ssyncadd.s32 $0xFFFFFF80  }
0x43: {  	_ =	swait.ge [sflag:s13], $0x80  }
0x44: {  	s16 =	smov.u32 s18;
	[sflag:s13] =	ssyncset.done $0x0  }
0x45: {  	s15 =	sshra.s32 s15, $0x2;
	[sflag:s13] =	ssyncadd.s32 $0xFFFFFF80  }
0x46: {  	[spmem:s2] =	stream.indirect.scatter.add.f32 [tilespmem:s12], [sflag:$0x1], $0x1, s15, s11, $0xb8;
	[tilespmem:$0x2B00] =	vst v63  }
0x47: {  	s16 =	sadd.s32 $0x80, s15  }
0x48: {  	[spmem:s2] =	stream.indirect.scatter.add.f32 [tilespmem:s12], [sflag:$0x1], $0x1, s16, s11, $0xb8;
	[tilespmem:$0x2B00] =	vst v63  }
0x49: {  	s31 =	sadd.s32 $0x100, s15  }
0x4a: {  	[spmem:s2] =	stream.indirect.scatter.add.f32 [tilespmem:s12], [sflag:$0x1], $0x1, s31, s11, $0xb8;
	[tilespmem:$0x2B00] =	vst v63  }
0x4b: {  	s15 =	sadd.s32 $0x180, s15  }
0x4c: {  	[spmem:s2] =	stream.indirect.scatter.add.f32 [tilespmem:s12], [sflag:$0x1], $0x1, s15, s11, $0xb8;
	[tilespmem:$0x2B00] =	vst v63  }
0x4d: {  	_ =	swait.ge [sflag:s13], $0x80  }
0x4e: {  	[sflag:s13] =	ssyncset.done $0x0  }
0x4f: {  	[sflag:s13] =	ssyncadd.s32 $0xFFFFFF80  }
0x50: {  	_ =	swait.ge [sflag:s13], $0x80  }
0x51: {  	[sflag:s13] =	ssyncset.done $0x0  }
0x52: {  	[sflag:s13] =	ssyncadd.s32 $0xFFFFFF80  }
0x53: {  	_ =	swait.ge [sflag:s13], $0x80  }
0x54: {  	[sflag:s13] =	ssyncset.done $0x0  }
0x55: {  	[sflag:s13] =	ssyncadd.s32 $0xFFFFFF80  }
0x56: {  	_ =	swait.ge [sflag:s13], $0x80  }
0x57: {  	s14 =	sadd.s32 $0x1, s14;
	[sflag:s13] =	ssyncset.done $0x0  }
0x58: {  	p0 =	sne.s32 s14, s7;
	[sflag:s13] =	ssyncadd.s32 $0xFFFFFF80  }
.Ltmp1:
0x59: {  	[bflag:$0x0] =	sbarrier.arrive $0xFFFF;
	(pc) =	sbr.rel @p0 .LBB2_1-.Ltmp1, $4  }
0x5a: {  	[hbm:s6], [sflag:s9] =	dma.local [spmem:s10], $0x50  }
0x5b: {  	_ =	swait.ge [sflag:s8], $0x50  }
0x5c: {  	[sflag:s8] =	ssyncset.done $0x0  }
0x5d: {  	[sflag:s8] =	ssyncadd.s32 $0xFFFFFFB0  }
0x5e: {  	_ =	sfence.sel $0x180000  }
0x5f: {  	[bflag:$0x0] =	sbarrier.arrive $0xFFFF  }
0x60: {  	p0 =	sne.s32 s0, $0x0;
	_ =	strace $0x90000047  }
0x61: {  	s0 =	sadd.s32 @!p0 $0x100000, s1;
	[bflag:$0x2] =	sbarrier.arrive $0xFFFF  }
0x62: {  	[sflag:s0] =	ssyncadd.tile.s32 @!p0 $0x1;
	_ =	shalt  }
.Lfunc_end2:
_tile_overlayer_lowered:
.L_overlay_start_2:
0x63: {  	(tag) =	ssettag $0x2  }
0x64: {  	s0 =	rddreg [dreg:$0x0];
	s2 =	stileid.u32  }
0x65: {  	s1 =	rddreg [dreg:$0x1];
	p0 =	sne.s32 s2, $0x0  }
0x66: {  	s3 =	rddreg [dreg:$0x2];
	[bflag:$0x3] =	sbarrier.arrive $0xFFFF;
	s2 =	simm.s32 @!p0 $0x1C02  }
0x67: {  	[timem:s3], [sflag:s2] =	dma.local @!p0 [hbm:s0], s1  }
0x68: {  	s0 =	simm.s32 @!p0 $0x2  }
0x69: {  	_ =	swait.ge @!p0 [sflag:s0], s1  }
0x6a: {  	s1 =	ssub.s32 @!p0 $0x0, s1;
	[sflag:s0] =	ssyncset.done @!p0 $0x0  }
0x6b: {  	[sflag:s0] =	ssyncadd.s32 @!p0 s1  }
0x6c: {  	[bflag:$0x3] =	sbarrier.arrive $0xFFFF  }
0x6d: {  	_ =	shalt  }

// kernel: kernel.13.cloned.1.call-start
scs
__scs_entry_jumppad:
0x0: {  	(pc) =	sbr.rel $0x88, $3  }
0x1: {  	(tag) =	ssettag $0x0;
	lr =	simm.s32 $0x1  }
0x2: {  	[smem:$0x3F94] =	sst lr;
	_ =	strace $0xD0000000  }
0x3: {  	_ = 	snop  }
0x4: {  	_ = 	snop  }
0x5: {  	_ = 	snop  }
0x6: {  	_ = 	snop  }
0x7: {  	_ = 	snop  }
__scs_overlays_trampoline_lowered:
0x8: {  	[smem:$0x3FA3] =	sst s0  }
0x9: {  	[smem:$0x3FA4] =	sst s1  }
0xa: {  	[smem:$0x3FA5] =	sst s2  }
0xb: {  	[smem:$0x3FA6] =	sst s3  }
0xc: {  	[smem:$0x3FA7] =	sst s4  }
0xd: {  	[smem:$0x3FA8] =	sst s5  }
0xe: {  	[smem:$0x3FA9] =	sst s6  }
0xf: {  	[smem:$0x3FAA] =	sst s7  }
0x10: {  	[smem:$0x3FAB] =	sst s8  }
0x11: {  	[smem:$0x3FAC] =	sst s9;
	s0 =	simm.s32 @!p0 $0x0  }
0x12: {  	s1 =	sld [smem:$0x3F92];
	s0 =	simm.s32 @p0 $0x1  }
0x13: {  	[smem:$0x3FAD] =	sst s0;
	s0 =	simm.s32 @!p1 $0x0  }
0x14: {  	s2 =	sld [smem:$0x3F91];
	s0 =	simm.s32 @p1 $0x1  }
0x15: {  	[smem:$0x3FAE] =	sst s0;
	s0 =	simm.s32 @!p2 $0x0  }
0x16: {  	s3 =	sld [smem:$0x3FDB];
	s0 =	simm.s32 @p2 $0x1  }
0x17: {  	s4 =	simm.s32 $0x1BF5;
	[smem:$0x3FB0] =	sst s0  }
0x18: {  	s0 =	sld [smem:$0x3F93];
	_ =	swait.ge [sflag:s4], $0x0  }
0x19: {  	s7 =	sld [smem:$0x3F94]  }
0x1a: {  	s8 =	sadd.s32 $0xFFFFE003, lr  }
0x1b: {  	s9 =	sadd.s32 $0xFFFFFEF7, lr;
	s5 =	simm.s32 $0xFFFFFFFF;
	p2 =	slt.u32 s8, $0xFFFFF086  }
0x1c: {  	p1 =	slt.u32 s9, $0xF7A;
	s5 =	simm.s32 @!p2 $0x0  }
0x1d: {  	s5 =	simm.s32 @p1 $0x1;
	p0 =	seq.s32 s7, s2  }
0x1e: {  	s7 =	smul.u32 @!p0 $0xF7A, s2;
	p2 =	seq.s32 @!p0 s5, $0x0  }
0x1f: {  	s9 =	smul.u32 $0xF7A, s1;
	s8 =	simm.s32 @!p0 $0x1BF5;
	p2 =	por !p2, p0  }
0x20: {  	[sflag:s8] =	ssyncset.s32 @!p0 $0xFFFFF086;
	s6 =	sadd.s32 @!p0 s3, s7;
	s7 =	simm.s32 @!p0 $0x108  }
0x21: {  	s3 =	sadd.s32 s3, s9;
	s6 =	sadd.s32 @!p0 $0x88, s6;
	s7 =	simm.s32 @p2 $0x1082  }
0x22: {  	[simem:s7], [sflag:s8] =	dma.local @!p0 [hbm:s6], $0xF7A  }
0x23: {  	s9 =	sor.u32 $0xD0000000, s2;
	s6 =	simm.s32 $0x108;
	_ =	swait.ge @!p0 [sflag:s8], $0x0  }
0x24: {  	s3 =	sadd.s32 $0x88, s3;
	s6 =	simm.s32 @!p1 $0x1082;
	[sflag:s4] =	ssyncset.s32 $0xFFFFF086  }
0x25: {  	[simem:s6], [sflag:s4] =	dma.local [hbm:s3], $0xF7A  }
0x26: {  	[smem:$0x3F94] =	sst s1;
	(tag) =	ssettag s2;
	_ =	strace s9  }
0x27: {  	s1 =	sld [smem:$0x3FA4]  }
0x28: {  	s2 =	sld [smem:$0x3FA5]  }
0x29: {  	s4 =	sld [smem:$0x3FA7]  }
0x2a: {  	p0 =	seq.s32 s5, $0x0;
	s5 =	sld [smem:$0x3FA8]  }
0x2b: {  	s6 =	sld [smem:$0x3FA9]  }
0x2c: {  	s7 =	sld [smem:$0x3FAA]  }
0x2d: {  	s3 =	simm.s32 $0x108;
	s8 =	sld [smem:$0x3FAB]  }
0x2e: {  	s3 =	simm.s32 @!p0 $0x1082;
	s9 =	sld [smem:$0x3FAC]  }
0x2f: {  	lr =	sadd.s32 s0, s3;
	s0 =	sld [smem:$0x3FA3]  }
0x30: {  	s3 =	sld [smem:$0x3FA6]  }
0x31: {  	[smem:$0x3FAF] =	sst s10  }
0x32: {  	s10 =	sld [smem:$0x3FAD];
	_ =	sdelay $0x3  }
0x33: {  	p0 =	seq.s32 s10, $0x1;
	s10 =	sld [smem:$0x3FAF];
	_ =	sdelay $0x3  }
0x34: {  	[smem:$0x3FAF] =	sst s10  }
0x35: {  	s10 =	sld [smem:$0x3FAE];
	_ =	sdelay $0x3  }
0x36: {  	p1 =	seq.s32 s10, $0x1;
	s10 =	sld [smem:$0x3FAF];
	_ =	sdelay $0x3  }
0x37: {  	[smem:$0x3FAF] =	sst s10  }
0x38: {  	s10 =	sld [smem:$0x3FB0]  }
0x39: {  	_ = 	snop;
	(pc) =	sbr.ind lr, $3  }
0x3a: {  	_ = 	snop  }
0x3b: {  	_ = 	snop  }
0x3c: {  	p2 =	seq.s32 s10, $0x1;
	s10 =	sld [smem:$0x3FAF]  }
0x3d: {  	_ =	shalt  }
0x3e: {  	_ =	shalt  }
0x3f: {  	_ =	shalt  }
0x40: {  	_ =	shalt  }
0x41: {  	_ =	shalt  }
0x42: {  	_ =	shalt  }
0x43: {  	_ =	shalt  }
0x44: {  	_ =	shalt  }
0x45: {  	_ =	shalt  }
0x46: {  	_ =	shalt  }
0x47: {  	_ =	shalt  }
0x48: {  	_ =	shalt  }
0x49: {  	_ =	shalt  }
0x4a: {  	_ =	shalt  }
0x4b: {  	_ =	shalt  }
0x4c: {  	_ =	shalt  }
0x4d: {  	_ =	shalt  }
0x4e: {  	_ =	shalt  }
0x4f: {  	_ =	shalt  }
0x50: {  	_ =	shalt  }
0x51: {  	_ =	shalt  }
0x52: {  	_ =	shalt  }
0x53: {  	_ =	shalt  }
0x54: {  	_ =	shalt  }
0x55: {  	_ =	shalt  }
0x56: {  	_ =	shalt  }
0x57: {  	_ =	shalt  }
0x58: {  	_ =	shalt  }
0x59: {  	_ =	shalt  }
0x5a: {  	_ =	shalt  }
0x5b: {  	_ =	shalt  }
0x5c: {  	_ =	shalt  }
0x5d: {  	_ =	shalt  }
0x5e: {  	_ =	shalt  }
0x5f: {  	_ =	shalt  }
0x60: {  	_ =	shalt  }
0x61: {  	_ =	shalt  }
0x62: {  	_ =	shalt  }
0x63: {  	_ =	shalt  }
0x64: {  	_ =	shalt  }
0x65: {  	_ =	shalt  }
0x66: {  	_ =	shalt  }
0x67: {  	_ =	shalt  }
0x68: {  	_ =	shalt  }
0x69: {  	_ =	shalt  }
0x6a: {  	_ =	shalt  }
0x6b: {  	_ =	shalt  }
0x6c: {  	_ =	shalt  }
0x6d: {  	_ =	shalt  }
0x6e: {  	_ =	shalt  }
0x6f: {  	_ =	shalt  }
0x70: {  	_ =	shalt  }
0x71: {  	_ =	shalt  }
0x72: {  	_ =	shalt  }
0x73: {  	_ =	shalt  }
0x74: {  	_ =	shalt  }
0x75: {  	_ =	shalt  }
0x76: {  	_ =	shalt  }
0x77: {  	_ =	shalt  }
0x78: {  	_ =	shalt  }
0x79: {  	_ =	shalt  }
0x7a: {  	_ =	shalt  }
0x7b: {  	_ =	shalt  }
0x7c: {  	_ =	shalt  }
0x7d: {  	_ =	shalt  }
0x7e: {  	_ =	shalt  }
0x7f: {  	_ =	shalt  }
0x80: {  	_ =	shalt  }
0x81: {  	_ =	shalt  }
0x82: {  	_ =	shalt  }
0x83: {  	_ =	shalt  }
0x84: {  	_ =	shalt  }
0x85: {  	_ =	shalt  }
0x86: {  	_ =	shalt  }
0x87: {  	_ =	shalt  }
.Lfunc_end0:
.L_simem_size_0:
called_computation.1_lowered:
.L_overlay_start_0:
0x88: {  	s2 =	sld [smem:$0x3FD9]  }
0x89: {  	s3 =	sld [smem:$0x3FFE];
	_ =	sdelay $0x1  }
0x8a: {  	s1 =	srdreg.scid  }
0x8b: {  	s0 =	sand.u32 $0x1, s1  }
0x8c: {  	s16 =	sshll.u32 s0, $0xA;
	s2 =	sadd.s32 s3, s2  }
0x8d: {  	s2 =	sadd.s32 s2, s16  }
0x8e: {  	[smem:$0x3FBB] =	sst s2  }
0x8f: {  	_ = 	snop  }
0x90: {  	(tm) =	ssettm $0x1  }
0x91: {  	s17 =	sld [smem:$0x3FFB];
	_ =	sdelay $0x3  }
0x92: {  	_ =	strace s17  }
0x93: {  	s2 =	sld [smem:$0x3FFC];
	_ =	sdelay $0x3  }
0x94: {  	_ =	strace s2  }
0x95: {  	s2 =	sld [smem:$0x3FFD];
	_ =	sdelay $0x3  }
0x96: {  	_ =	strace s2  }
0x97: {  	_ =	strace $0x8FFFFFFF  }
0x98: {  	s18 =	sld [smem:$0x3FDB];
	_ =	sdelay $0x1  }
0x99: {  	s19 =	simm.s32 $_scs_section_size  }
0x9a: {  	s4 =	simm.s32 $_size__tile_overlayer_lowered;
	s5 =	simm.s32 $_tile_overlayer_lowered  }
0x9b: {  	s22 =	simm.s32 $0x1BFF;
	s21 =	sshll.u32 s5, $0x1;
	s2 =	sadd.s32 s19, s18  }
0x9c: {  	s6 =	simm.s32 $0x0;
	s20 =	sshll.u32 s4, $0x1;
	s4 =	sadd.s32 s21, s2  }
0x9d: {  	[timem:s6], [sflag:s22] =	dma.local [hbm:s4], s20  }
0x9e: {  	_ =	swait.ge [sflag:s22], s20  }
0x9f: {  	s3 =	ssub.s32 $0x0, s20;
	[sflag:s22] =	ssyncset.done $0x0  }
0xa0: {  	[sflag:s22] =	ssyncadd.s32 s3;
	_ =	sdelay $0x1  }
0xa1: {  	s23 =	simm.s32 $0x1B8B  }
0xa2: {  	_ =	swait.ge [sflag:s23], $0x1  }
0xa3: {  	[sflag:s23] =	ssyncset.done $0x0  }
0xa4: {  	s25 =	simm.s32 $0x1B8E;
	s24 =	sld [smem:$0x3FFE];
	[sflag:s23] =	ssyncadd.s32 $0xFFFFFFFF  }
0xa5: {  	s26 =	simm.s32 $execute0_lowered;
	[smem:$0x3FD2] =	sst s25  }
0xa6: {  	s4 =	sshll.u32 s26, $0x1;
	_ =	strace $0x80000049;
	[dreg:$0x1] =	wrdreg $0xFFFFFFFF  }
0xa7: {  	s28 =	simm.s32 $_size_execute0_lowered;
	s2 =	sadd.s32 s2, s4;
	[dreg:$0x0] =	wrdreg $0x0  }
0xa8: {  	s4 =	sshll.u32 s28, $0x1;
	[dreg:$0x2] =	wrdreg s2  }
0xa9: {  	[dreg:$0x3] =	wrdreg s4  }
0xaa: {  	[dreg:$0x4] =	wrdreg $0xC0  }
0xab: {  	_ =	task [dreg:s6], $0x5FFFF  }
0xac: {  	[dreg:$0x1] =	wrdreg $0xFFFFFFFF  }
0xad: {  	[dreg:$0x0] =	wrdreg $0x60  }
0xae: {  	[dreg:$0x2] =	wrdreg s24  }
0xaf: {  	[dreg:$0x3] =	wrdreg $0xD0000  }
0xb0: {  	[dreg:$0x4] =	wrdreg $0x9  }
0xb1: {  	_ =	task.clear_ibuf [dreg:s6], $0x5FFFF;
	_ =	strace $0x90000049  }
0xb2: {  	s29 =	simm.s32 $0x9;
	_ =	strace $0x8000004B  }
0xb3: {  	_ =	swait.ge [sflag:s29], $0x1  }
0xb4: {  	[sflag:s29] =	ssyncadd.s32 $0xFFFFFFFF  }
0xb5: {  	_ =	strace $0x9000004B  }
0xb6: {  	_ =	sfence  }
0xb7: {  	s30 =	sld [smem:$0x0];
	_ =	sdelay $0x2  }
0xb8: {  	s31 =	sshll.u32 s1, $0xD;
	s1 =	sshrl.u32 s1, $0x2  }
0xb9: {  	s3 =	sand.u32 $0x4000, s31;
	s1 =	sadd.s32 s1, s30  }
0xba: {  	s0 =	sor.u32 s3, s0;
	s1 =	sshll.u32 s1, $0x11  }
0xbb: {  	s0 =	sor.u32 s1, s0  }
0xbc: {  	s0 =	sadd.s32 $0x8F2B, s0  }
0xbd: {  	[sflag:s0] =	ssyncadd.remote.s32 $0x1  }
0xbe: {  	_ =	sfence.sel $0xFFFF  }
0xbf: {  	[dreg:$0x0] =	wrdreg $0xFFFFFFFF;
	(pc) =	sbr.abs _section_cstart, $3  }
0xc0: {  	[dreg:$0x1] =	wrdreg $0xFFFFFFFF  }
0xc1: {  	_ =	task.clear_ibuf [dreg:s6], $0x2FFFF;
	_ =	strace $0x9FFFFFFF  }
0xc2: {  	(tm) =	ssettm $0x7FFFFFFF  }
0xc3: {  	_ =	shalt  }
tec
execute0_lowered:
.L_overlay_start_1:
0x0: {  	(tag) =	ssettag $0x1  }
0x1: {  	s0 =	rddreg [dreg:$0x0]  }
0x2: {  	s2 =	rddreg [dreg:$0x1]  }
0x3: {  	s3 =	simm.s32 $0x0;
	s12 =	stileid.u32;
	s1 =	srdreg.scid  }
0x4: {  	s11 =	simm.s32 $0x2800;
	s14 =	simm.s32 $0x80;
	s15 =	simm.s32 $0x5000  }
0x5: {  	s16 =	simm.s32 $0x1;
	s17 =	simm.s32 $0x7000;
	s18 =	simm.s32 $0x2  }
0x6: {  	s21 =	simm.s32 $0x9000;
	s22 =	simm.s32 $0x3;
	s24 =	simm.s32 $0x180  }
0x7: {  	s25 =	simm.s32 $0xB000;
	s28 =	simm.s32 $0x2980;
	s29 =	simm.s32 $0x5  }
0x8: {  	s30 =	simm.s32 $0x6;
	s31 =	simm.s32 $0x7;
	[smem:$0x7FF] =	sst s3  }
0x9: {  	s7 =	smul.u32 $0xA000, s12;
	s1 =	sand.u32 $0x1, s1;
	s4 =	sadd.s32 $0xCC00, s0  }
0xa: {  	s26 =	sshll.u32 s12, $0x6;
	_ =	strace $0x8000004A;
	s5 =	sshll.u32 s1, $0x4  }
0xb: {  	s6 =	smul.u32 $0xA0000, s1;
	s1 =	ssub.s32 $0x2, s1;
	s8 =	sshrl.u32 s7, $0x3  }
0xc: {  	s5 =	sor.u32 s12, s5;
	s9 =	sshrl.u32 s1, $0x1;
	s13 =	sadd.s32 s7, s2  }
0xd: {  	s12 =	sor.u32 $0x1C09, s26;
	s26 =	simm.s32 $0x4;
	s5 =	smul.u32 $0x500, s5  }
0xe: {  	s6 =	sadd.s32 s7, s6;
	s8 =	sadd.s32 s8, s0;
	s1 =	ssub.s32 s1, s9  }
0xf: {  	s13 =	sshrl.u32 s13, $0x3;
	s6 =	sshrl.u32 s6, $0x3;
	s7 =	sadd.s32 $0x20C00, s8  }
0x10: {  	s9 =	smax.u32 s1, $0x1;
	s1 =	simm.s32 $0x0;
	s10 =	sadd.s32 s5, s0  }
0x11: {  	s0 =	sadd.s32 s6, s0;
	s5 =	sadd.s32 $0x35C00, s10;
	s6 =	sadd.s32 $0x2C00, s10  }
0x12: {  	s8 =	sadd.s32 $0x3FC00, s0;
	s10 =	simm.s32 $0x9;
	s0 =	simm.s32 $0x8  }
.LBB2_1:
0x13: {  	[tilespmem:s3], [sflag:$0x9] =	stream.linear.gather [hbm4b:s5+s3], $0x2800, $0x38;
	[tilespmem:$0x17000] =	vst v63  }
0x14: {  	_ =	swait.ge [sflag:s10], $0x2800  }
0x15: {  	[sflag:s10] =	ssyncset.done $0x0  }
0x16: {  	[sflag:s10] =	ssyncadd.s32 $0xFFFFD800  }
0x17: {  	[tilespmem:s11], [sflag:$0x9] =	stream.linear.gather [hbm4b:s6+s3], $0x2800, $0x38;
	[tilespmem:$0x17000] =	vst v63  }
0x18: {  	_ =	swait.ge [sflag:s10], $0x2800  }
0x19: {  	[sflag:s10] =	ssyncset.done $0x0  }
0x1a: {  	[sflag:s10] =	ssyncadd.s32 $0xFFFFD800  }
0x1b: {  	[spmem:s13], [sflag:s12] =	dma.local [hbm:s7], $0x1400  }
0x1c: {  	_ =	swait.ge [sflag:s10], $0x1400  }
0x1d: {  	[sflag:s10] =	ssyncset.done $0x0  }
0x1e: {  	[sflag:s10] =	ssyncadd.s32 $0xFFFFEC00  }
0x1f: {  	[bflag:$0x0] =	sbarrier.arrive $0xFFFF  }
0x20: {  	[tilespmem:s15], [sflag:$0x1] =	stream.indirect.gather [hbm4b:s4+s14], $0x40, s3, s14, $0xb8;
	[tilespmem:$0x17000] =	vst v63  }
0x21: {  	_ =	swait.ge [sflag:s16], $0x2000  }
0x22: {  	[sflag:s16] =	ssyncset.done $0x0  }
0x23: {  	[sflag:s16] =	ssyncadd.s32 $0xFFFFE000  }
0x24: {  	[spmem:s2] =	stream.indirect.scatter.add.f32 [tilespmem:s15], [sflag:$0x5], $0x40, s11, s14, $0xb8;
	[tilespmem:$0x17000] =	vst v63  }
0x25: {  	_ = 	snop  }
0x26: {  	[tilespmem:s17], [sflag:$0x2] =	stream.indirect.gather [hbm4b:s4+s14], $0x40, s14, s14, $0xb8;
	[tilespmem:$0x17000] =	vst v63  }
0x27: {  	_ =	swait.ge [sflag:s18], $0x2000  }
0x28: {  	[sflag:s18] =	ssyncset.done $0x0  }
0x29: {  	s19 =	simm.s32 $0x2880;
	[sflag:s18] =	ssyncadd.s32 $0xFFFFE000  }
0x2a: {  	[spmem:s2] =	stream.indirect.scatter.add.f32 [tilespmem:s17], [sflag:$0x6], $0x40, s19, s14, $0xb8;
	[tilespmem:$0x17000] =	vst v63  }
0x2b: {  	s23 =	simm.s32 $0x100  }
0x2c: {  	[tilespmem:s21], [sflag:$0x3] =	stream.indirect.gather [hbm4b:s4+s14], $0x40, s23, s14, $0xb8;
	[tilespmem:$0x17000] =	vst v63  }
0x2d: {  	_ =	swait.ge [sflag:s22], $0x2000  }
0x2e: {  	[sflag:s22] =	ssyncset.done $0x0  }
0x2f: {  	s20 =	simm.s32 $0x2900;
	[sflag:s22] =	ssyncadd.s32 $0xFFFFE000  }
0x30: {  	[spmem:s2] =	stream.indirect.scatter.add.f32 [tilespmem:s21], [sflag:$0x7], $0x40, s20, s14, $0xb8;
	[tilespmem:$0x17000] =	vst v63  }
0x31: {  	_ = 	snop  }
0x32: {  	[tilespmem:s25], [sflag:$0x4] =	stream.indirect.gather [hbm4b:s4+s14], $0x40, s24, s14, $0xb8;
	[tilespmem:$0x17000] =	vst v63  }
0x33: {  	_ =	swait.ge [sflag:s26], $0x2000  }
0x34: {  	[sflag:s26] =	ssyncset.done $0x0  }
0x35: {  	[sflag:s26] =	ssyncadd.s32 $0xFFFFE000  }
0x36: {  	[spmem:s2] =	stream.indirect.scatter.add.f32 [tilespmem:s25], [sflag:$0x8], $0x40, s28, s14, $0xb8;
	[tilespmem:$0x17000] =	vst v63  }
0x37: {  	_ =	swait.ge [sflag:s29], $0x2000  }
0x38: {  	[sflag:s29] =	ssyncset.done $0x0  }
0x39: {  	s23 =	simm.s32 $0x200;
	[sflag:s29] =	ssyncadd.s32 $0xFFFFE000  }
0x3a: {  	[tilespmem:s15], [sflag:$0x1] =	stream.indirect.gather [hbm4b:s4+s14], $0x40, s23, s14, $0xb8;
	[tilespmem:$0x17000] =	vst v63  }
0x3b: {  	_ =	swait.ge [sflag:s16], $0x2000  }
0x3c: {  	[sflag:s16] =	ssyncset.done $0x0  }
0x3d: {  	s20 =	simm.s32 $0x2A00;
	[sflag:s16] =	ssyncadd.s32 $0xFFFFE000  }
0x3e: {  	[spmem:s2] =	stream.indirect.scatter.add.f32 [tilespmem:s15], [sflag:$0x5], $0x40, s20, s14, $0xb8;
	[tilespmem:$0x17000] =	vst v63  }
0x3f: {  	_ =	swait.ge [sflag:s30], $0x2000  }
0x40: {  	[sflag:s30] =	ssyncset.done $0x0  }
0x41: {  	s23 =	simm.s32 $0x280;
	[sflag:s30] =	ssyncadd.s32 $0xFFFFE000  }
0x42: {  	[tilespmem:s17], [sflag:$0x2] =	stream.indirect.gather [hbm4b:s4+s14], $0x40, s23, s14, $0xb8;
	[tilespmem:$0x17000] =	vst v63  }
0x43: {  	_ =	swait.ge [sflag:s18], $0x2000  }
0x44: {  	[sflag:s18] =	ssyncset.done $0x0  }
0x45: {  	s20 =	simm.s32 $0x2A80;
	[sflag:s18] =	ssyncadd.s32 $0xFFFFE000  }
0x46: {  	[spmem:s2] =	stream.indirect.scatter.add.f32 [tilespmem:s17], [sflag:$0x6], $0x40, s20, s14, $0xb8;
	[tilespmem:$0x17000] =	vst v63  }
0x47: {  	_ =	swait.ge [sflag:s31], $0x2000  }
0x48: {  	[sflag:s31] =	ssyncset.done $0x0  }
0x49: {  	s23 =	simm.s32 $0x300;
	[sflag:s31] =	ssyncadd.s32 $0xFFFFE000  }
0x4a: {  	[tilespmem:s21], [sflag:$0x3] =	stream.indirect.gather [hbm4b:s4+s14], $0x40, s23, s14, $0xb8;
	[tilespmem:$0x17000] =	vst v63  }
0x4b: {  	_ =	swait.ge [sflag:s22], $0x2000  }
0x4c: {  	[sflag:s22] =	ssyncset.done $0x0  }
0x4d: {  	s20 =	simm.s32 $0x2B00;
	[sflag:s22] =	ssyncadd.s32 $0xFFFFE000  }
0x4e: {  	[spmem:s2] =	stream.indirect.scatter.add.f32 [tilespmem:s21], [sflag:$0x7], $0x40, s20, s14, $0xb8;
	[tilespmem:$0x17000] =	vst v63  }
0x4f: {  	_ =	swait.ge [sflag:s0], $0x2000  }
0x50: {  	[sflag:s0] =	ssyncset.done $0x0  }
0x51: {  	s23 =	simm.s32 $0x380;
	[sflag:s0] =	ssyncadd.s32 $0xFFFFE000  }
0x52: {  	[tilespmem:s25], [sflag:$0x4] =	stream.indirect.gather [hbm4b:s4+s14], $0x40, s23, s14, $0xb8;
	[tilespmem:$0x17000] =	vst v63  }
0x53: {  	_ =	swait.ge [sflag:s26], $0x2000  }
0x54: {  	[sflag:s26] =	ssyncset.done $0x0  }
0x55: {  	s19 =	simm.s32 $0x800;
	s20 =	simm.s32 $0x2B80;
	[sflag:s26] =	ssyncadd.s32 $0xFFFFE000  }
.LBB2_2:
0x56: {  	[spmem:s2] =	stream.indirect.scatter.add.f32 [tilespmem:s25], [sflag:$0x8], $0x40, s20, s14, $0xb8;
	[tilespmem:$0x17000] =	vst v63  }
0x57: {  	s20 =	smov.u32 s19  }
0x58: {  	p0 =	sne.s32 s19, $0x9000;
	s19 =	sadd.s32 $0x800, s19;
	_ =	swait.ge [sflag:s29], $0x2000  }
0x59: {  	s20 =	sshra.s32 s20, $0x2;
	[sflag:s29] =	ssyncset.done $0x0  }
0x5a: {  	s23 =	sadd.s32 $0x200, s20;
	[sflag:s29] =	ssyncadd.s32 $0xFFFFE000  }
0x5b: {  	[tilespmem:s15], [sflag:$0x1] =	stream.indirect.gather [hbm4b:s4+s14], $0x40, s23, s14, $0xb8;
	[tilespmem:$0x17000] =	vst v63  }
0x5c: {  	_ =	swait.ge [sflag:s16], $0x2000  }
0x5d: {  	[sflag:s16] =	ssyncset.done $0x0  }
0x5e: {  	s23 =	sadd.s32 $0x2A00, s20;
	[sflag:s16] =	ssyncadd.s32 $0xFFFFE000  }
0x5f: {  	[spmem:s2] =	stream.indirect.scatter.add.f32 [tilespmem:s15], [sflag:$0x5], $0x40, s23, s14, $0xb8;
	[tilespmem:$0x17000] =	vst v63  }
0x60: {  	_ =	swait.ge [sflag:s30], $0x2000  }
0x61: {  	[sflag:s30] =	ssyncset.done $0x0  }
0x62: {  	s23 =	sadd.s32 $0x280, s20;
	[sflag:s30] =	ssyncadd.s32 $0xFFFFE000  }
0x63: {  	[tilespmem:s17], [sflag:$0x2] =	stream.indirect.gather [hbm4b:s4+s14], $0x40, s23, s14, $0xb8;
	[tilespmem:$0x17000] =	vst v63  }
0x64: {  	_ =	swait.ge [sflag:s18], $0x2000  }
0x65: {  	[sflag:s18] =	ssyncset.done $0x0  }
0x66: {  	s23 =	sadd.s32 $0x2A80, s20;
	[sflag:s18] =	ssyncadd.s32 $0xFFFFE000  }
0x67: {  	[spmem:s2] =	stream.indirect.scatter.add.f32 [tilespmem:s17], [sflag:$0x6], $0x40, s23, s14, $0xb8;
	[tilespmem:$0x17000] =	vst v63  }
0x68: {  	_ =	swait.ge [sflag:s31], $0x2000  }
0x69: {  	[sflag:s31] =	ssyncset.done $0x0  }
0x6a: {  	s23 =	sadd.s32 $0x300, s20;
	[sflag:s31] =	ssyncadd.s32 $0xFFFFE000  }
0x6b: {  	[tilespmem:s21], [sflag:$0x3] =	stream.indirect.gather [hbm4b:s4+s14], $0x40, s23, s14, $0xb8;
	[tilespmem:$0x17000] =	vst v63  }
0x6c: {  	_ =	swait.ge [sflag:s22], $0x2000  }
0x6d: {  	[sflag:s22] =	ssyncset.done $0x0  }
0x6e: {  	s23 =	sadd.s32 $0x2B00, s20;
	[sflag:s22] =	ssyncadd.s32 $0xFFFFE000  }
0x6f: {  	[spmem:s2] =	stream.indirect.scatter.add.f32 [tilespmem:s21], [sflag:$0x7], $0x40, s23, s14, $0xb8;
	[tilespmem:$0x17000] =	vst v63  }
0x70: {  	_ =	swait.ge [sflag:s0], $0x2000  }
0x71: {  	[sflag:s0] =	ssyncset.done $0x0  }
.Ltmp0:
0x72: {  	s23 =	sadd.s32 $0x380, s20;
	[sflag:s0] =	ssyncadd.s32 $0xFFFFE000;
	(pc) =	sbr.rel @p0 .LBB2_2-.Ltmp0, $4  }
0x73: {  	[tilespmem:s25], [sflag:$0x4] =	stream.indirect.gather [hbm4b:s4+s14], $0x40, s23, s14, $0xb8;
	[tilespmem:$0x17000] =	vst v63  }
0x74: {  	_ =	swait.ge [sflag:s26], $0x2000  }
0x75: {  	[sflag:s26] =	ssyncset.done $0x0  }
0x76: {  	s20 =	sadd.s32 $0x2B80, s20;
	[sflag:s26] =	ssyncadd.s32 $0xFFFFE000  }
0x77: {  	[spmem:s2] =	stream.indirect.scatter.add.f32 [tilespmem:s25], [sflag:$0x8], $0x40, s20, s14, $0xb8;
	[tilespmem:$0x17000] =	vst v63  }
0x78: {  	_ =	swait.ge [sflag:s29], $0x2000  }
0x79: {  	[sflag:s29] =	ssyncset.done $0x0  }
0x7a: {  	[sflag:s29] =	ssyncadd.s32 $0xFFFFE000  }
0x7b: {  	_ =	swait.ge [sflag:s30], $0x2000  }
0x7c: {  	[sflag:s30] =	ssyncset.done $0x0  }
0x7d: {  	[sflag:s30] =	ssyncadd.s32 $0xFFFFE000  }
0x7e: {  	_ =	swait.ge [sflag:s31], $0x2000  }
0x7f: {  	[sflag:s31] =	ssyncset.done $0x0  }
0x80: {  	[sflag:s31] =	ssyncadd.s32 $0xFFFFE000  }
0x81: {  	_ =	swait.ge [sflag:s0], $0x2000  }
0x82: {  	s1 =	sadd.s32 $0x1, s1;
	[sflag:s0] =	ssyncset.done $0x0  }
0x83: {  	p0 =	sne.s32 s1, s9;
	[sflag:s0] =	ssyncadd.s32 $0xFFFFE000  }
.Ltmp1:
0x84: {  	[bflag:$0x0] =	sbarrier.arrive $0xFFFF;
	(pc) =	sbr.rel @p0 .LBB2_1-.Ltmp1, $4  }
0x85: {  	[hbm:s8], [sflag:s12] =	dma.local [spmem:s13], $0x1400  }
0x86: {  	_ =	swait.ge [sflag:s10], $0x1400  }
0x87: {  	[sflag:s10] =	ssyncset.done $0x0  }
0x88: {  	[sflag:s10] =	ssyncadd.s32 $0xFFFFEC00  }
0x89: {  	_ =	sfence.sel $0x180000  }
0x8a: {  	[bflag:$0x0] =	sbarrier.arrive $0xFFFF  }
0x8b: {  	_ =	strace $0x9000004A  }
0x8c: {  	s0 =	stileid.u32;
	[bflag:$0x2] =	sbarrier.arrive $0xFFFF  }
0x8d: {  	p0 =	sne.s32 s0, $0x0;
	s0 =	rddreg [dreg:$0x2]  }
0x8e: {  	s0 =	sadd.s32 @!p0 $0x100000, s0  }
0x8f: {  	[sflag:s0] =	ssyncadd.tile.s32 @!p0 $0x1;
	_ =	shalt  }
.Lfunc_end2:
_tile_overlayer_lowered:
.L_overlay_start_2:
0x90: {  	(tag) =	ssettag $0x2  }
0x91: {  	s0 =	rddreg [dreg:$0x0];
	s2 =	stileid.u32  }
0x92: {  	s1 =	rddreg [dreg:$0x1];
	p0 =	sne.s32 s2, $0x0  }
0x93: {  	s3 =	rddreg [dreg:$0x2];
	[bflag:$0x3] =	sbarrier.arrive $0xFFFF;
	s2 =	simm.s32 @!p0 $0x1C09  }
0x94: {  	[timem:s3], [sflag:s2] =	dma.local @!p0 [hbm:s0], s1  }
0x95: {  	s0 =	simm.s32 @!p0 $0x9  }
0x96: {  	_ =	swait.ge @!p0 [sflag:s0], s1  }
0x97: {  	s1 =	ssub.s32 @!p0 $0x0, s1;
	[sflag:s0] =	ssyncset.done @!p0 $0x0  }
0x98: {  	[sflag:s0] =	ssyncadd.s32 @!p0 s1  }
0x99: {  	[bflag:$0x3] =	sbarrier.arrive $0xFFFF  }
0x9a: {  	_ =	shalt  }

// kernel: kernel.16.cloned.1.call-start
scs
__scs_entry_jumppad:
0x0: {  	(pc) =	sbr.rel $0x88, $3  }
0x1: {  	(tag) =	ssettag $0x0;
	lr =	simm.s32 $0x1  }
0x2: {  	[smem:$0x3F94] =	sst lr;
	_ =	strace $0xD0000000  }
0x3: {  	_ = 	snop  }
0x4: {  	_ = 	snop  }
0x5: {  	_ = 	snop  }
0x6: {  	_ = 	snop  }
0x7: {  	_ = 	snop  }
__scs_overlays_trampoline_lowered:
0x8: {  	[smem:$0x3FA3] =	sst s0  }
0x9: {  	[smem:$0x3FA4] =	sst s1  }
0xa: {  	[smem:$0x3FA5] =	sst s2  }
0xb: {  	[smem:$0x3FA6] =	sst s3  }
0xc: {  	[smem:$0x3FA7] =	sst s4  }
0xd: {  	[smem:$0x3FA8] =	sst s5  }
0xe: {  	[smem:$0x3FA9] =	sst s6  }
0xf: {  	[smem:$0x3FAA] =	sst s7  }
0x10: {  	[smem:$0x3FAB] =	sst s8  }
0x11: {  	[smem:$0x3FAC] =	sst s9;
	s0 =	simm.s32 @!p0 $0x0  }
0x12: {  	s1 =	sld [smem:$0x3F92];
	s0 =	simm.s32 @p0 $0x1  }
0x13: {  	[smem:$0x3FAD] =	sst s0;
	s0 =	simm.s32 @!p1 $0x0  }
0x14: {  	s2 =	sld [smem:$0x3F91];
	s0 =	simm.s32 @p1 $0x1  }
0x15: {  	[smem:$0x3FAE] =	sst s0;
	s0 =	simm.s32 @!p2 $0x0  }
0x16: {  	s3 =	sld [smem:$0x3FDB];
	s0 =	simm.s32 @p2 $0x1  }
0x17: {  	s4 =	simm.s32 $0x1BF5;
	[smem:$0x3FB0] =	sst s0  }
0x18: {  	s0 =	sld [smem:$0x3F93];
	_ =	swait.ge [sflag:s4], $0x0  }
0x19: {  	s7 =	sld [smem:$0x3F94]  }
0x1a: {  	s8 =	sadd.s32 $0xFFFFE003, lr  }
0x1b: {  	s9 =	sadd.s32 $0xFFFFFEF7, lr;
	s5 =	simm.s32 $0xFFFFFFFF;
	p2 =	slt.u32 s8, $0xFFFFF086  }
0x1c: {  	p1 =	slt.u32 s9, $0xF7A;
	s5 =	simm.s32 @!p2 $0x0  }
0x1d: {  	s5 =	simm.s32 @p1 $0x1;
	p0 =	seq.s32 s7, s2  }
0x1e: {  	s7 =	smul.u32 @!p0 $0xF7A, s2;
	p2 =	seq.s32 @!p0 s5, $0x0  }
0x1f: {  	s9 =	smul.u32 $0xF7A, s1;
	s8 =	simm.s32 @!p0 $0x1BF5;
	p2 =	por !p2, p0  }
0x20: {  	[sflag:s8] =	ssyncset.s32 @!p0 $0xFFFFF086;
	s6 =	sadd.s32 @!p0 s3, s7;
	s7 =	simm.s32 @!p0 $0x108  }
0x21: {  	s3 =	sadd.s32 s3, s9;
	s6 =	sadd.s32 @!p0 $0x88, s6;
	s7 =	simm.s32 @p2 $0x1082  }
0x22: {  	[simem:s7], [sflag:s8] =	dma.local @!p0 [hbm:s6], $0xF7A  }
0x23: {  	s9 =	sor.u32 $0xD0000000, s2;
	s6 =	simm.s32 $0x108;
	_ =	swait.ge @!p0 [sflag:s8], $0x0  }
0x24: {  	s3 =	sadd.s32 $0x88, s3;
	s6 =	simm.s32 @!p1 $0x1082;
	[sflag:s4] =	ssyncset.s32 $0xFFFFF086  }
0x25: {  	[simem:s6], [sflag:s4] =	dma.local [hbm:s3], $0xF7A  }
0x26: {  	[smem:$0x3F94] =	sst s1;
	(tag) =	ssettag s2;
	_ =	strace s9  }
0x27: {  	s1 =	sld [smem:$0x3FA4]  }
0x28: {  	s2 =	sld [smem:$0x3FA5]  }
0x29: {  	s4 =	sld [smem:$0x3FA7]  }
0x2a: {  	p0 =	seq.s32 s5, $0x0;
	s5 =	sld [smem:$0x3FA8]  }
0x2b: {  	s6 =	sld [smem:$0x3FA9]  }
0x2c: {  	s7 =	sld [smem:$0x3FAA]  }
0x2d: {  	s3 =	simm.s32 $0x108;
	s8 =	sld [smem:$0x3FAB]  }
0x2e: {  	s3 =	simm.s32 @!p0 $0x1082;
	s9 =	sld [smem:$0x3FAC]  }
0x2f: {  	lr =	sadd.s32 s0, s3;
	s0 =	sld [smem:$0x3FA3]  }
0x30: {  	s3 =	sld [smem:$0x3FA6]  }
0x31: {  	[smem:$0x3FAF] =	sst s10  }
0x32: {  	s10 =	sld [smem:$0x3FAD];
	_ =	sdelay $0x3  }
0x33: {  	p0 =	seq.s32 s10, $0x1;
	s10 =	sld [smem:$0x3FAF];
	_ =	sdelay $0x3  }
0x34: {  	[smem:$0x3FAF] =	sst s10  }
0x35: {  	s10 =	sld [smem:$0x3FAE];
	_ =	sdelay $0x3  }
0x36: {  	p1 =	seq.s32 s10, $0x1;
	s10 =	sld [smem:$0x3FAF];
	_ =	sdelay $0x3  }
0x37: {  	[smem:$0x3FAF] =	sst s10  }
0x38: {  	s10 =	sld [smem:$0x3FB0]  }
0x39: {  	_ = 	snop;
	(pc) =	sbr.ind lr, $3  }
0x3a: {  	_ = 	snop  }
0x3b: {  	_ = 	snop  }
0x3c: {  	p2 =	seq.s32 s10, $0x1;
	s10 =	sld [smem:$0x3FAF]  }
0x3d: {  	_ =	shalt  }
0x3e: {  	_ =	shalt  }
0x3f: {  	_ =	shalt  }
0x40: {  	_ =	shalt  }
0x41: {  	_ =	shalt  }
0x42: {  	_ =	shalt  }
0x43: {  	_ =	shalt  }
0x44: {  	_ =	shalt  }
0x45: {  	_ =	shalt  }
0x46: {  	_ =	shalt  }
0x47: {  	_ =	shalt  }
0x48: {  	_ =	shalt  }
0x49: {  	_ =	shalt  }
0x4a: {  	_ =	shalt  }
0x4b: {  	_ =	shalt  }
0x4c: {  	_ =	shalt  }
0x4d: {  	_ =	shalt  }
0x4e: {  	_ =	shalt  }
0x4f: {  	_ =	shalt  }
0x50: {  	_ =	shalt  }
0x51: {  	_ =	shalt  }
0x52: {  	_ =	shalt  }
0x53: {  	_ =	shalt  }
0x54: {  	_ =	shalt  }
0x55: {  	_ =	shalt  }
0x56: {  	_ =	shalt  }
0x57: {  	_ =	shalt  }
0x58: {  	_ =	shalt  }
0x59: {  	_ =	shalt  }
0x5a: {  	_ =	shalt  }
0x5b: {  	_ =	shalt  }
0x5c: {  	_ =	shalt  }
0x5d: {  	_ =	shalt  }
0x5e: {  	_ =	shalt  }
0x5f: {  	_ =	shalt  }
0x60: {  	_ =	shalt  }
0x61: {  	_ =	shalt  }
0x62: {  	_ =	shalt  }
0x63: {  	_ =	shalt  }
0x64: {  	_ =	shalt  }
0x65: {  	_ =	shalt  }
0x66: {  	_ =	shalt  }
0x67: {  	_ =	shalt  }
0x68: {  	_ =	shalt  }
0x69: {  	_ =	shalt  }
0x6a: {  	_ =	shalt  }
0x6b: {  	_ =	shalt  }
0x6c: {  	_ =	shalt  }
0x6d: {  	_ =	shalt  }
0x6e: {  	_ =	shalt  }
0x6f: {  	_ =	shalt  }
0x70: {  	_ =	shalt  }
0x71: {  	_ =	shalt  }
0x72: {  	_ =	shalt  }
0x73: {  	_ =	shalt  }
0x74: {  	_ =	shalt  }
0x75: {  	_ =	shalt  }
0x76: {  	_ =	shalt  }
0x77: {  	_ =	shalt  }
0x78: {  	_ =	shalt  }
0x79: {  	_ =	shalt  }
0x7a: {  	_ =	shalt  }
0x7b: {  	_ =	shalt  }
0x7c: {  	_ =	shalt  }
0x7d: {  	_ =	shalt  }
0x7e: {  	_ =	shalt  }
0x7f: {  	_ =	shalt  }
0x80: {  	_ =	shalt  }
0x81: {  	_ =	shalt  }
0x82: {  	_ =	shalt  }
0x83: {  	_ =	shalt  }
0x84: {  	_ =	shalt  }
0x85: {  	_ =	shalt  }
0x86: {  	_ =	shalt  }
0x87: {  	_ =	shalt  }
.Lfunc_end0:
.L_simem_size_0:
called_computation.2_lowered:
.L_overlay_start_0:
0x88: {  	s2 =	sld [smem:$0x3FD9]  }
0x89: {  	s3 =	sld [smem:$0x3FFE];
	_ =	sdelay $0x1  }
0x8a: {  	s1 =	srdreg.scid  }
0x8b: {  	s0 =	sand.u32 $0x1, s1  }
0x8c: {  	s16 =	sshll.u32 s0, $0xA;
	s2 =	sadd.s32 s3, s2  }
0x8d: {  	s2 =	sadd.s32 s2, s16  }
0x8e: {  	[smem:$0x3FBB] =	sst s2  }
0x8f: {  	_ = 	snop  }
0x90: {  	(tm) =	ssettm $0x1  }
0x91: {  	s17 =	sld [smem:$0x3FFB];
	_ =	sdelay $0x3  }
0x92: {  	_ =	strace s17  }
0x93: {  	s2 =	sld [smem:$0x3FFC];
	_ =	sdelay $0x3  }
0x94: {  	_ =	strace s2  }
0x95: {  	s2 =	sld [smem:$0x3FFD];
	_ =	sdelay $0x3  }
0x96: {  	_ =	strace s2  }
0x97: {  	_ =	strace $0x8FFFFFFF  }
0x98: {  	s18 =	sld [smem:$0x3FDB];
	_ =	sdelay $0x1  }
0x99: {  	s19 =	simm.s32 $_scs_section_size  }
0x9a: {  	s4 =	simm.s32 $_size__tile_overlayer_lowered;
	s5 =	simm.s32 $_tile_overlayer_lowered  }
0x9b: {  	s22 =	simm.s32 $0x1BFF;
	s21 =	sshll.u32 s5, $0x1;
	s2 =	sadd.s32 s19, s18  }
0x9c: {  	s6 =	simm.s32 $0x0;
	s20 =	sshll.u32 s4, $0x1;
	s4 =	sadd.s32 s21, s2  }
0x9d: {  	[timem:s6], [sflag:s22] =	dma.local [hbm:s4], s20  }
0x9e: {  	_ =	swait.ge [sflag:s22], s20  }
0x9f: {  	s3 =	ssub.s32 $0x0, s20;
	[sflag:s22] =	ssyncset.done $0x0  }
0xa0: {  	[sflag:s22] =	ssyncadd.s32 s3;
	_ =	sdelay $0x1  }
0xa1: {  	s23 =	simm.s32 $0x1B8B  }
0xa2: {  	_ =	swait.ge [sflag:s23], $0x1  }
0xa3: {  	[sflag:s23] =	ssyncset.done $0x0  }
0xa4: {  	s25 =	simm.s32 $0x1B8E;
	s24 =	sld [smem:$0x3FFE];
	[sflag:s23] =	ssyncadd.s32 $0xFFFFFFFF  }
0xa5: {  	s26 =	simm.s32 $execute0_lowered;
	[smem:$0x3FD2] =	sst s25  }
0xa6: {  	s4 =	sshll.u32 s26, $0x1;
	_ =	strace $0x8000004C;
	[dreg:$0x1] =	wrdreg $0xFFFFFFFF  }
0xa7: {  	s28 =	simm.s32 $_size_execute0_lowered;
	s2 =	sadd.s32 s2, s4;
	[dreg:$0x0] =	wrdreg $0x0  }
0xa8: {  	s4 =	sshll.u32 s28, $0x1;
	[dreg:$0x2] =	wrdreg s2  }
0xa9: {  	[dreg:$0x3] =	wrdreg s4  }
0xaa: {  	[dreg:$0x4] =	wrdreg $0xC0  }
0xab: {  	_ =	task [dreg:s6], $0x5FFFF  }
0xac: {  	[dreg:$0x1] =	wrdreg $0xFFFFFFFF  }
0xad: {  	[dreg:$0x0] =	wrdreg $0x60  }
0xae: {  	[dreg:$0x2] =	wrdreg s24  }
0xaf: {  	[dreg:$0x3] =	wrdreg $0x90000  }
0xb0: {  	[dreg:$0x4] =	wrdreg $0x9  }
0xb1: {  	_ =	task.clear_ibuf [dreg:s6], $0x5FFFF;
	_ =	strace $0x9000004C  }
0xb2: {  	s29 =	simm.s32 $0x9;
	_ =	strace $0x8000004E  }
0xb3: {  	_ =	swait.ge [sflag:s29], $0x1  }
0xb4: {  	[sflag:s29] =	ssyncadd.s32 $0xFFFFFFFF  }
0xb5: {  	_ =	strace $0x9000004E  }
0xb6: {  	_ =	sfence  }
0xb7: {  	s30 =	sld [smem:$0x0];
	_ =	sdelay $0x2  }
0xb8: {  	s31 =	sshll.u32 s1, $0xD;
	s1 =	sshrl.u32 s1, $0x2  }
0xb9: {  	s3 =	sand.u32 $0x4000, s31;
	s1 =	sadd.s32 s1, s30  }
0xba: {  	s0 =	sor.u32 s3, s0;
	s1 =	sshll.u32 s1, $0x11  }
0xbb: {  	s0 =	sor.u32 s1, s0  }
0xbc: {  	s0 =	sadd.s32 $0x8F2B, s0  }
0xbd: {  	[sflag:s0] =	ssyncadd.remote.s32 $0x1  }
0xbe: {  	_ =	sfence.sel $0xFFFF  }
0xbf: {  	[dreg:$0x0] =	wrdreg $0xFFFFFFFF;
	(pc) =	sbr.abs _section_cstart, $3  }
0xc0: {  	[dreg:$0x1] =	wrdreg $0xFFFFFFFF  }
0xc1: {  	_ =	task.clear_ibuf [dreg:s6], $0x2FFFF;
	_ =	strace $0x9FFFFFFF  }
0xc2: {  	(tm) =	ssettm $0x7FFFFFFF  }
0xc3: {  	_ =	shalt  }
tec
execute0_lowered:
.L_overlay_start_1:
0x0: {  	(tag) =	ssettag $0x1  }
0x1: {  	s0 =	rddreg [dreg:$0x0]  }
0x2: {  	s2 =	rddreg [dreg:$0x1]  }
0x3: {  	s3 =	simm.s32 $0x0;
	s12 =	stileid.u32;
	s1 =	srdreg.scid  }
0x4: {  	s11 =	simm.s32 $0x2800;
	s14 =	simm.s32 $0x80;
	s15 =	simm.s32 $0x5000  }
0x5: {  	s16 =	simm.s32 $0x1;
	s17 =	simm.s32 $0x6000;
	s18 =	simm.s32 $0x2  }
0x6: {  	s21 =	simm.s32 $0x7000;
	s22 =	simm.s32 $0x3;
	s24 =	simm.s32 $0x180  }
0x7: {  	s25 =	simm.s32 $0x8000;
	s28 =	simm.s32 $0x2980;
	s29 =	simm.s32 $0x5  }
0x8: {  	s30 =	simm.s32 $0x6;
	s31 =	simm.s32 $0x7;
	[smem:$0x7FF] =	sst s3  }
0x9: {  	s7 =	smul.u32 $0x5000, s12;
	s1 =	sand.u32 $0x1, s1;
	s4 =	sadd.s32 $0xCC00, s0  }
0xa: {  	s26 =	sshll.u32 s12, $0x6;
	_ =	strace $0x8000004D;
	s5 =	sshll.u32 s1, $0x4  }
0xb: {  	s6 =	smul.u32 $0x50000, s1;
	s1 =	ssub.s32 $0x2, s1;
	s8 =	sshrl.u32 s7, $0x3  }
0xc: {  	s5 =	sor.u32 s12, s5;
	s9 =	sshrl.u32 s1, $0x1;
	s13 =	sadd.s32 s7, s2  }
0xd: {  	s12 =	sor.u32 $0x1C09, s26;
	s26 =	simm.s32 $0x4;
	s5 =	smul.u32 $0x500, s5  }
0xe: {  	s6 =	sadd.s32 s7, s6;
	s8 =	sadd.s32 s8, s0;
	s1 =	ssub.s32 s1, s9  }
0xf: {  	s13 =	sshrl.u32 s13, $0x3;
	s6 =	sshrl.u32 s6, $0x3;
	s7 =	sadd.s32 $0x16C00, s8  }
0x10: {  	s9 =	smax.u32 s1, $0x1;
	s1 =	simm.s32 $0x0;
	s10 =	sadd.s32 s5, s0  }
0x11: {  	s0 =	sadd.s32 s6, s0;
	s5 =	sadd.s32 $0x35C00, s10;
	s6 =	sadd.s32 $0x2C00, s10  }
0x12: {  	s8 =	sadd.s32 $0x20C00, s0;
	s10 =	simm.s32 $0x9;
	s0 =	simm.s32 $0x8  }
.LBB2_1:
0x13: {  	[tilespmem:s3], [sflag:$0x9] =	stream.linear.gather [hbm4b:s5+s3], $0x2800, $0x38;
	[tilespmem:$0xE000] =	vst v63  }
0x14: {  	_ =	swait.ge [sflag:s10], $0x2800  }
0x15: {  	[sflag:s10] =	ssyncset.done $0x0  }
0x16: {  	[sflag:s10] =	ssyncadd.s32 $0xFFFFD800  }
0x17: {  	[tilespmem:s11], [sflag:$0x9] =	stream.linear.gather [hbm4b:s6+s3], $0x2800, $0x38;
	[tilespmem:$0xE000] =	vst v63  }
0x18: {  	_ =	swait.ge [sflag:s10], $0x2800  }
0x19: {  	[sflag:s10] =	ssyncset.done $0x0  }
0x1a: {  	[sflag:s10] =	ssyncadd.s32 $0xFFFFD800  }
0x1b: {  	[spmem:s13], [sflag:s12] =	dma.local [hbm:s7], $0xA00  }
0x1c: {  	_ =	swait.ge [sflag:s10], $0xA00  }
0x1d: {  	[sflag:s10] =	ssyncset.done $0x0  }
0x1e: {  	[sflag:s10] =	ssyncadd.s32 $0xFFFFF600  }
0x1f: {  	[bflag:$0x0] =	sbarrier.arrive $0xFFFF  }
0x20: {  	[tilespmem:s15], [sflag:$0x1] =	stream.indirect.gather [hbm4b:s4+s14], $0x20, s3, s14, $0xb8;
	[tilespmem:$0xE000] =	vst v63  }
0x21: {  	_ =	swait.ge [sflag:s16], $0x1000  }
0x22: {  	[sflag:s16] =	ssyncset.done $0x0  }
0x23: {  	[sflag:s16] =	ssyncadd.s32 $0xFFFFF000  }
0x24: {  	[spmem:s2] =	stream.indirect.scatter.add.f32 [tilespmem:s15], [sflag:$0x5], $0x20, s11, s14, $0xb8;
	[tilespmem:$0xE000] =	vst v63  }
0x25: {  	_ = 	snop  }
0x26: {  	[tilespmem:s17], [sflag:$0x2] =	stream.indirect.gather [hbm4b:s4+s14], $0x20, s14, s14, $0xb8;
	[tilespmem:$0xE000] =	vst v63  }
0x27: {  	_ =	swait.ge [sflag:s18], $0x1000  }
0x28: {  	[sflag:s18] =	ssyncset.done $0x0  }
0x29: {  	s19 =	simm.s32 $0x2880;
	[sflag:s18] =	ssyncadd.s32 $0xFFFFF000  }
0x2a: {  	[spmem:s2] =	stream.indirect.scatter.add.f32 [tilespmem:s17], [sflag:$0x6], $0x20, s19, s14, $0xb8;
	[tilespmem:$0xE000] =	vst v63  }
0x2b: {  	s23 =	simm.s32 $0x100  }
0x2c: {  	[tilespmem:s21], [sflag:$0x3] =	stream.indirect.gather [hbm4b:s4+s14], $0x20, s23, s14, $0xb8;
	[tilespmem:$0xE000] =	vst v63  }
0x2d: {  	_ =	swait.ge [sflag:s22], $0x1000  }
0x2e: {  	[sflag:s22] =	ssyncset.done $0x0  }
0x2f: {  	s20 =	simm.s32 $0x2900;
	[sflag:s22] =	ssyncadd.s32 $0xFFFFF000  }
0x30: {  	[spmem:s2] =	stream.indirect.scatter.add.f32 [tilespmem:s21], [sflag:$0x7], $0x20, s20, s14, $0xb8;
	[tilespmem:$0xE000] =	vst v63  }
0x31: {  	_ = 	snop  }
0x32: {  	[tilespmem:s25], [sflag:$0x4] =	stream.indirect.gather [hbm4b:s4+s14], $0x20, s24, s14, $0xb8;
	[tilespmem:$0xE000] =	vst v63  }
0x33: {  	_ =	swait.ge [sflag:s26], $0x1000  }
0x34: {  	[sflag:s26] =	ssyncset.done $0x0  }
0x35: {  	[sflag:s26] =	ssyncadd.s32 $0xFFFFF000  }
0x36: {  	[spmem:s2] =	stream.indirect.scatter.add.f32 [tilespmem:s25], [sflag:$0x8], $0x20, s28, s14, $0xb8;
	[tilespmem:$0xE000] =	vst v63  }
0x37: {  	_ =	swait.ge [sflag:s29], $0x1000  }
0x38: {  	[sflag:s29] =	ssyncset.done $0x0  }
0x39: {  	s23 =	simm.s32 $0x200;
	[sflag:s29] =	ssyncadd.s32 $0xFFFFF000  }
0x3a: {  	[tilespmem:s15], [sflag:$0x1] =	stream.indirect.gather [hbm4b:s4+s14], $0x20, s23, s14, $0xb8;
	[tilespmem:$0xE000] =	vst v63  }
0x3b: {  	_ =	swait.ge [sflag:s16], $0x1000  }
0x3c: {  	[sflag:s16] =	ssyncset.done $0x0  }
0x3d: {  	s20 =	simm.s32 $0x2A00;
	[sflag:s16] =	ssyncadd.s32 $0xFFFFF000  }
0x3e: {  	[spmem:s2] =	stream.indirect.scatter.add.f32 [tilespmem:s15], [sflag:$0x5], $0x20, s20, s14, $0xb8;
	[tilespmem:$0xE000] =	vst v63  }
0x3f: {  	_ =	swait.ge [sflag:s30], $0x1000  }
0x40: {  	[sflag:s30] =	ssyncset.done $0x0  }
0x41: {  	s23 =	simm.s32 $0x280;
	[sflag:s30] =	ssyncadd.s32 $0xFFFFF000  }
0x42: {  	[tilespmem:s17], [sflag:$0x2] =	stream.indirect.gather [hbm4b:s4+s14], $0x20, s23, s14, $0xb8;
	[tilespmem:$0xE000] =	vst v63  }
0x43: {  	_ =	swait.ge [sflag:s18], $0x1000  }
0x44: {  	[sflag:s18] =	ssyncset.done $0x0  }
0x45: {  	s20 =	simm.s32 $0x2A80;
	[sflag:s18] =	ssyncadd.s32 $0xFFFFF000  }
0x46: {  	[spmem:s2] =	stream.indirect.scatter.add.f32 [tilespmem:s17], [sflag:$0x6], $0x20, s20, s14, $0xb8;
	[tilespmem:$0xE000] =	vst v63  }
0x47: {  	_ =	swait.ge [sflag:s31], $0x1000  }
0x48: {  	[sflag:s31] =	ssyncset.done $0x0  }
0x49: {  	s23 =	simm.s32 $0x300;
	[sflag:s31] =	ssyncadd.s32 $0xFFFFF000  }
0x4a: {  	[tilespmem:s21], [sflag:$0x3] =	stream.indirect.gather [hbm4b:s4+s14], $0x20, s23, s14, $0xb8;
	[tilespmem:$0xE000] =	vst v63  }
0x4b: {  	_ =	swait.ge [sflag:s22], $0x1000  }
0x4c: {  	[sflag:s22] =	ssyncset.done $0x0  }
0x4d: {  	s20 =	simm.s32 $0x2B00;
	[sflag:s22] =	ssyncadd.s32 $0xFFFFF000  }
0x4e: {  	[spmem:s2] =	stream.indirect.scatter.add.f32 [tilespmem:s21], [sflag:$0x7], $0x20, s20, s14, $0xb8;
	[tilespmem:$0xE000] =	vst v63  }
0x4f: {  	_ =	swait.ge [sflag:s0], $0x1000  }
0x50: {  	[sflag:s0] =	ssyncset.done $0x0  }
0x51: {  	s23 =	simm.s32 $0x380;
	[sflag:s0] =	ssyncadd.s32 $0xFFFFF000  }
0x52: {  	[tilespmem:s25], [sflag:$0x4] =	stream.indirect.gather [hbm4b:s4+s14], $0x20, s23, s14, $0xb8;
	[tilespmem:$0xE000] =	vst v63  }
0x53: {  	_ =	swait.ge [sflag:s26], $0x1000  }
0x54: {  	[sflag:s26] =	ssyncset.done $0x0  }
0x55: {  	s19 =	simm.s32 $0x800;
	s20 =	simm.s32 $0x2B80;
	[sflag:s26] =	ssyncadd.s32 $0xFFFFF000  }
.LBB2_2:
0x56: {  	[spmem:s2] =	stream.indirect.scatter.add.f32 [tilespmem:s25], [sflag:$0x8], $0x20, s20, s14, $0xb8;
	[tilespmem:$0xE000] =	vst v63  }
0x57: {  	s20 =	smov.u32 s19  }
0x58: {  	p0 =	sne.s32 s19, $0x9000;
	s19 =	sadd.s32 $0x800, s19;
	_ =	swait.ge [sflag:s29], $0x1000  }
0x59: {  	s20 =	sshra.s32 s20, $0x2;
	[sflag:s29] =	ssyncset.done $0x0  }
0x5a: {  	s23 =	sadd.s32 $0x200, s20;
	[sflag:s29] =	ssyncadd.s32 $0xFFFFF000  }
0x5b: {  	[tilespmem:s15], [sflag:$0x1] =	stream.indirect.gather [hbm4b:s4+s14], $0x20, s23, s14, $0xb8;
	[tilespmem:$0xE000] =	vst v63  }
0x5c: {  	_ =	swait.ge [sflag:s16], $0x1000  }
0x5d: {  	[sflag:s16] =	ssyncset.done $0x0  }
0x5e: {  	s23 =	sadd.s32 $0x2A00, s20;
	[sflag:s16] =	ssyncadd.s32 $0xFFFFF000  }
0x5f: {  	[spmem:s2] =	stream.indirect.scatter.add.f32 [tilespmem:s15], [sflag:$0x5], $0x20, s23, s14, $0xb8;
	[tilespmem:$0xE000] =	vst v63  }
0x60: {  	_ =	swait.ge [sflag:s30], $0x1000  }
0x61: {  	[sflag:s30] =	ssyncset.done $0x0  }
0x62: {  	s23 =	sadd.s32 $0x280, s20;
	[sflag:s30] =	ssyncadd.s32 $0xFFFFF000  }
0x63: {  	[tilespmem:s17], [sflag:$0x2] =	stream.indirect.gather [hbm4b:s4+s14], $0x20, s23, s14, $0xb8;
	[tilespmem:$0xE000] =	vst v63  }
0x64: {  	_ =	swait.ge [sflag:s18], $0x1000  }
0x65: {  	[sflag:s18] =	ssyncset.done $0x0  }
0x66: {  	s23 =	sadd.s32 $0x2A80, s20;
	[sflag:s18] =	ssyncadd.s32 $0xFFFFF000  }
0x67: {  	[spmem:s2] =	stream.indirect.scatter.add.f32 [tilespmem:s17], [sflag:$0x6], $0x20, s23, s14, $0xb8;
	[tilespmem:$0xE000] =	vst v63  }
0x68: {  	_ =	swait.ge [sflag:s31], $0x1000  }
0x69: {  	[sflag:s31] =	ssyncset.done $0x0  }
0x6a: {  	s23 =	sadd.s32 $0x300, s20;
	[sflag:s31] =	ssyncadd.s32 $0xFFFFF000  }
0x6b: {  	[tilespmem:s21], [sflag:$0x3] =	stream.indirect.gather [hbm4b:s4+s14], $0x20, s23, s14, $0xb8;
	[tilespmem:$0xE000] =	vst v63  }
0x6c: {  	_ =	swait.ge [sflag:s22], $0x1000  }
0x6d: {  	[sflag:s22] =	ssyncset.done $0x0  }
0x6e: {  	s23 =	sadd.s32 $0x2B00, s20;
	[sflag:s22] =	ssyncadd.s32 $0xFFFFF000  }
0x6f: {  	[spmem:s2] =	stream.indirect.scatter.add.f32 [tilespmem:s21], [sflag:$0x7], $0x20, s23, s14, $0xb8;
	[tilespmem:$0xE000] =	vst v63  }
0x70: {  	_ =	swait.ge [sflag:s0], $0x1000  }
0x71: {  	[sflag:s0] =	ssyncset.done $0x0  }
.Ltmp0:
0x72: {  	s23 =	sadd.s32 $0x380, s20;
	[sflag:s0] =	ssyncadd.s32 $0xFFFFF000;
	(pc) =	sbr.rel @p0 .LBB2_2-.Ltmp0, $4  }
0x73: {  	[tilespmem:s25], [sflag:$0x4] =	stream.indirect.gather [hbm4b:s4+s14], $0x20, s23, s14, $0xb8;
	[tilespmem:$0xE000] =	vst v63  }
0x74: {  	_ =	swait.ge [sflag:s26], $0x1000  }
0x75: {  	[sflag:s26] =	ssyncset.done $0x0  }
0x76: {  	s20 =	sadd.s32 $0x2B80, s20;
	[sflag:s26] =	ssyncadd.s32 $0xFFFFF000  }
0x77: {  	[spmem:s2] =	stream.indirect.scatter.add.f32 [tilespmem:s25], [sflag:$0x8], $0x20, s20, s14, $0xb8;
	[tilespmem:$0xE000] =	vst v63  }
0x78: {  	_ =	swait.ge [sflag:s29], $0x1000  }
0x79: {  	[sflag:s29] =	ssyncset.done $0x0  }
0x7a: {  	[sflag:s29] =	ssyncadd.s32 $0xFFFFF000  }
0x7b: {  	_ =	swait.ge [sflag:s30], $0x1000  }
0x7c: {  	[sflag:s30] =	ssyncset.done $0x0  }
0x7d: {  	[sflag:s30] =	ssyncadd.s32 $0xFFFFF000  }
0x7e: {  	_ =	swait.ge [sflag:s31], $0x1000  }
0x7f: {  	[sflag:s31] =	ssyncset.done $0x0  }
0x80: {  	[sflag:s31] =	ssyncadd.s32 $0xFFFFF000  }
0x81: {  	_ =	swait.ge [sflag:s0], $0x1000  }
0x82: {  	s1 =	sadd.s32 $0x1, s1;
	[sflag:s0] =	ssyncset.done $0x0  }
0x83: {  	p0 =	sne.s32 s1, s9;
	[sflag:s0] =	ssyncadd.s32 $0xFFFFF000  }
.Ltmp1:
0x84: {  	[bflag:$0x0] =	sbarrier.arrive $0xFFFF;
	(pc) =	sbr.rel @p0 .LBB2_1-.Ltmp1, $4  }
0x85: {  	[hbm:s8], [sflag:s12] =	dma.local [spmem:s13], $0xA00  }
0x86: {  	_ =	swait.ge [sflag:s10], $0xA00  }
0x87: {  	[sflag:s10] =	ssyncset.done $0x0  }
0x88: {  	[sflag:s10] =	ssyncadd.s32 $0xFFFFF600  }
0x89: {  	_ =	sfence.sel $0x180000  }
0x8a: {  	[bflag:$0x0] =	sbarrier.arrive $0xFFFF  }
0x8b: {  	_ =	strace $0x9000004D  }
0x8c: {  	s0 =	stileid.u32;
	[bflag:$0x2] =	sbarrier.arrive $0xFFFF  }
0x8d: {  	p0 =	sne.s32 s0, $0x0;
	s0 =	rddreg [dreg:$0x2]  }
0x8e: {  	s0 =	sadd.s32 @!p0 $0x100000, s0  }
0x8f: {  	[sflag:s0] =	ssyncadd.tile.s32 @!p0 $0x1;
	_ =	shalt  }
.Lfunc_end2:
_tile_overlayer_lowered:
.L_overlay_start_2:
0x90: {  	(tag) =	ssettag $0x2  }
0x91: {  	s0 =	rddreg [dreg:$0x0];
	s2 =	stileid.u32  }
0x92: {  	s1 =	rddreg [dreg:$0x1];
	p0 =	sne.s32 s2, $0x0  }
0x93: {  	s3 =	rddreg [dreg:$0x2];
	[bflag:$0x3] =	sbarrier.arrive $0xFFFF;
	s2 =	simm.s32 @!p0 $0x1C09  }
0x94: {  	[timem:s3], [sflag:s2] =	dma.local @!p0 [hbm:s0], s1  }
0x95: {  	s0 =	simm.s32 @!p0 $0x9  }
0x96: {  	_ =	swait.ge @!p0 [sflag:s0], s1  }
0x97: {  	s1 =	ssub.s32 @!p0 $0x0, s1;
	[sflag:s0] =	ssyncset.done @!p0 $0x0  }
0x98: {  	[sflag:s0] =	ssyncadd.s32 @!p0 s1  }
0x99: {  	[bflag:$0x3] =	sbarrier.arrive $0xFFFF  }
0x9a: {  	_ =	shalt  }

// kernel: kernel.19.cloned.1.call-start
scs
__scs_entry_jumppad:
0x0: {  	(pc) =	sbr.rel $0x88, $3  }
0x1: {  	(tag) =	ssettag $0x0;
	lr =	simm.s32 $0x1  }
0x2: {  	[smem:$0x3F94] =	sst lr;
	_ =	strace $0xD0000000  }
0x3: {  	_ = 	snop  }
0x4: {  	_ = 	snop  }
0x5: {  	_ = 	snop  }
0x6: {  	_ = 	snop  }
0x7: {  	_ = 	snop  }
__scs_overlays_trampoline_lowered:
0x8: {  	[smem:$0x3FA3] =	sst s0  }
0x9: {  	[smem:$0x3FA4] =	sst s1  }
0xa: {  	[smem:$0x3FA5] =	sst s2  }
0xb: {  	[smem:$0x3FA6] =	sst s3  }
0xc: {  	[smem:$0x3FA7] =	sst s4  }
0xd: {  	[smem:$0x3FA8] =	sst s5  }
0xe: {  	[smem:$0x3FA9] =	sst s6  }
0xf: {  	[smem:$0x3FAA] =	sst s7  }
0x10: {  	[smem:$0x3FAB] =	sst s8  }
0x11: {  	[smem:$0x3FAC] =	sst s9;
	s0 =	simm.s32 @!p0 $0x0  }
0x12: {  	s1 =	sld [smem:$0x3F92];
	s0 =	simm.s32 @p0 $0x1  }
0x13: {  	[smem:$0x3FAD] =	sst s0;
	s0 =	simm.s32 @!p1 $0x0  }
0x14: {  	s2 =	sld [smem:$0x3F91];
	s0 =	simm.s32 @p1 $0x1  }
0x15: {  	[smem:$0x3FAE] =	sst s0;
	s0 =	simm.s32 @!p2 $0x0  }
0x16: {  	s3 =	sld [smem:$0x3FDB];
	s0 =	simm.s32 @p2 $0x1  }
0x17: {  	s4 =	simm.s32 $0x1BF5;
	[smem:$0x3FB0] =	sst s0  }
0x18: {  	s0 =	sld [smem:$0x3F93];
	_ =	swait.ge [sflag:s4], $0x0  }
0x19: {  	s7 =	sld [smem:$0x3F94]  }
0x1a: {  	s8 =	sadd.s32 $0xFFFFE003, lr  }
0x1b: {  	s9 =	sadd.s32 $0xFFFFFEF7, lr;
	s5 =	simm.s32 $0xFFFFFFFF;
	p2 =	slt.u32 s8, $0xFFFFF086  }
0x1c: {  	p1 =	slt.u32 s9, $0xF7A;
	s5 =	simm.s32 @!p2 $0x0  }
0x1d: {  	s5 =	simm.s32 @p1 $0x1;
	p0 =	seq.s32 s7, s2  }
0x1e: {  	s7 =	smul.u32 @!p0 $0xF7A, s2;
	p2 =	seq.s32 @!p0 s5, $0x0  }
0x1f: {  	s9 =	smul.u32 $0xF7A, s1;
	s8 =	simm.s32 @!p0 $0x1BF5;
	p2 =	por !p2, p0  }
0x20: {  	[sflag:s8] =	ssyncset.s32 @!p0 $0xFFFFF086;
	s6 =	sadd.s32 @!p0 s3, s7;
	s7 =	simm.s32 @!p0 $0x108  }
0x21: {  	s3 =	sadd.s32 s3, s9;
	s6 =	sadd.s32 @!p0 $0x88, s6;
	s7 =	simm.s32 @p2 $0x1082  }
0x22: {  	[simem:s7], [sflag:s8] =	dma.local @!p0 [hbm:s6], $0xF7A  }
0x23: {  	s9 =	sor.u32 $0xD0000000, s2;
	s6 =	simm.s32 $0x108;
	_ =	swait.ge @!p0 [sflag:s8], $0x0  }
0x24: {  	s3 =	sadd.s32 $0x88, s3;
	s6 =	simm.s32 @!p1 $0x1082;
	[sflag:s4] =	ssyncset.s32 $0xFFFFF086  }
0x25: {  	[simem:s6], [sflag:s4] =	dma.local [hbm:s3], $0xF7A  }
0x26: {  	[smem:$0x3F94] =	sst s1;
	(tag) =	ssettag s2;
	_ =	strace s9  }
0x27: {  	s1 =	sld [smem:$0x3FA4]  }
0x28: {  	s2 =	sld [smem:$0x3FA5]  }
0x29: {  	s4 =	sld [smem:$0x3FA7]  }
0x2a: {  	p0 =	seq.s32 s5, $0x0;
	s5 =	sld [smem:$0x3FA8]  }
0x2b: {  	s6 =	sld [smem:$0x3FA9]  }
0x2c: {  	s7 =	sld [smem:$0x3FAA]  }
0x2d: {  	s3 =	simm.s32 $0x108;
	s8 =	sld [smem:$0x3FAB]  }
0x2e: {  	s3 =	simm.s32 @!p0 $0x1082;
	s9 =	sld [smem:$0x3FAC]  }
0x2f: {  	lr =	sadd.s32 s0, s3;
	s0 =	sld [smem:$0x3FA3]  }
0x30: {  	s3 =	sld [smem:$0x3FA6]  }
0x31: {  	[smem:$0x3FAF] =	sst s10  }
0x32: {  	s10 =	sld [smem:$0x3FAD];
	_ =	sdelay $0x3  }
0x33: {  	p0 =	seq.s32 s10, $0x1;
	s10 =	sld [smem:$0x3FAF];
	_ =	sdelay $0x3  }
0x34: {  	[smem:$0x3FAF] =	sst s10  }
0x35: {  	s10 =	sld [smem:$0x3FAE];
	_ =	sdelay $0x3  }
0x36: {  	p1 =	seq.s32 s10, $0x1;
	s10 =	sld [smem:$0x3FAF];
	_ =	sdelay $0x3  }
0x37: {  	[smem:$0x3FAF] =	sst s10  }
0x38: {  	s10 =	sld [smem:$0x3FB0]  }
0x39: {  	_ = 	snop;
	(pc) =	sbr.ind lr, $3  }
0x3a: {  	_ = 	snop  }
0x3b: {  	_ = 	snop  }
0x3c: {  	p2 =	seq.s32 s10, $0x1;
	s10 =	sld [smem:$0x3FAF]  }
0x3d: {  	_ =	shalt  }
0x3e: {  	_ =	shalt  }
0x3f: {  	_ =	shalt  }
0x40: {  	_ =	shalt  }
0x41: {  	_ =	shalt  }
0x42: {  	_ =	shalt  }
0x43: {  	_ =	shalt  }
0x44: {  	_ =	shalt  }
0x45: {  	_ =	shalt  }
0x46: {  	_ =	shalt  }
0x47: {  	_ =	shalt  }
0x48: {  	_ =	shalt  }
0x49: {  	_ =	shalt  }
0x4a: {  	_ =	shalt  }
0x4b: {  	_ =	shalt  }
0x4c: {  	_ =	shalt  }
0x4d: {  	_ =	shalt  }
0x4e: {  	_ =	shalt  }
0x4f: {  	_ =	shalt  }
0x50: {  	_ =	shalt  }
0x51: {  	_ =	shalt  }
0x52: {  	_ =	shalt  }
0x53: {  	_ =	shalt  }
0x54: {  	_ =	shalt  }
0x55: {  	_ =	shalt  }
0x56: {  	_ =	shalt  }
0x57: {  	_ =	shalt  }
0x58: {  	_ =	shalt  }
0x59: {  	_ =	shalt  }
0x5a: {  	_ =	shalt  }
0x5b: {  	_ =	shalt  }
0x5c: {  	_ =	shalt  }
0x5d: {  	_ =	shalt  }
0x5e: {  	_ =	shalt  }
0x5f: {  	_ =	shalt  }
0x60: {  	_ =	shalt  }
0x61: {  	_ =	shalt  }
0x62: {  	_ =	shalt  }
0x63: {  	_ =	shalt  }
0x64: {  	_ =	shalt  }
0x65: {  	_ =	shalt  }
0x66: {  	_ =	shalt  }
0x67: {  	_ =	shalt  }
0x68: {  	_ =	shalt  }
0x69: {  	_ =	shalt  }
0x6a: {  	_ =	shalt  }
0x6b: {  	_ =	shalt  }
0x6c: {  	_ =	shalt  }
0x6d: {  	_ =	shalt  }
0x6e: {  	_ =	shalt  }
0x6f: {  	_ =	shalt  }
0x70: {  	_ =	shalt  }
0x71: {  	_ =	shalt  }
0x72: {  	_ =	shalt  }
0x73: {  	_ =	shalt  }
0x74: {  	_ =	shalt  }
0x75: {  	_ =	shalt  }
0x76: {  	_ =	shalt  }
0x77: {  	_ =	shalt  }
0x78: {  	_ =	shalt  }
0x79: {  	_ =	shalt  }
0x7a: {  	_ =	shalt  }
0x7b: {  	_ =	shalt  }
0x7c: {  	_ =	shalt  }
0x7d: {  	_ =	shalt  }
0x7e: {  	_ =	shalt  }
0x7f: {  	_ =	shalt  }
0x80: {  	_ =	shalt  }
0x81: {  	_ =	shalt  }
0x82: {  	_ =	shalt  }
0x83: {  	_ =	shalt  }
0x84: {  	_ =	shalt  }
0x85: {  	_ =	shalt  }
0x86: {  	_ =	shalt  }
0x87: {  	_ =	shalt  }
.Lfunc_end0:
.L_simem_size_0:
called_computation.3_lowered:
.L_overlay_start_0:
0x88: {  	s2 =	sld [smem:$0x3FD9]  }
0x89: {  	s3 =	sld [smem:$0x3FFE];
	_ =	sdelay $0x1  }
0x8a: {  	s1 =	srdreg.scid  }
0x8b: {  	s0 =	sand.u32 $0x1, s1  }
0x8c: {  	s16 =	sshll.u32 s0, $0xA;
	s2 =	sadd.s32 s3, s2  }
0x8d: {  	s2 =	sadd.s32 s2, s16  }
0x8e: {  	[smem:$0x3FBB] =	sst s2  }
0x8f: {  	_ = 	snop  }
0x90: {  	(tm) =	ssettm $0x1  }
0x91: {  	s17 =	sld [smem:$0x3FFB];
	_ =	sdelay $0x3  }
0x92: {  	_ =	strace s17  }
0x93: {  	s2 =	sld [smem:$0x3FFC];
	_ =	sdelay $0x3  }
0x94: {  	_ =	strace s2  }
0x95: {  	s2 =	sld [smem:$0x3FFD];
	_ =	sdelay $0x3  }
0x96: {  	_ =	strace s2  }
0x97: {  	_ =	strace $0x8FFFFFFF  }
0x98: {  	s18 =	sld [smem:$0x3FDB];
	_ =	sdelay $0x1  }
0x99: {  	s19 =	simm.s32 $_scs_section_size  }
0x9a: {  	s4 =	simm.s32 $_size__tile_overlayer_lowered;
	s5 =	simm.s32 $_tile_overlayer_lowered  }
0x9b: {  	s22 =	simm.s32 $0x1BFF;
	s21 =	sshll.u32 s5, $0x1;
	s2 =	sadd.s32 s19, s18  }
0x9c: {  	s6 =	simm.s32 $0x0;
	s20 =	sshll.u32 s4, $0x1;
	s4 =	sadd.s32 s21, s2  }
0x9d: {  	[timem:s6], [sflag:s22] =	dma.local [hbm:s4], s20  }
0x9e: {  	_ =	swait.ge [sflag:s22], s20  }
0x9f: {  	s3 =	ssub.s32 $0x0, s20;
	[sflag:s22] =	ssyncset.done $0x0  }
0xa0: {  	[sflag:s22] =	ssyncadd.s32 s3;
	_ =	sdelay $0x1  }
0xa1: {  	s23 =	simm.s32 $0x1B8B  }
0xa2: {  	_ =	swait.ge [sflag:s23], $0x1  }
0xa3: {  	[sflag:s23] =	ssyncset.done $0x0  }
0xa4: {  	s25 =	simm.s32 $0x1B8E;
	s24 =	sld [smem:$0x3FFE];
	[sflag:s23] =	ssyncadd.s32 $0xFFFFFFFF  }
0xa5: {  	s26 =	simm.s32 $execute0_lowered;
	[smem:$0x3FD2] =	sst s25  }
0xa6: {  	s4 =	sshll.u32 s26, $0x1;
	_ =	strace $0x8000004F;
	[dreg:$0x1] =	wrdreg $0xFFFFFFFF  }
0xa7: {  	s28 =	simm.s32 $_size_execute0_lowered;
	s2 =	sadd.s32 s2, s4;
	[dreg:$0x0] =	wrdreg $0x0  }
0xa8: {  	s4 =	sshll.u32 s28, $0x1;
	[dreg:$0x2] =	wrdreg s2  }
0xa9: {  	[dreg:$0x3] =	wrdreg s4  }
0xaa: {  	[dreg:$0x4] =	wrdreg $0xC0  }
0xab: {  	_ =	task [dreg:s6], $0x5FFFF  }
0xac: {  	[dreg:$0x1] =	wrdreg $0xFFFFFFFF  }
0xad: {  	[dreg:$0x0] =	wrdreg $0x60  }
0xae: {  	[dreg:$0x2] =	wrdreg s24  }
0xaf: {  	[dreg:$0x3] =	wrdreg $0x70000  }
0xb0: {  	[dreg:$0x4] =	wrdreg $0x9  }
0xb1: {  	_ =	task.clear_ibuf [dreg:s6], $0x5FFFF;
	_ =	strace $0x9000004F  }
0xb2: {  	s29 =	simm.s32 $0x9;
	_ =	strace $0x80000051  }
0xb3: {  	_ =	swait.ge [sflag:s29], $0x1  }
0xb4: {  	[sflag:s29] =	ssyncadd.s32 $0xFFFFFFFF  }
0xb5: {  	_ =	strace $0x90000051  }
0xb6: {  	_ =	sfence  }
0xb7: {  	s30 =	sld [smem:$0x0];
	_ =	sdelay $0x2  }
0xb8: {  	s31 =	sshll.u32 s1, $0xD;
	s1 =	sshrl.u32 s1, $0x2  }
0xb9: {  	s3 =	sand.u32 $0x4000, s31;
	s1 =	sadd.s32 s1, s30  }
0xba: {  	s0 =	sor.u32 s3, s0;
	s1 =	sshll.u32 s1, $0x11  }
0xbb: {  	s0 =	sor.u32 s1, s0  }
0xbc: {  	s0 =	sadd.s32 $0x8F2B, s0  }
0xbd: {  	[sflag:s0] =	ssyncadd.remote.s32 $0x1  }
0xbe: {  	_ =	sfence.sel $0xFFFF  }
0xbf: {  	[dreg:$0x0] =	wrdreg $0xFFFFFFFF;
	(pc) =	sbr.abs _section_cstart, $3  }
0xc0: {  	[dreg:$0x1] =	wrdreg $0xFFFFFFFF  }
0xc1: {  	_ =	task.clear_ibuf [dreg:s6], $0x2FFFF;
	_ =	strace $0x9FFFFFFF  }
0xc2: {  	(tm) =	ssettm $0x7FFFFFFF  }
0xc3: {  	_ =	shalt  }
tec
execute0_lowered:
.L_overlay_start_1:
0x0: {  	(tag) =	ssettag $0x1  }
0x1: {  	s0 =	rddreg [dreg:$0x0]  }
0x2: {  	s2 =	rddreg [dreg:$0x1]  }
0x3: {  	s3 =	simm.s32 $0x0;
	s12 =	stileid.u32;
	s1 =	srdreg.scid  }
0x4: {  	s11 =	simm.s32 $0x2800;
	s14 =	simm.s32 $0x80;
	s15 =	simm.s32 $0x5000  }
0x5: {  	s16 =	simm.s32 $0x1;
	s17 =	simm.s32 $0x5800;
	s18 =	simm.s32 $0x2  }
0x6: {  	s21 =	simm.s32 $0x6000;
	s22 =	simm.s32 $0x3;
	s24 =	simm.s32 $0x180  }
0x7: {  	s25 =	simm.s32 $0x6800;
	s28 =	simm.s32 $0x2980;
	s29 =	simm.s32 $0x5  }
0x8: {  	s30 =	simm.s32 $0x6;
	s31 =	simm.s32 $0x7;
	[smem:$0x7FF] =	sst s3  }
0x9: {  	s7 =	smul.u32 $0x2800, s12;
	s1 =	sand.u32 $0x1, s1;
	s4 =	sadd.s32 $0xCC00, s0  }
0xa: {  	s26 =	sshll.u32 s12, $0x6;
	_ =	strace $0x80000050;
	s5 =	sshll.u32 s1, $0x4  }
0xb: {  	s6 =	smul.u32 $0x28000, s1;
	s1 =	ssub.s32 $0x2, s1;
	s8 =	sshrl.u32 s7, $0x3  }
0xc: {  	s5 =	sor.u32 s12, s5;
	s9 =	sshrl.u32 s1, $0x1;
	s13 =	sadd.s32 s7, s2  }
0xd: {  	s12 =	sor.u32 $0x1C09, s26;
	s26 =	simm.s32 $0x4;
	s5 =	smul.u32 $0x500, s5  }
0xe: {  	s6 =	sadd.s32 s7, s6;
	s8 =	sadd.s32 s8, s0;
	s1 =	ssub.s32 s1, s9  }
0xf: {  	s13 =	sshrl.u32 s13, $0x3;
	s6 =	sshrl.u32 s6, $0x3;
	s7 =	sadd.s32 $0x11C00, s8  }
0x10: {  	s9 =	smax.u32 s1, $0x1;
	s1 =	simm.s32 $0x0;
	s10 =	sadd.s32 s5, s0  }
0x11: {  	s0 =	sadd.s32 s6, s0;
	s5 =	sadd.s32 $0x35C00, s10;
	s6 =	sadd.s32 $0x2C00, s10  }
0x12: {  	s8 =	sadd.s32 $0x16C00, s0;
	s10 =	simm.s32 $0x9;
	s0 =	simm.s32 $0x8  }
.LBB2_1:
0x13: {  	[tilespmem:s3], [sflag:$0x9] =	stream.linear.gather [hbm4b:s5+s3], $0x2800, $0x38;
	[tilespmem:$0x9800] =	vst v63  }
0x14: {  	_ =	swait.ge [sflag:s10], $0x2800  }
0x15: {  	[sflag:s10] =	ssyncset.done $0x0  }
0x16: {  	[sflag:s10] =	ssyncadd.s32 $0xFFFFD800  }
0x17: {  	[tilespmem:s11], [sflag:$0x9] =	stream.linear.gather [hbm4b:s6+s3], $0x2800, $0x38;
	[tilespmem:$0x9800] =	vst v63  }
0x18: {  	_ =	swait.ge [sflag:s10], $0x2800  }
0x19: {  	[sflag:s10] =	ssyncset.done $0x0  }
0x1a: {  	[sflag:s10] =	ssyncadd.s32 $0xFFFFD800  }
0x1b: {  	[spmem:s13], [sflag:s12] =	dma.local [hbm:s7], $0x500  }
0x1c: {  	_ =	swait.ge [sflag:s10], $0x500  }
0x1d: {  	[sflag:s10] =	ssyncset.done $0x0  }
0x1e: {  	[sflag:s10] =	ssyncadd.s32 $0xFFFFFB00  }
0x1f: {  	[bflag:$0x0] =	sbarrier.arrive $0xFFFF  }
0x20: {  	[tilespmem:s15], [sflag:$0x1] =	stream.indirect.gather [hbm4b:s4+s14], $0x10, s3, s14, $0xb8;
	[tilespmem:$0x9800] =	vst v63  }
0x21: {  	_ =	swait.ge [sflag:s16], $0x800  }
0x22: {  	[sflag:s16] =	ssyncset.done $0x0  }
0x23: {  	[sflag:s16] =	ssyncadd.s32 $0xFFFFF800  }
0x24: {  	[spmem:s2] =	stream.indirect.scatter.add.f32 [tilespmem:s15], [sflag:$0x5], $0x10, s11, s14, $0xb8;
	[tilespmem:$0x9800] =	vst v63  }
0x25: {  	_ = 	snop  }
0x26: {  	[tilespmem:s17], [sflag:$0x2] =	stream.indirect.gather [hbm4b:s4+s14], $0x10, s14, s14, $0xb8;
	[tilespmem:$0x9800] =	vst v63  }
0x27: {  	_ =	swait.ge [sflag:s18], $0x800  }
0x28: {  	[sflag:s18] =	ssyncset.done $0x0  }
0x29: {  	s19 =	simm.s32 $0x2880;
	[sflag:s18] =	ssyncadd.s32 $0xFFFFF800  }
0x2a: {  	[spmem:s2] =	stream.indirect.scatter.add.f32 [tilespmem:s17], [sflag:$0x6], $0x10, s19, s14, $0xb8;
	[tilespmem:$0x9800] =	vst v63  }
0x2b: {  	s23 =	simm.s32 $0x100  }
0x2c: {  	[tilespmem:s21], [sflag:$0x3] =	stream.indirect.gather [hbm4b:s4+s14], $0x10, s23, s14, $0xb8;
	[tilespmem:$0x9800] =	vst v63  }
0x2d: {  	_ =	swait.ge [sflag:s22], $0x800  }
0x2e: {  	[sflag:s22] =	ssyncset.done $0x0  }
0x2f: {  	s20 =	simm.s32 $0x2900;
	[sflag:s22] =	ssyncadd.s32 $0xFFFFF800  }
0x30: {  	[spmem:s2] =	stream.indirect.scatter.add.f32 [tilespmem:s21], [sflag:$0x7], $0x10, s20, s14, $0xb8;
	[tilespmem:$0x9800] =	vst v63  }
0x31: {  	_ = 	snop  }
0x32: {  	[tilespmem:s25], [sflag:$0x4] =	stream.indirect.gather [hbm4b:s4+s14], $0x10, s24, s14, $0xb8;
	[tilespmem:$0x9800] =	vst v63  }
0x33: {  	_ =	swait.ge [sflag:s26], $0x800  }
0x34: {  	[sflag:s26] =	ssyncset.done $0x0  }
0x35: {  	[sflag:s26] =	ssyncadd.s32 $0xFFFFF800  }
0x36: {  	[spmem:s2] =	stream.indirect.scatter.add.f32 [tilespmem:s25], [sflag:$0x8], $0x10, s28, s14, $0xb8;
	[tilespmem:$0x9800] =	vst v63  }
0x37: {  	_ =	swait.ge [sflag:s29], $0x800  }
0x38: {  	[sflag:s29] =	ssyncset.done $0x0  }
0x39: {  	s23 =	simm.s32 $0x200;
	[sflag:s29] =	ssyncadd.s32 $0xFFFFF800  }
0x3a: {  	[tilespmem:s15], [sflag:$0x1] =	stream.indirect.gather [hbm4b:s4+s14], $0x10, s23, s14, $0xb8;
	[tilespmem:$0x9800] =	vst v63  }
0x3b: {  	_ =	swait.ge [sflag:s16], $0x800  }
0x3c: {  	[sflag:s16] =	ssyncset.done $0x0  }
0x3d: {  	s20 =	simm.s32 $0x2A00;
	[sflag:s16] =	ssyncadd.s32 $0xFFFFF800  }
0x3e: {  	[spmem:s2] =	stream.indirect.scatter.add.f32 [tilespmem:s15], [sflag:$0x5], $0x10, s20, s14, $0xb8;
	[tilespmem:$0x9800] =	vst v63  }
0x3f: {  	_ =	swait.ge [sflag:s30], $0x800  }
0x40: {  	[sflag:s30] =	ssyncset.done $0x0  }
0x41: {  	s23 =	simm.s32 $0x280;
	[sflag:s30] =	ssyncadd.s32 $0xFFFFF800  }
0x42: {  	[tilespmem:s17], [sflag:$0x2] =	stream.indirect.gather [hbm4b:s4+s14], $0x10, s23, s14, $0xb8;
	[tilespmem:$0x9800] =	vst v63  }
0x43: {  	_ =	swait.ge [sflag:s18], $0x800  }
0x44: {  	[sflag:s18] =	ssyncset.done $0x0  }
0x45: {  	s20 =	simm.s32 $0x2A80;
	[sflag:s18] =	ssyncadd.s32 $0xFFFFF800  }
0x46: {  	[spmem:s2] =	stream.indirect.scatter.add.f32 [tilespmem:s17], [sflag:$0x6], $0x10, s20, s14, $0xb8;
	[tilespmem:$0x9800] =	vst v63  }
0x47: {  	_ =	swait.ge [sflag:s31], $0x800  }
0x48: {  	[sflag:s31] =	ssyncset.done $0x0  }
0x49: {  	s23 =	simm.s32 $0x300;
	[sflag:s31] =	ssyncadd.s32 $0xFFFFF800  }
0x4a: {  	[tilespmem:s21], [sflag:$0x3] =	stream.indirect.gather [hbm4b:s4+s14], $0x10, s23, s14, $0xb8;
	[tilespmem:$0x9800] =	vst v63  }
0x4b: {  	_ =	swait.ge [sflag:s22], $0x800  }
0x4c: {  	[sflag:s22] =	ssyncset.done $0x0  }
0x4d: {  	s20 =	simm.s32 $0x2B00;
	[sflag:s22] =	ssyncadd.s32 $0xFFFFF800  }
0x4e: {  	[spmem:s2] =	stream.indirect.scatter.add.f32 [tilespmem:s21], [sflag:$0x7], $0x10, s20, s14, $0xb8;
	[tilespmem:$0x9800] =	vst v63  }
0x4f: {  	_ =	swait.ge [sflag:s0], $0x800  }
0x50: {  	[sflag:s0] =	ssyncset.done $0x0  }
0x51: {  	s23 =	simm.s32 $0x380;
	[sflag:s0] =	ssyncadd.s32 $0xFFFFF800  }
0x52: {  	[tilespmem:s25], [sflag:$0x4] =	stream.indirect.gather [hbm4b:s4+s14], $0x10, s23, s14, $0xb8;
	[tilespmem:$0x9800] =	vst v63  }
0x53: {  	_ =	swait.ge [sflag:s26], $0x800  }
0x54: {  	[sflag:s26] =	ssyncset.done $0x0  }
0x55: {  	s19 =	simm.s32 $0x800;
	s20 =	simm.s32 $0x2B80;
	[sflag:s26] =	ssyncadd.s32 $0xFFFFF800  }
.LBB2_2:
0x56: {  	[spmem:s2] =	stream.indirect.scatter.add.f32 [tilespmem:s25], [sflag:$0x8], $0x10, s20, s14, $0xb8;
	[tilespmem:$0x9800] =	vst v63  }
0x57: {  	s20 =	smov.u32 s19  }
0x58: {  	p0 =	sne.s32 s19, $0x9000;
	s19 =	sadd.s32 $0x800, s19;
	_ =	swait.ge [sflag:s29], $0x800  }
0x59: {  	s20 =	sshra.s32 s20, $0x2;
	[sflag:s29] =	ssyncset.done $0x0  }
0x5a: {  	s23 =	sadd.s32 $0x200, s20;
	[sflag:s29] =	ssyncadd.s32 $0xFFFFF800  }
0x5b: {  	[tilespmem:s15], [sflag:$0x1] =	stream.indirect.gather [hbm4b:s4+s14], $0x10, s23, s14, $0xb8;
	[tilespmem:$0x9800] =	vst v63  }
0x5c: {  	_ =	swait.ge [sflag:s16], $0x800  }
0x5d: {  	[sflag:s16] =	ssyncset.done $0x0  }
0x5e: {  	s23 =	sadd.s32 $0x2A00, s20;
	[sflag:s16] =	ssyncadd.s32 $0xFFFFF800  }
0x5f: {  	[spmem:s2] =	stream.indirect.scatter.add.f32 [tilespmem:s15], [sflag:$0x5], $0x10, s23, s14, $0xb8;
	[tilespmem:$0x9800] =	vst v63  }
0x60: {  	_ =	swait.ge [sflag:s30], $0x800  }
0x61: {  	[sflag:s30] =	ssyncset.done $0x0  }
0x62: {  	s23 =	sadd.s32 $0x280, s20;
	[sflag:s30] =	ssyncadd.s32 $0xFFFFF800  }
0x63: {  	[tilespmem:s17], [sflag:$0x2] =	stream.indirect.gather [hbm4b:s4+s14], $0x10, s23, s14, $0xb8;
	[tilespmem:$0x9800] =	vst v63  }
0x64: {  	_ =	swait.ge [sflag:s18], $0x800  }
0x65: {  	[sflag:s18] =	ssyncset.done $0x0  }
0x66: {  	s23 =	sadd.s32 $0x2A80, s20;
	[sflag:s18] =	ssyncadd.s32 $0xFFFFF800  }
0x67: {  	[spmem:s2] =	stream.indirect.scatter.add.f32 [tilespmem:s17], [sflag:$0x6], $0x10, s23, s14, $0xb8;
	[tilespmem:$0x9800] =	vst v63  }
0x68: {  	_ =	swait.ge [sflag:s31], $0x800  }
0x69: {  	[sflag:s31] =	ssyncset.done $0x0  }
0x6a: {  	s23 =	sadd.s32 $0x300, s20;
	[sflag:s31] =	ssyncadd.s32 $0xFFFFF800  }
0x6b: {  	[tilespmem:s21], [sflag:$0x3] =	stream.indirect.gather [hbm4b:s4+s14], $0x10, s23, s14, $0xb8;
	[tilespmem:$0x9800] =	vst v63  }
0x6c: {  	_ =	swait.ge [sflag:s22], $0x800  }
0x6d: {  	[sflag:s22] =	ssyncset.done $0x0  }
0x6e: {  	s23 =	sadd.s32 $0x2B00, s20;
	[sflag:s22] =	ssyncadd.s32 $0xFFFFF800  }
0x6f: {  	[spmem:s2] =	stream.indirect.scatter.add.f32 [tilespmem:s21], [sflag:$0x7], $0x10, s23, s14, $0xb8;
	[tilespmem:$0x9800] =	vst v63  }
0x70: {  	_ =	swait.ge [sflag:s0], $0x800  }
0x71: {  	[sflag:s0] =	ssyncset.done $0x0  }
.Ltmp0:
0x72: {  	s23 =	sadd.s32 $0x380, s20;
	[sflag:s0] =	ssyncadd.s32 $0xFFFFF800;
	(pc) =	sbr.rel @p0 .LBB2_2-.Ltmp0, $4  }
0x73: {  	[tilespmem:s25], [sflag:$0x4] =	stream.indirect.gather [hbm4b:s4+s14], $0x10, s23, s14, $0xb8;
	[tilespmem:$0x9800] =	vst v63  }
0x74: {  	_ =	swait.ge [sflag:s26], $0x800  }
0x75: {  	[sflag:s26] =	ssyncset.done $0x0  }
0x76: {  	s20 =	sadd.s32 $0x2B80, s20;
	[sflag:s26] =	ssyncadd.s32 $0xFFFFF800  }
0x77: {  	[spmem:s2] =	stream.indirect.scatter.add.f32 [tilespmem:s25], [sflag:$0x8], $0x10, s20, s14, $0xb8;
	[tilespmem:$0x9800] =	vst v63  }
0x78: {  	_ =	swait.ge [sflag:s29], $0x800  }
0x79: {  	[sflag:s29] =	ssyncset.done $0x0  }
0x7a: {  	[sflag:s29] =	ssyncadd.s32 $0xFFFFF800  }
0x7b: {  	_ =	swait.ge [sflag:s30], $0x800  }
0x7c: {  	[sflag:s30] =	ssyncset.done $0x0  }
0x7d: {  	[sflag:s30] =	ssyncadd.s32 $0xFFFFF800  }
0x7e: {  	_ =	swait.ge [sflag:s31], $0x800  }
0x7f: {  	[sflag:s31] =	ssyncset.done $0x0  }
0x80: {  	[sflag:s31] =	ssyncadd.s32 $0xFFFFF800  }
0x81: {  	_ =	swait.ge [sflag:s0], $0x800  }
0x82: {  	s1 =	sadd.s32 $0x1, s1;
	[sflag:s0] =	ssyncset.done $0x0  }
0x83: {  	p0 =	sne.s32 s1, s9;
	[sflag:s0] =	ssyncadd.s32 $0xFFFFF800  }
.Ltmp1:
0x84: {  	[bflag:$0x0] =	sbarrier.arrive $0xFFFF;
	(pc) =	sbr.rel @p0 .LBB2_1-.Ltmp1, $4  }
0x85: {  	[hbm:s8], [sflag:s12] =	dma.local [spmem:s13], $0x500  }
0x86: {  	_ =	swait.ge [sflag:s10], $0x500  }
0x87: {  	[sflag:s10] =	ssyncset.done $0x0  }
0x88: {  	[sflag:s10] =	ssyncadd.s32 $0xFFFFFB00  }
0x89: {  	_ =	sfence.sel $0x180000  }
0x8a: {  	[bflag:$0x0] =	sbarrier.arrive $0xFFFF  }
0x8b: {  	_ =	strace $0x90000050  }
0x8c: {  	s0 =	stileid.u32;
	[bflag:$0x2] =	sbarrier.arrive $0xFFFF  }
0x8d: {  	p0 =	sne.s32 s0, $0x0;
	s0 =	rddreg [dreg:$0x2]  }
0x8e: {  	s0 =	sadd.s32 @!p0 $0x100000, s0  }
0x8f: {  	[sflag:s0] =	ssyncadd.tile.s32 @!p0 $0x1;
	_ =	shalt  }
.Lfunc_end2:
_tile_overlayer_lowered:
.L_overlay_start_2:
0x90: {  	(tag) =	ssettag $0x2  }
0x91: {  	s0 =	rddreg [dreg:$0x0];
	s2 =	stileid.u32  }
0x92: {  	s1 =	rddreg [dreg:$0x1];
	p0 =	sne.s32 s2, $0x0  }
0x93: {  	s3 =	rddreg [dreg:$0x2];
	[bflag:$0x3] =	sbarrier.arrive $0xFFFF;
	s2 =	simm.s32 @!p0 $0x1C09  }
0x94: {  	[timem:s3], [sflag:s2] =	dma.local @!p0 [hbm:s0], s1  }
0x95: {  	s0 =	simm.s32 @!p0 $0x9  }
0x96: {  	_ =	swait.ge @!p0 [sflag:s0], s1  }
0x97: {  	s1 =	ssub.s32 @!p0 $0x0, s1;
	[sflag:s0] =	ssyncset.done @!p0 $0x0  }
0x98: {  	[sflag:s0] =	ssyncadd.s32 @!p0 s1  }
0x99: {  	[bflag:$0x3] =	sbarrier.arrive $0xFFFF  }
0x9a: {  	_ =	shalt  }

</sc_bundles>
